<compile_context>
chip_gen: v7x
topology: tpu7x:2x2x1
jax: 0.10.2.dev20260603
libtpu: 0.0.44.dev20260713+nightly
codegen_flags: <defaults>
</compile_context>

<pallas_src>
import functools

import jax
import jax.numpy as jnp
from jax import lax
from jax.experimental import pallas as pl
from jax.experimental.pallas import tpu as pltpu
from jax.experimental.pallas import tpu_sc as plsc

_B = 1024
_W = 2.0 / _B
_N = 16 * 512 * 512
_NW = 32
_PER_TILE = _N // _NW
_CHUNK = 16384
_NCHUNK = _PER_TILE // _CHUNK
_VEC = 16
_U = 8


_CROWS = 32


def _sc_hist_body(yt_hbm, yp_hbm, out_hbm,
                  yt0, yp0, yt1, yp1, hist, histr, sem0, sem1, sem2, sem3):
    cid = lax.axis_index("c")
    sid = lax.axis_index("s")
    wid = sid * 2 + cid
    batch = wid // 2
    row0 = (wid % 2) * 256

    bufs = [(yt0, yp0, sem0, sem1), (yt1, yp1, sem2, sem3)]

    def copies(k, slot):
        r = row0 + k * _CROWS
        yt_b, yp_b, sa, sb = bufs[slot]
        return (pltpu.make_async_copy(
                    yt_hbm.at[batch, pl.ds(r, _CROWS), :], yt_b, sa),
                pltpu.make_async_copy(
                    yp_hbm.at[batch, pl.ds(r, _CROWS), :], yp_b, sb))

    for cp in copies(0, 0):
        cp.start()

    @plsc.parallel_loop(0, (16 * _B) // _VEC, unroll=8)
    def _zero(i):
        hist[pl.ds(i * _VEC, _VEC)] = jnp.zeros((_VEC,), jnp.float32)

    planes = lax.iota(jnp.int32, _VEC) * _B
    ones = jnp.ones((_VEC,), jnp.float32)

    for k in range(_NCHUNK):
        slot = k % 2
        if k + 1 < _NCHUNK:
            for cp in copies(k + 1, 1 - slot):
                cp.start()
        for cp in copies(k, slot):
            cp.wait()
        yt_b, yp_b = bufs[slot][0], bufs[slot][1]

        @plsc.parallel_loop(0, _CROWS * (512 // _VEC), unroll=_U)
        def _vec(i, yt_b=yt_b, yp_b=yp_b):
            r = lax.shift_right_logical(i, 5)
            o = lax.shift_left(lax.bitwise_and(i, 31), 4)
            yt = yt_b[r, pl.ds(o, _VEC)]
            yp = yp_b[r, pl.ds(o, _VEC)]
            scaled = (yp + 1.0) * (_B / 2.0) - yt * (yp * float(_B) + 0.5)
            bidx = scaled.astype(jnp.int32)
            plsc.addupdate_scatter(hist, [planes + bidx], ones)

    @plsc.parallel_loop(0, _B // _VEC, unroll=2)
    def _red(j):
        acc_n = jnp.zeros((_VEC,), jnp.float32)
        for p in range(16):
            acc_n = acc_n + hist[pl.ds(p * _B + j * _VEC, _VEC)]
        histr[pl.ds(j * _VEC, _VEC)] = acc_n
    pltpu.sync_copy(histr, out_hbm.at[wid])


_sc_hist = functools.partial(
    pl.kernel,
    out_type=jax.ShapeDtypeStruct((_NW, _B), jnp.float32),
    mesh=plsc.VectorSubcoreMesh(core_axis_name="c", subcore_axis_name="s"),
    compiler_params=pltpu.CompilerParams(needs_layout_passes=False,
                                         use_tc_tiling_on_sc=True),
    scratch_types=[
        pltpu.VMEM((_CROWS, 512), jnp.float32),
        pltpu.VMEM((_CROWS, 512), jnp.float32),
        pltpu.VMEM((_CROWS, 512), jnp.float32),
        pltpu.VMEM((_CROWS, 512), jnp.float32),
        pltpu.VMEM((16 * _B,), jnp.float32),
        pltpu.VMEM((_B,), jnp.float32),
        pltpu.SemaphoreType.DMA,
        pltpu.SemaphoreType.DMA,
        pltpu.SemaphoreType.DMA,
        pltpu.SemaphoreType.DMA,
    ],
)(_sc_hist_body)


def _bce_body(yt_ref, yp_ref, acc_ref):
    yt = yt_ref[...]
    yp = yp_ref[...]
    logp = jnp.maximum(jnp.log(yp), -100.0)
    logq = jnp.maximum(jnp.log(1.0 - yp), -100.0)
    s = jnp.sum(yt * logp + logq - yt * logq)

    @pl.when(pl.program_id(0) == 0)
    def _init():
        acc_ref[0, 0] = 0.0

    acc_ref[0, 0] += s


def _bce_sum(yt3d, yp3d):
    return pl.pallas_call(
        _bce_body,
        grid=(8,),
        in_specs=[
            pl.BlockSpec((2, 512, 512), lambda i: (i, 0, 0)),
            pl.BlockSpec((2, 512, 512), lambda i: (i, 0, 0)),
        ],
        out_specs=pl.BlockSpec(memory_space=pltpu.SMEM),
        out_shape=jax.ShapeDtypeStruct((1, 1), jnp.float32),
    )(yt3d, yp3d)


def _finish_body(hist_ref, bce_ref, out_ref):
    h = hist_ref[...]
    hn = jnp.sum(h, axis=0, keepdims=True)
    pos = (lax.broadcasted_iota(jnp.int32, (1, _B), 1) < _B // 2)
    hc = jnp.where(pos, hn, 0.0)
    s1 = jnp.sum(hc)
    s2 = float(_N) - s1
    row = lax.broadcasted_iota(jnp.int32, (_B, _B), 0)
    col = lax.broadcasted_iota(jnp.int32, (_B, _B), 1)
    tri = (row >= col).astype(jnp.float32)
    hnc = jnp.concatenate([hn, hc], axis=0)
    cum = jnp.dot(hnc, tri, preferred_element_type=jnp.float32,
                  precision=lax.Precision.HIGHEST)
    ncum = cum[0:1, :]
    c1 = cum[1:2, :]
    c2 = ncum - c1

    mid = (lax.broadcasted_iota(jnp.int32, (1, _B), 1) == _B // 2)

    def jloss(s, c):
        inter = s - c
        union = s + ncum - c
        iz = (union == 0.0).astype(jnp.float32)
        j = 1.0 - (inter + iz) / jnp.maximum(union, 1.0)
        return _W * jnp.sum(j) - _W * 0.5 * jnp.sum(jnp.where(mid, j, 0.0))

    bce = -bce_ref[0, 0] / float(_N)
    out_ref[0, 0] = (jloss(s1, c1) + jloss(s2, c2)) * 0.5 + bce


def _finish(hist, bce):
    return pl.pallas_call(
        _finish_body,
        in_specs=[
            pl.BlockSpec(memory_space=pltpu.VMEM),
            pl.BlockSpec(memory_space=pltpu.SMEM),
        ],
        out_specs=pl.BlockSpec(memory_space=pltpu.SMEM),
        out_shape=jax.ShapeDtypeStruct((1, 1), jnp.float32),
    )(hist, bce)


def kernel(y_true, y_pred):
    bce = _bce_sum(y_true, y_pred)
    hist = _sc_hist(y_true, y_pred)
    out = _finish(hist, bce)
    return out[0, 0]

# --- scband reference (transcript-rebuilt; emitter-appended) ---
"""Pipeline reference for scband-lovasz-83777632075987 (READ-ONLY COPY).

The authoritative reference and input builder live on the scoring server;
editing this copy changes nothing except your own understanding.
"""

import jax, jax.numpy as jnp
import numpy as np


def lovasz_grad(gt_sorted):
    gts = jnp.sum(gt_sorted)
    intersection = gts - jnp.cumsum(gt_sorted, axis=0)
    union = gts + jnp.cumsum(1.0 - gt_sorted, axis=0)
    jaccard = 1.0 - intersection / union
    jaccard = jnp.concatenate([jaccard[:1], jaccard[1:] - jaccard[:-1]], axis=0)
    return jaccard


def lovasz_hinge_flat(logits, labels):
    signs = 2.0 * labels - 1.0
    errors = 1.0 - logits * signs
    perm = jnp.argsort(-errors)  # descending sort of errors
    errors_sorted = jnp.take(errors, perm)
    gt_sorted = jnp.take(labels, perm)
    grad = lovasz_grad(gt_sorted)
    return jnp.dot(jax.nn.relu(errors_sorted), grad)


def lovasz_hinge(logits, labels):
    return lovasz_hinge_flat(logits.reshape(-1), labels.reshape(-1))


def bce_loss(pred, target):
    # matches torch.nn.BCELoss: log terms clamped at -100, mean reduction
    logp = jnp.clip(jnp.log(pred), -100.0, None)
    logq = jnp.clip(jnp.log(1.0 - pred), -100.0, None)
    return -jnp.mean(target * logp + (1.0 - target) * logq)


def setup_inputs(seed: int = 0) -> dict:
    key = jax.random.key(seed)
    k1, k2 = jax.random.split(key)
    shape = (16, 512, 512)
    y_true = jax.random.randint(k1, shape, 0, 2).astype(jnp.float32)
    y_pred = jax.random.uniform(k2, shape, dtype=jnp.float32)
    return {"y_true": y_true, "y_pred": y_pred}


def reference(y_true, y_pred):
    a = (lovasz_hinge(y_pred, y_true) + lovasz_hinge(-y_pred, 1.0 - y_true)) / 2.0
    b = bce_loss(y_pred, y_true)
    return a + b

if __name__ == "__main__":
    import jax
    _d = setup_inputs()
    print(jax.jit(kernel)(*tuple(_d.values())))

</pallas_src>

<mosaic_0001>
#map = affine_map<(d0, d1) -> (0, 0, 0)>
#map1 = affine_map<(d0, d1) -> (0, 0)>
module attributes {stable_mosaic.version = 14 : i64} {
  func.func @_sc_hist_body(%arg0: i32, %arg1: i32, %arg2: memref<16x512x512xf32, #tpu.memory_space<hbm>>, %arg3: memref<16x512x512xf32, #tpu.memory_space<hbm>>, %arg4: memref<32x1024xf32, #tpu.memory_space<hbm>>, %arg5: memref<32x512xf32, #tpu.memory_space<vmem>>, %arg6: memref<32x512xf32, #tpu.memory_space<vmem>>, %arg7: memref<32x512xf32, #tpu.memory_space<vmem>>, %arg8: memref<32x512xf32, #tpu.memory_space<vmem>>, %arg9: memref<16384xf32, #tpu.memory_space<vmem>>, %arg10: memref<1024xf32, #tpu.memory_space<vmem>>, %arg11: memref<!tpu.dma_semaphore, #tpu.memory_space<semaphore_mem>>, %arg12: memref<!tpu.dma_semaphore, #tpu.memory_space<semaphore_mem>>, %arg13: memref<!tpu.dma_semaphore, #tpu.memory_space<semaphore_mem>>, %arg14: memref<!tpu.dma_semaphore, #tpu.memory_space<semaphore_mem>>) attributes {dimension_semantics = [#tpu.dimension_semantics<core_parallel>, #tpu.dimension_semantics<subcore_parallel>], iteration_bounds = array<i64: 2, 16>, scalar_prefetch = 0 : i64, scratch_operands = 10 : i64, tpu.core_type = #tpu.core_type<sc_vector_subcore>, window_params = [{transform_indices = #map}, {transform_indices = #map}, {transform_indices = #map1}]} {
    %mul3A = arith.constant 2 : i32
    %mul3A_0 = arith.muli %arg1, %mul3A : i32
    %add3A = arith.addi %mul3A_0, %arg0 : i32
    %jit3A = arith.constant 2 : i32
    %div3A = arith.divsi %add3A, %jit3A : i32
    %sign3A = arith.constant 0 : i32
    %sign3A_1 = arith.cmpi sgt, %add3A, %sign3A : i32
    %sign3A_2 = arith.extui %sign3A_1 : i1 to i32
    %sign3A_3 = arith.constant 0 : i32
    %sign3A_4 = arith.cmpi slt, %add3A, %sign3A_3 : i32
    %sign3A_5 = arith.extui %sign3A_4 : i1 to i32
    %sign3A_6 = arith.subi %sign3A_2, %sign3A_5 : i32
    %sign3A_7 = arith.constant 0 : i32
    %sign3A_8 = arith.cmpi sgt, %jit3A, %sign3A_7 : i32
    %sign3A_9 = arith.extui %sign3A_8 : i1 to i32
    %sign3A_10 = arith.constant 0 : i32
    %sign3A_11 = arith.cmpi slt, %jit3A, %sign3A_10 : i32
    %sign3A_12 = arith.extui %sign3A_11 : i1 to i32
    %sign3A_13 = arith.subi %sign3A_9, %sign3A_12 : i32
    %ne3A = arith.cmpi ne, %sign3A_6, %sign3A_13 : i32
    %rem3A = arith.remsi %add3A, %jit3A : i32
    %ne3A_14 = arith.constant 0 : i32
    %ne3A_15 = arith.cmpi ne, %rem3A, %ne3A_14 : i32
    %and3A = arith.andi %ne3A, %ne3A_15 : i1
    %sub3A = arith.constant 1 : i32
    %sub3A_16 = arith.subi %div3A, %sub3A : i32
    %select_n3A = arith.select %and3A, %sub3A_16, %div3A : i32
    %jit3A_17 = arith.constant 2 : i32
    %eq3A = arith.constant 0 : i32
    %eq3A_18 = arith.cmpi eq, %jit3A_17, %eq3A : i32
    %jit3A_19 = arith.constant 1 : i32
    %select_n3A_20 = arith.select %eq3A_18, %jit3A_19, %jit3A_17 : i32
    %rem3A_21 = arith.remsi %add3A, %select_n3A_20 : i32
    %ne3A_22 = arith.constant 0 : i32
    %ne3A_23 = arith.cmpi ne, %rem3A_21, %ne3A_22 : i32
    %lt3A = arith.constant 0 : i32
    %lt3A_24 = arith.cmpi slt, %rem3A_21, %lt3A : i32
    %lt3A_25 = arith.constant 0 : i32
    %lt3A_26 = arith.cmpi slt, %select_n3A_20, %lt3A_25 : i32
    %ne3A_27 = arith.xori %lt3A_24, %lt3A_26 : i1
    %and3A_28 = arith.andi %ne3A_27, %ne3A_23 : i1
    %add3A_29 = arith.addi %rem3A_21, %select_n3A_20 : i32
    %select_n3A_30 = arith.select %and3A_28, %add3A_29, %rem3A_21 : i32
    %mul3A_31 = arith.constant 256 : i32
    %mul3A_32 = arith.muli %select_n3A_30, %mul3A_31 : i32
    %add3A_33 = arith.constant 0 : i32
    %add3A_34 = arith.addi %mul3A_32, %add3A_33 : i32
    %dma_start3A = arith.constant 0 : i32
    %dma_start3A_35 = tpu.memref_slice %arg2[%select_n3A, %add3A_34, %dma_start3A] : memref<16x512x512xf32, #tpu.memory_space<hbm>> -> memref<1x32x512xf32, #tpu.memory_space<hbm>>
    %dma_start3A_36 = tpu.memref_squeeze %dma_start3A_35 : memref<1x32x512xf32, #tpu.memory_space<hbm>> -> memref<32x512xf32, #tpu.memory_space<hbm>>
    %dma_start3A_37 = arith.constant 0 : i32
    %dma_start3A_38 = tpu.memref_slice %arg2[%select_n3A, %add3A_34, %dma_start3A_37] : memref<16x512x512xf32, #tpu.memory_space<hbm>> -> memref<1x32x512xf32, #tpu.memory_space<hbm>>
    %dma_start3A_39 = tpu.memref_squeeze %dma_start3A_38 : memref<1x32x512xf32, #tpu.memory_space<hbm>> -> memref<32x512xf32, #tpu.memory_space<hbm>>
    tpu.enqueue_dma source(%dma_start3A_39 : memref<32x512xf32, #tpu.memory_space<hbm>>) target(%arg5 : memref<32x512xf32, #tpu.memory_space<vmem>>) target_semaphore(%arg11 : memref<!tpu.dma_semaphore, #tpu.memory_space<semaphore_mem>>)
    %dma_start3A_40 = arith.constant 0 : i32
    %dma_start3A_41 = tpu.memref_slice %arg3[%select_n3A, %add3A_34, %dma_start3A_40] : memref<16x512x512xf32, #tpu.memory_space<hbm>> -> memref<1x32x512xf32, #tpu.memory_space<hbm>>
    %dma_start3A_42 = tpu.memref_squeeze %dma_start3A_41 : memref<1x32x512xf32, #tpu.memory_space<hbm>> -> memref<32x512xf32, #tpu.memory_space<hbm>>
    %dma_start3A_43 = arith.constant 0 : i32
    %dma_start3A_44 = tpu.memref_slice %arg3[%select_n3A, %add3A_34, %dma_start3A_43] : memref<16x512x512xf32, #tpu.memory_space<hbm>> -> memref<1x32x512xf32, #tpu.memory_space<hbm>>
    %dma_start3A_45 = tpu.memref_squeeze %dma_start3A_44 : memref<1x32x512xf32, #tpu.memory_space<hbm>> -> memref<32x512xf32, #tpu.memory_space<hbm>>
    tpu.enqueue_dma source(%dma_start3A_45 : memref<32x512xf32, #tpu.memory_space<hbm>>) target(%arg6 : memref<32x512xf32, #tpu.memory_space<vmem>>) target_semaphore(%arg12 : memref<!tpu.dma_semaphore, #tpu.memory_space<semaphore_mem>>)
    %parallel_loop3A = arith.constant 0 : i32
    %parallel_loop3A_46 = arith.constant 1024 : i32
    %parallel_loop3A_47 = arith.constant 1 : i32
    scf.for %parallel_loop3A_288 = %parallel_loop3A to %parallel_loop3A_46 step %parallel_loop3A_47  : i32 {
      %parallel_loop3A_289 = arith.constant 0.000000e+00 : f32
      %parallel_loop3A_290 = vector.broadcast %parallel_loop3A_289 : f32 to vector<16xf32>
      %parallel_loop3A_291 = arith.constant 16 : i32
      %parallel_loop3A_292 = arith.muli %parallel_loop3A_288, %parallel_loop3A_291 : i32
      %parallel_loop3A_293 = arith.index_cast %parallel_loop3A_292 : i32 to index
      %parallel_loop3A_294 = tpu.vector_load %arg9[%parallel_loop3A_293] {strides = array<i32>} : memref<16384xf32, #tpu.memory_space<vmem>>, vector<16xf32>,
      tpu.vector_store %arg9[%parallel_loop3A_293], %parallel_loop3A_290 {strides = array<i32>} : memref<16384xf32, #tpu.memory_space<vmem>>, vector<16xf32>,
    } {sc.loop_unroll_factor = 8 : i64, sc.parallel_access}
    %iota3A = tpu.iota {dimensions = array<i32: 0>} : vector<16xi32>
    %mul3A_48 = arith.constant 1024 : i32
    %mul3A_49 = vector.broadcast %mul3A_48 : i32 to vector<16xi32>
    %mul3A_50 = arith.muli %iota3A, %mul3A_49 : vector<16xi32>
    %broadcast_in_dim3A = arith.constant 1.000000e+00 : f32
    %broadcast_in_dim3A_51 = vector.broadcast %broadcast_in_dim3A : f32 to vector<16xf32>
    %add3A_52 = arith.constant 32 : i32
    %add3A_53 = arith.addi %mul3A_32, %add3A_52 : i32
    %dma_start3A_54 = arith.constant 0 : i32
    %dma_start3A_55 = tpu.memref_slice %arg2[%select_n3A, %add3A_53, %dma_start3A_54] : memref<16x512x512xf32, #tpu.memory_space<hbm>> -> memref<1x32x512xf32, #tpu.memory_space<hbm>>
    %dma_start3A_56 = tpu.memref_squeeze %dma_start3A_55 : memref<1x32x512xf32, #tpu.memory_space<hbm>> -> memref<32x512xf32, #tpu.memory_space<hbm>>
    %dma_start3A_57 = arith.constant 0 : i32
    %dma_start3A_58 = tpu.memref_slice %arg2[%select_n3A, %add3A_53, %dma_start3A_57] : memref<16x512x512xf32, #tpu.memory_space<hbm>> -> memref<1x32x512xf32, #tpu.memory_space<hbm>>
    %dma_start3A_59 = tpu.memref_squeeze %dma_start3A_58 : memref<1x32x512xf32, #tpu.memory_space<hbm>> -> memref<32x512xf32, #tpu.memory_space<hbm>>
    tpu.enqueue_dma source(%dma_start3A_59 : memref<32x512xf32, #tpu.memory_space<hbm>>) target(%arg7 : memref<32x512xf32, #tpu.memory_space<vmem>>) target_semaphore(%arg13 : memref<!tpu.dma_semaphore, #tpu.memory_space<semaphore_mem>>)
    %dma_start3A_60 = arith.constant 0 : i32
    %dma_start3A_61 = tpu.memref_slice %arg3[%select_n3A, %add3A_53, %dma_start3A_60] : memref<16x512x512xf32, #tpu.memory_space<hbm>> -> memref<1x32x512xf32, #tpu.memory_space<hbm>>
    %dma_start3A_62 = tpu.memref_squeeze %dma_start3A_61 : memref<1x32x512xf32, #tpu.memory_space<hbm>> -> memref<32x512xf32, #tpu.memory_space<hbm>>
    %dma_start3A_63 = arith.constant 0 : i32
    %dma_start3A_64 = tpu.memref_slice %arg3[%select_n3A, %add3A_53, %dma_start3A_63] : memref<16x512x512xf32, #tpu.memory_space<hbm>> -> memref<1x32x512xf32, #tpu.memory_space<hbm>>
    %dma_start3A_65 = tpu.memref_squeeze %dma_start3A_64 : memref<1x32x512xf32, #tpu.memory_space<hbm>> -> memref<32x512xf32, #tpu.memory_space<hbm>>
    tpu.enqueue_dma source(%dma_start3A_65 : memref<32x512xf32, #tpu.memory_space<hbm>>) target(%arg8 : memref<32x512xf32, #tpu.memory_space<vmem>>) target_semaphore(%arg14 : memref<!tpu.dma_semaphore, #tpu.memory_space<semaphore_mem>>)
    %add3A_66 = arith.constant 0 : i32
    %add3A_67 = arith.addi %mul3A_32, %add3A_66 : i32
    %dma_wait3A = arith.constant 0 : i32
    %dma_wait3A_68 = tpu.memref_slice %arg2[%select_n3A, %add3A_67, %dma_wait3A] : memref<16x512x512xf32, #tpu.memory_space<hbm>> -> memref<1x32x512xf32, #tpu.memory_space<hbm>>
    %dma_wait3A_69 = tpu.memref_squeeze %dma_wait3A_68 : memref<1x32x512xf32, #tpu.memory_space<hbm>> -> memref<32x512xf32, #tpu.memory_space<hbm>>
    %dma_wait3A_70 = arith.constant 0 : i32
    %dma_wait3A_71 = tpu.memref_slice %arg2[%select_n3A, %add3A_67, %dma_wait3A_70] : memref<16x512x512xf32, #tpu.memory_space<hbm>> -> memref<1x32x512xf32, #tpu.memory_space<hbm>>
    %dma_wait3A_72 = tpu.memref_squeeze %dma_wait3A_71 : memref<1x32x512xf32, #tpu.memory_space<hbm>> -> memref<32x512xf32, #tpu.memory_space<hbm>>
    tpu.wait_dma2 semaphore(%arg11 : memref<!tpu.dma_semaphore, #tpu.memory_space<semaphore_mem>>) src(%dma_wait3A_72 : memref<32x512xf32, #tpu.memory_space<hbm>>) dst(%arg5 : memref<32x512xf32, #tpu.memory_space<vmem>>)
    %dma_wait3A_73 = arith.constant 0 : i32
    %dma_wait3A_74 = tpu.memref_slice %arg3[%select_n3A, %add3A_67, %dma_wait3A_73] : memref<16x512x512xf32, #tpu.memory_space<hbm>> -> memref<1x32x512xf32, #tpu.memory_space<hbm>>
    %dma_wait3A_75 = tpu.memref_squeeze %dma_wait3A_74 : memref<1x32x512xf32, #tpu.memory_space<hbm>> -> memref<32x512xf32, #tpu.memory_space<hbm>>
    %dma_wait3A_76 = arith.constant 0 : i32
    %dma_wait3A_77 = tpu.memref_slice %arg3[%select_n3A, %add3A_67, %dma_wait3A_76] : memref<16x512x512xf32, #tpu.memory_space<hbm>> -> memref<1x32x512xf32, #tpu.memory_space<hbm>>
    %dma_wait3A_78 = tpu.memref_squeeze %dma_wait3A_77 : memref<1x32x512xf32, #tpu.memory_space<hbm>> -> memref<32x512xf32, #tpu.memory_space<hbm>>
    tpu.wait_dma2 semaphore(%arg12 : memref<!tpu.dma_semaphore, #tpu.memory_space<semaphore_mem>>) src(%dma_wait3A_78 : memref<32x512xf32, #tpu.memory_space<hbm>>) dst(%arg6 : memref<32x512xf32, #tpu.memory_space<vmem>>)
    %parallel_loop3A_79 = arith.constant 0 : i32
    %parallel_loop3A_80 = arith.constant 1024 : i32
    %parallel_loop3A_81 = arith.constant 1 : i32
    scf.for %parallel_loop3A_288 = %parallel_loop3A_79 to %parallel_loop3A_80 step %parallel_loop3A_81  : i32 {
      %parallel_loop3A_289 = arith.constant 5 : i32
      %parallel_loop3A_290 = arith.shrui %parallel_loop3A_288, %parallel_loop3A_289 : i32
      %parallel_loop3A_291 = arith.constant 31 : i32
      %parallel_loop3A_292 = arith.andi %parallel_loop3A_288, %parallel_loop3A_291 : i32
      %parallel_loop3A_293 = arith.constant 4 : i32
      %parallel_loop3A_294 = arith.shli %parallel_loop3A_292, %parallel_loop3A_293 : i32
      %parallel_loop3A_295 = arith.index_cast %parallel_loop3A_290 : i32 to index
      %parallel_loop3A_296 = arith.index_cast %parallel_loop3A_294 : i32 to index
      %parallel_loop3A_297 = tpu.vector_load %arg5[%parallel_loop3A_295, %parallel_loop3A_296] {strides = array<i32>} : memref<32x512xf32, #tpu.memory_space<vmem>>, vector<16xf32>,
      %parallel_loop3A_298 = arith.index_cast %parallel_loop3A_290 : i32 to index
      %parallel_loop3A_299 = arith.index_cast %parallel_loop3A_294 : i32 to index
      %parallel_loop3A_300 = tpu.vector_load %arg6[%parallel_loop3A_298, %parallel_loop3A_299] {strides = array<i32>} : memref<32x512xf32, #tpu.memory_space<vmem>>, vector<16xf32>,
      %parallel_loop3A_301 = arith.constant 1.000000e+00 : f32
      %parallel_loop3A_302 = vector.broadcast %parallel_loop3A_301 : f32 to vector<16xf32>
      %parallel_loop3A_303 = arith.addf %parallel_loop3A_300, %parallel_loop3A_302 : vector<16xf32>
      %parallel_loop3A_304 = arith.constant 5.120000e+02 : f32
      %parallel_loop3A_305 = vector.broadcast %parallel_loop3A_304 : f32 to vector<16xf32>
      %parallel_loop3A_306 = arith.mulf %parallel_loop3A_303, %parallel_loop3A_305 : vector<16xf32>
      %parallel_loop3A_307 = arith.constant 1.024000e+03 : f32
      %parallel_loop3A_308 = vector.broadcast %parallel_loop3A_307 : f32 to vector<16xf32>
      %parallel_loop3A_309 = arith.mulf %parallel_loop3A_300, %parallel_loop3A_308 : vector<16xf32>
      %parallel_loop3A_310 = arith.constant 5.000000e-01 : f32
      %parallel_loop3A_311 = vector.broadcast %parallel_loop3A_310 : f32 to vector<16xf32>
      %parallel_loop3A_312 = arith.addf %parallel_loop3A_309, %parallel_loop3A_311 : vector<16xf32>
      %parallel_loop3A_313 = arith.mulf %parallel_loop3A_297, %parallel_loop3A_312 : vector<16xf32>
      %parallel_loop3A_314 = arith.subf %parallel_loop3A_306, %parallel_loop3A_313 : vector<16xf32>
      %parallel_loop3A_315 = arith.fptosi %parallel_loop3A_314 : vector<16xf32> to vector<16xi32>
      %parallel_loop3A_316 = arith.addi %mul3A_50, %parallel_loop3A_315 : vector<16xi32>
      tpu.vector_store_idx %arg9[%parallel_loop3A_316], %broadcast_in_dim3A_51 {add = true} : memref<16384xf32, #tpu.memory_space<vmem>>[vector<16xi32>], vector<16xf32>,
    } {sc.loop_unroll_factor = 8 : i64, sc.parallel_access}
    %add3A_82 = arith.constant 64 : i32
    %add3A_83 = arith.addi %mul3A_32, %add3A_82 : i32
    %dma_start3A_84 = arith.constant 0 : i32
    %dma_start3A_85 = tpu.memref_slice %arg2[%select_n3A, %add3A_83, %dma_start3A_84] : memref<16x512x512xf32, #tpu.memory_space<hbm>> -> memref<1x32x512xf32, #tpu.memory_space<hbm>>
    %dma_start3A_86 = tpu.memref_squeeze %dma_start3A_85 : memref<1x32x512xf32, #tpu.memory_space<hbm>> -> memref<32x512xf32, #tpu.memory_space<hbm>>
    %dma_start3A_87 = arith.constant 0 : i32
    %dma_start3A_88 = tpu.memref_slice %arg2[%select_n3A, %add3A_83, %dma_start3A_87] : memref<16x512x512xf32, #tpu.memory_space<hbm>> -> memref<1x32x512xf32, #tpu.memory_space<hbm>>
    %dma_start3A_89 = tpu.memref_squeeze %dma_start3A_88 : memref<1x32x512xf32, #tpu.memory_space<hbm>> -> memref<32x512xf32, #tpu.memory_space<hbm>>
    tpu.enqueue_dma source(%dma_start3A_89 : memref<32x512xf32, #tpu.memory_space<hbm>>) target(%arg5 : memref<32x512xf32, #tpu.memory_space<vmem>>) target_semaphore(%arg11 : memref<!tpu.dma_semaphore, #tpu.memory_space<semaphore_mem>>)
    %dma_start3A_90 = arith.constant 0 : i32
    %dma_start3A_91 = tpu.memref_slice %arg3[%select_n3A, %add3A_83, %dma_start3A_90] : memref<16x512x512xf32, #tpu.memory_space<hbm>> -> memref<1x32x512xf32, #tpu.memory_space<hbm>>
    %dma_start3A_92 = tpu.memref_squeeze %dma_start3A_91 : memref<1x32x512xf32, #tpu.memory_space<hbm>> -> memref<32x512xf32, #tpu.memory_space<hbm>>
    %dma_start3A_93 = arith.constant 0 : i32
    %dma_start3A_94 = tpu.memref_slice %arg3[%select_n3A, %add3A_83, %dma_start3A_93] : memref<16x512x512xf32, #tpu.memory_space<hbm>> -> memref<1x32x512xf32, #tpu.memory_space<hbm>>
    %dma_start3A_95 = tpu.memref_squeeze %dma_start3A_94 : memref<1x32x512xf32, #tpu.memory_space<hbm>> -> memref<32x512xf32, #tpu.memory_space<hbm>>
    tpu.enqueue_dma source(%dma_start3A_95 : memref<32x512xf32, #tpu.memory_space<hbm>>) target(%arg6 : memref<32x512xf32, #tpu.memory_space<vmem>>) target_semaphore(%arg12 : memref<!tpu.dma_semaphore, #tpu.memory_space<semaphore_mem>>)
    %add3A_96 = arith.constant 32 : i32
    %add3A_97 = arith.addi %mul3A_32, %add3A_96 : i32
    %dma_wait3A_98 = arith.constant 0 : i32
    %dma_wait3A_99 = tpu.memref_slice %arg2[%select_n3A, %add3A_97, %dma_wait3A_98] : memref<16x512x512xf32, #tpu.memory_space<hbm>> -> memref<1x32x512xf32, #tpu.memory_space<hbm>>
    %dma_wait3A_100 = tpu.memref_squeeze %dma_wait3A_99 : memref<1x32x512xf32, #tpu.memory_space<hbm>> -> memref<32x512xf32, #tpu.memory_space<hbm>>
    %dma_wait3A_101 = arith.constant 0 : i32
    %dma_wait3A_102 = tpu.memref_slice %arg2[%select_n3A, %add3A_97, %dma_wait3A_101] : memref<16x512x512xf32, #tpu.memory_space<hbm>> -> memref<1x32x512xf32, #tpu.memory_space<hbm>>
    %dma_wait3A_103 = tpu.memref_squeeze %dma_wait3A_102 : memref<1x32x512xf32, #tpu.memory_space<hbm>> -> memref<32x512xf32, #tpu.memory_space<hbm>>
    tpu.wait_dma2 semaphore(%arg13 : memref<!tpu.dma_semaphore, #tpu.memory_space<semaphore_mem>>) src(%dma_wait3A_103 : memref<32x512xf32, #tpu.memory_space<hbm>>) dst(%arg7 : memref<32x512xf32, #tpu.memory_space<vmem>>)
    %dma_wait3A_104 = arith.constant 0 : i32
    %dma_wait3A_105 = tpu.memref_slice %arg3[%select_n3A, %add3A_97, %dma_wait3A_104] : memref<16x512x512xf32, #tpu.memory_space<hbm>> -> memref<1x32x512xf32, #tpu.memory_space<hbm>>
    %dma_wait3A_106 = tpu.memref_squeeze %dma_wait3A_105 : memref<1x32x512xf32, #tpu.memory_space<hbm>> -> memref<32x512xf32, #tpu.memory_space<hbm>>
    %dma_wait3A_107 = arith.constant 0 : i32
    %dma_wait3A_108 = tpu.memref_slice %arg3[%select_n3A, %add3A_97, %dma_wait3A_107] : memref<16x512x512xf32, #tpu.memory_space<hbm>> -> memref<1x32x512xf32, #tpu.memory_space<hbm>>
    %dma_wait3A_109 = tpu.memref_squeeze %dma_wait3A_108 : memref<1x32x512xf32, #tpu.memory_space<hbm>> -> memref<32x512xf32, #tpu.memory_space<hbm>>
    tpu.wait_dma2 semaphore(%arg14 : memref<!tpu.dma_semaphore, #tpu.memory_space<semaphore_mem>>) src(%dma_wait3A_109 : memref<32x512xf32, #tpu.memory_space<hbm>>) dst(%arg8 : memref<32x512xf32, #tpu.memory_space<vmem>>)
    %parallel_loop3A_110 = arith.constant 0 : i32
    %parallel_loop3A_111 = arith.constant 1024 : i32
    %parallel_loop3A_112 = arith.constant 1 : i32
    scf.for %parallel_loop3A_288 = %parallel_loop3A_110 to %parallel_loop3A_111 step %parallel_loop3A_112  : i32 {
      %parallel_loop3A_289 = arith.constant 5 : i32
      %parallel_loop3A_290 = arith.shrui %parallel_loop3A_288, %parallel_loop3A_289 : i32
      %parallel_loop3A_291 = arith.constant 31 : i32
      %parallel_loop3A_292 = arith.andi %parallel_loop3A_288, %parallel_loop3A_291 : i32
      %parallel_loop3A_293 = arith.constant 4 : i32
      %parallel_loop3A_294 = arith.shli %parallel_loop3A_292, %parallel_loop3A_293 : i32
      %parallel_loop3A_295 = arith.index_cast %parallel_loop3A_290 : i32 to index
      %parallel_loop3A_296 = arith.index_cast %parallel_loop3A_294 : i32 to index
      %parallel_loop3A_297 = tpu.vector_load %arg7[%parallel_loop3A_295, %parallel_loop3A_296] {strides = array<i32>} : memref<32x512xf32, #tpu.memory_space<vmem>>, vector<16xf32>,
      %parallel_loop3A_298 = arith.index_cast %parallel_loop3A_290 : i32 to index
      %parallel_loop3A_299 = arith.index_cast %parallel_loop3A_294 : i32 to index
      %parallel_loop3A_300 = tpu.vector_load %arg8[%parallel_loop3A_298, %parallel_loop3A_299] {strides = array<i32>} : memref<32x512xf32, #tpu.memory_space<vmem>>, vector<16xf32>,
      %parallel_loop3A_301 = arith.constant 1.000000e+00 : f32
      %parallel_loop3A_302 = vector.broadcast %parallel_loop3A_301 : f32 to vector<16xf32>
      %parallel_loop3A_303 = arith.addf %parallel_loop3A_300, %parallel_loop3A_302 : vector<16xf32>
      %parallel_loop3A_304 = arith.constant 5.120000e+02 : f32
      %parallel_loop3A_305 = vector.broadcast %parallel_loop3A_304 : f32 to vector<16xf32>
      %parallel_loop3A_306 = arith.mulf %parallel_loop3A_303, %parallel_loop3A_305 : vector<16xf32>
      %parallel_loop3A_307 = arith.constant 1.024000e+03 : f32
      %parallel_loop3A_308 = vector.broadcast %parallel_loop3A_307 : f32 to vector<16xf32>
      %parallel_loop3A_309 = arith.mulf %parallel_loop3A_300, %parallel_loop3A_308 : vector<16xf32>
      %parallel_loop3A_310 = arith.constant 5.000000e-01 : f32
      %parallel_loop3A_311 = vector.broadcast %parallel_loop3A_310 : f32 to vector<16xf32>
      %parallel_loop3A_312 = arith.addf %parallel_loop3A_309, %parallel_loop3A_311 : vector<16xf32>
      %parallel_loop3A_313 = arith.mulf %parallel_loop3A_297, %parallel_loop3A_312 : vector<16xf32>
      %parallel_loop3A_314 = arith.subf %parallel_loop3A_306, %parallel_loop3A_313 : vector<16xf32>
      %parallel_loop3A_315 = arith.fptosi %parallel_loop3A_314 : vector<16xf32> to vector<16xi32>
      %parallel_loop3A_316 = arith.addi %mul3A_50, %parallel_loop3A_315 : vector<16xi32>
      tpu.vector_store_idx %arg9[%parallel_loop3A_316], %broadcast_in_dim3A_51 {add = true} : memref<16384xf32, #tpu.memory_space<vmem>>[vector<16xi32>], vector<16xf32>,
    } {sc.loop_unroll_factor = 8 : i64, sc.parallel_access}
    %add3A_113 = arith.constant 96 : i32
    %add3A_114 = arith.addi %mul3A_32, %add3A_113 : i32
    %dma_start3A_115 = arith.constant 0 : i32
    %dma_start3A_116 = tpu.memref_slice %arg2[%select_n3A, %add3A_114, %dma_start3A_115] : memref<16x512x512xf32, #tpu.memory_space<hbm>> -> memref<1x32x512xf32, #tpu.memory_space<hbm>>
    %dma_start3A_117 = tpu.memref_squeeze %dma_start3A_116 : memref<1x32x512xf32, #tpu.memory_space<hbm>> -> memref<32x512xf32, #tpu.memory_space<hbm>>
    %dma_start3A_118 = arith.constant 0 : i32
    %dma_start3A_119 = tpu.memref_slice %arg2[%select_n3A, %add3A_114, %dma_start3A_118] : memref<16x512x512xf32, #tpu.memory_space<hbm>> -> memref<1x32x512xf32, #tpu.memory_space<hbm>>
    %dma_start3A_120 = tpu.memref_squeeze %dma_start3A_119 : memref<1x32x512xf32, #tpu.memory_space<hbm>> -> memref<32x512xf32, #tpu.memory_space<hbm>>
    tpu.enqueue_dma source(%dma_start3A_120 : memref<32x512xf32, #tpu.memory_space<hbm>>) target(%arg7 : memref<32x512xf32, #tpu.memory_space<vmem>>) target_semaphore(%arg13 : memref<!tpu.dma_semaphore, #tpu.memory_space<semaphore_mem>>)
    %dma_start3A_121 = arith.constant 0 : i32
    %dma_start3A_122 = tpu.memref_slice %arg3[%select_n3A, %add3A_114, %dma_start3A_121] : memref<16x512x512xf32, #tpu.memory_space<hbm>> -> memref<1x32x512xf32, #tpu.memory_space<hbm>>
    %dma_start3A_123 = tpu.memref_squeeze %dma_start3A_122 : memref<1x32x512xf32, #tpu.memory_space<hbm>> -> memref<32x512xf32, #tpu.memory_space<hbm>>
    %dma_start3A_124 = arith.constant 0 : i32
    %dma_start3A_125 = tpu.memref_slice %arg3[%select_n3A, %add3A_114, %dma_start3A_124] : memref<16x512x512xf32, #tpu.memory_space<hbm>> -> memref<1x32x512xf32, #tpu.memory_space<hbm>>
    %dma_start3A_126 = tpu.memref_squeeze %dma_start3A_125 : memref<1x32x512xf32, #tpu.memory_space<hbm>> -> memref<32x512xf32, #tpu.memory_space<hbm>>
    tpu.enqueue_dma source(%dma_start3A_126 : memref<32x512xf32, #tpu.memory_space<hbm>>) target(%arg8 : memref<32x512xf32, #tpu.memory_space<vmem>>) target_semaphore(%arg14 : memref<!tpu.dma_semaphore, #tpu.memory_space<semaphore_mem>>)
    %add3A_127 = arith.constant 64 : i32
    %add3A_128 = arith.addi %mul3A_32, %add3A_127 : i32
    %dma_wait3A_129 = arith.constant 0 : i32
    %dma_wait3A_130 = tpu.memref_slice %arg2[%select_n3A, %add3A_128, %dma_wait3A_129] : memref<16x512x512xf32, #tpu.memory_space<hbm>> -> memref<1x32x512xf32, #tpu.memory_space<hbm>>
    %dma_wait3A_131 = tpu.memref_squeeze %dma_wait3A_130 : memref<1x32x512xf32, #tpu.memory_space<hbm>> -> memref<32x512xf32, #tpu.memory_space<hbm>>
    %dma_wait3A_132 = arith.constant 0 : i32
    %dma_wait3A_133 = tpu.memref_slice %arg2[%select_n3A, %add3A_128, %dma_wait3A_132] : memref<16x512x512xf32, #tpu.memory_space<hbm>> -> memref<1x32x512xf32, #tpu.memory_space<hbm>>
    %dma_wait3A_134 = tpu.memref_squeeze %dma_wait3A_133 : memref<1x32x512xf32, #tpu.memory_space<hbm>> -> memref<32x512xf32, #tpu.memory_space<hbm>>
    tpu.wait_dma2 semaphore(%arg11 : memref<!tpu.dma_semaphore, #tpu.memory_space<semaphore_mem>>) src(%dma_wait3A_134 : memref<32x512xf32, #tpu.memory_space<hbm>>) dst(%arg5 : memref<32x512xf32, #tpu.memory_space<vmem>>)
    %dma_wait3A_135 = arith.constant 0 : i32
    %dma_wait3A_136 = tpu.memref_slice %arg3[%select_n3A, %add3A_128, %dma_wait3A_135] : memref<16x512x512xf32, #tpu.memory_space<hbm>> -> memref<1x32x512xf32, #tpu.memory_space<hbm>>
    %dma_wait3A_137 = tpu.memref_squeeze %dma_wait3A_136 : memref<1x32x512xf32, #tpu.memory_space<hbm>> -> memref<32x512xf32, #tpu.memory_space<hbm>>
    %dma_wait3A_138 = arith.constant 0 : i32
    %dma_wait3A_139 = tpu.memref_slice %arg3[%select_n3A, %add3A_128, %dma_wait3A_138] : memref<16x512x512xf32, #tpu.memory_space<hbm>> -> memref<1x32x512xf32, #tpu.memory_space<hbm>>
    %dma_wait3A_140 = tpu.memref_squeeze %dma_wait3A_139 : memref<1x32x512xf32, #tpu.memory_space<hbm>> -> memref<32x512xf32, #tpu.memory_space<hbm>>
    tpu.wait_dma2 semaphore(%arg12 : memref<!tpu.dma_semaphore, #tpu.memory_space<semaphore_mem>>) src(%dma_wait3A_140 : memref<32x512xf32, #tpu.memory_space<hbm>>) dst(%arg6 : memref<32x512xf32, #tpu.memory_space<vmem>>)
    %parallel_loop3A_141 = arith.constant 0 : i32
    %parallel_loop3A_142 = arith.constant 1024 : i32
    %parallel_loop3A_143 = arith.constant 1 : i32
    scf.for %parallel_loop3A_288 = %parallel_loop3A_141 to %parallel_loop3A_142 step %parallel_loop3A_143  : i32 {
      %parallel_loop3A_289 = arith.constant 5 : i32
      %parallel_loop3A_290 = arith.shrui %parallel_loop3A_288, %parallel_loop3A_289 : i32
      %parallel_loop3A_291 = arith.constant 31 : i32
      %parallel_loop3A_292 = arith.andi %parallel_loop3A_288, %parallel_loop3A_291 : i32
      %parallel_loop3A_293 = arith.constant 4 : i32
      %parallel_loop3A_294 = arith.shli %parallel_loop3A_292, %parallel_loop3A_293 : i32
      %parallel_loop3A_295 = arith.index_cast %parallel_loop3A_290 : i32 to index
      %parallel_loop3A_296 = arith.index_cast %parallel_loop3A_294 : i32 to index
      %parallel_loop3A_297 = tpu.vector_load %arg5[%parallel_loop3A_295, %parallel_loop3A_296] {strides = array<i32>} : memref<32x512xf32, #tpu.memory_space<vmem>>, vector<16xf32>,
      %parallel_loop3A_298 = arith.index_cast %parallel_loop3A_290 : i32 to index
      %parallel_loop3A_299 = arith.index_cast %parallel_loop3A_294 : i32 to index
      %parallel_loop3A_300 = tpu.vector_load %arg6[%parallel_loop3A_298, %parallel_loop3A_299] {strides = array<i32>} : memref<32x512xf32, #tpu.memory_space<vmem>>, vector<16xf32>,
      %parallel_loop3A_301 = arith.constant 1.000000e+00 : f32
      %parallel_loop3A_302 = vector.broadcast %parallel_loop3A_301 : f32 to vector<16xf32>
      %parallel_loop3A_303 = arith.addf %parallel_loop3A_300, %parallel_loop3A_302 : vector<16xf32>
      %parallel_loop3A_304 = arith.constant 5.120000e+02 : f32
      %parallel_loop3A_305 = vector.broadcast %parallel_loop3A_304 : f32 to vector<16xf32>
      %parallel_loop3A_306 = arith.mulf %parallel_loop3A_303, %parallel_loop3A_305 : vector<16xf32>
      %parallel_loop3A_307 = arith.constant 1.024000e+03 : f32
      %parallel_loop3A_308 = vector.broadcast %parallel_loop3A_307 : f32 to vector<16xf32>
      %parallel_loop3A_309 = arith.mulf %parallel_loop3A_300, %parallel_loop3A_308 : vector<16xf32>
      %parallel_loop3A_310 = arith.constant 5.000000e-01 : f32
      %parallel_loop3A_311 = vector.broadcast %parallel_loop3A_310 : f32 to vector<16xf32>
      %parallel_loop3A_312 = arith.addf %parallel_loop3A_309, %parallel_loop3A_311 : vector<16xf32>
      %parallel_loop3A_313 = arith.mulf %parallel_loop3A_297, %parallel_loop3A_312 : vector<16xf32>
      %parallel_loop3A_314 = arith.subf %parallel_loop3A_306, %parallel_loop3A_313 : vector<16xf32>
      %parallel_loop3A_315 = arith.fptosi %parallel_loop3A_314 : vector<16xf32> to vector<16xi32>
      %parallel_loop3A_316 = arith.addi %mul3A_50, %parallel_loop3A_315 : vector<16xi32>
      tpu.vector_store_idx %arg9[%parallel_loop3A_316], %broadcast_in_dim3A_51 {add = true} : memref<16384xf32, #tpu.memory_space<vmem>>[vector<16xi32>], vector<16xf32>,
    } {sc.loop_unroll_factor = 8 : i64, sc.parallel_access}
    %add3A_144 = arith.constant 128 : i32
    %add3A_145 = arith.addi %mul3A_32, %add3A_144 : i32
    %dma_start3A_146 = arith.constant 0 : i32
    %dma_start3A_147 = tpu.memref_slice %arg2[%select_n3A, %add3A_145, %dma_start3A_146] : memref<16x512x512xf32, #tpu.memory_space<hbm>> -> memref<1x32x512xf32, #tpu.memory_space<hbm>>
    %dma_start3A_148 = tpu.memref_squeeze %dma_start3A_147 : memref<1x32x512xf32, #tpu.memory_space<hbm>> -> memref<32x512xf32, #tpu.memory_space<hbm>>
    %dma_start3A_149 = arith.constant 0 : i32
    %dma_start3A_150 = tpu.memref_slice %arg2[%select_n3A, %add3A_145, %dma_start3A_149] : memref<16x512x512xf32, #tpu.memory_space<hbm>> -> memref<1x32x512xf32, #tpu.memory_space<hbm>>
    %dma_start3A_151 = tpu.memref_squeeze %dma_start3A_150 : memref<1x32x512xf32, #tpu.memory_space<hbm>> -> memref<32x512xf32, #tpu.memory_space<hbm>>
    tpu.enqueue_dma source(%dma_start3A_151 : memref<32x512xf32, #tpu.memory_space<hbm>>) target(%arg5 : memref<32x512xf32, #tpu.memory_space<vmem>>) target_semaphore(%arg11 : memref<!tpu.dma_semaphore, #tpu.memory_space<semaphore_mem>>)
    %dma_start3A_152 = arith.constant 0 : i32
    %dma_start3A_153 = tpu.memref_slice %arg3[%select_n3A, %add3A_145, %dma_start3A_152] : memref<16x512x512xf32, #tpu.memory_space<hbm>> -> memref<1x32x512xf32, #tpu.memory_space<hbm>>
    %dma_start3A_154 = tpu.memref_squeeze %dma_start3A_153 : memref<1x32x512xf32, #tpu.memory_space<hbm>> -> memref<32x512xf32, #tpu.memory_space<hbm>>
    %dma_start3A_155 = arith.constant 0 : i32
    %dma_start3A_156 = tpu.memref_slice %arg3[%select_n3A, %add3A_145, %dma_start3A_155] : memref<16x512x512xf32, #tpu.memory_space<hbm>> -> memref<1x32x512xf32, #tpu.memory_space<hbm>>
    %dma_start3A_157 = tpu.memref_squeeze %dma_start3A_156 : memref<1x32x512xf32, #tpu.memory_space<hbm>> -> memref<32x512xf32, #tpu.memory_space<hbm>>
    tpu.enqueue_dma source(%dma_start3A_157 : memref<32x512xf32, #tpu.memory_space<hbm>>) target(%arg6 : memref<32x512xf32, #tpu.memory_space<vmem>>) target_semaphore(%arg12 : memref<!tpu.dma_semaphore, #tpu.memory_space<semaphore_mem>>)
    %add3A_158 = arith.constant 96 : i32
    %add3A_159 = arith.addi %mul3A_32, %add3A_158 : i32
    %dma_wait3A_160 = arith.constant 0 : i32
    %dma_wait3A_161 = tpu.memref_slice %arg2[%select_n3A, %add3A_159, %dma_wait3A_160] : memref<16x512x512xf32, #tpu.memory_space<hbm>> -> memref<1x32x512xf32, #tpu.memory_space<hbm>>
    %dma_wait3A_162 = tpu.memref_squeeze %dma_wait3A_161 : memref<1x32x512xf32, #tpu.memory_space<hbm>> -> memref<32x512xf32, #tpu.memory_space<hbm>>
    %dma_wait3A_163 = arith.constant 0 : i32
    %dma_wait3A_164 = tpu.memref_slice %arg2[%select_n3A, %add3A_159, %dma_wait3A_163] : memref<16x512x512xf32, #tpu.memory_space<hbm>> -> memref<1x32x512xf32, #tpu.memory_space<hbm>>
    %dma_wait3A_165 = tpu.memref_squeeze %dma_wait3A_164 : memref<1x32x512xf32, #tpu.memory_space<hbm>> -> memref<32x512xf32, #tpu.memory_space<hbm>>
    tpu.wait_dma2 semaphore(%arg13 : memref<!tpu.dma_semaphore, #tpu.memory_space<semaphore_mem>>) src(%dma_wait3A_165 : memref<32x512xf32, #tpu.memory_space<hbm>>) dst(%arg7 : memref<32x512xf32, #tpu.memory_space<vmem>>)
    %dma_wait3A_166 = arith.constant 0 : i32
    %dma_wait3A_167 = tpu.memref_slice %arg3[%select_n3A, %add3A_159, %dma_wait3A_166] : memref<16x512x512xf32, #tpu.memory_space<hbm>> -> memref<1x32x512xf32, #tpu.memory_space<hbm>>
    %dma_wait3A_168 = tpu.memref_squeeze %dma_wait3A_167 : memref<1x32x512xf32, #tpu.memory_space<hbm>> -> memref<32x512xf32, #tpu.memory_space<hbm>>
    %dma_wait3A_169 = arith.constant 0 : i32
    %dma_wait3A_170 = tpu.memref_slice %arg3[%select_n3A, %add3A_159, %dma_wait3A_169] : memref<16x512x512xf32, #tpu.memory_space<hbm>> -> memref<1x32x512xf32, #tpu.memory_space<hbm>>
    %dma_wait3A_171 = tpu.memref_squeeze %dma_wait3A_170 : memref<1x32x512xf32, #tpu.memory_space<hbm>> -> memref<32x512xf32, #tpu.memory_space<hbm>>
    tpu.wait_dma2 semaphore(%arg14 : memref<!tpu.dma_semaphore, #tpu.memory_space<semaphore_mem>>) src(%dma_wait3A_171 : memref<32x512xf32, #tpu.memory_space<hbm>>) dst(%arg8 : memref<32x512xf32, #tpu.memory_space<vmem>>)
    %parallel_loop3A_172 = arith.constant 0 : i32
    %parallel_loop3A_173 = arith.constant 1024 : i32
    %parallel_loop3A_174 = arith.constant 1 : i32
    scf.for %parallel_loop3A_288 = %parallel_loop3A_172 to %parallel_loop3A_173 step %parallel_loop3A_174  : i32 {
      %parallel_loop3A_289 = arith.constant 5 : i32
      %parallel_loop3A_290 = arith.shrui %parallel_loop3A_288, %parallel_loop3A_289 : i32
      %parallel_loop3A_291 = arith.constant 31 : i32
      %parallel_loop3A_292 = arith.andi %parallel_loop3A_288, %parallel_loop3A_291 : i32
      %parallel_loop3A_293 = arith.constant 4 : i32
      %parallel_loop3A_294 = arith.shli %parallel_loop3A_292, %parallel_loop3A_293 : i32
      %parallel_loop3A_295 = arith.index_cast %parallel_loop3A_290 : i32 to index
      %parallel_loop3A_296 = arith.index_cast %parallel_loop3A_294 : i32 to index
      %parallel_loop3A_297 = tpu.vector_load %arg7[%parallel_loop3A_295, %parallel_loop3A_296] {strides = array<i32>} : memref<32x512xf32, #tpu.memory_space<vmem>>, vector<16xf32>,
      %parallel_loop3A_298 = arith.index_cast %parallel_loop3A_290 : i32 to index
      %parallel_loop3A_299 = arith.index_cast %parallel_loop3A_294 : i32 to index
      %parallel_loop3A_300 = tpu.vector_load %arg8[%parallel_loop3A_298, %parallel_loop3A_299] {strides = array<i32>} : memref<32x512xf32, #tpu.memory_space<vmem>>, vector<16xf32>,
      %parallel_loop3A_301 = arith.constant 1.000000e+00 : f32
      %parallel_loop3A_302 = vector.broadcast %parallel_loop3A_301 : f32 to vector<16xf32>
      %parallel_loop3A_303 = arith.addf %parallel_loop3A_300, %parallel_loop3A_302 : vector<16xf32>
      %parallel_loop3A_304 = arith.constant 5.120000e+02 : f32
      %parallel_loop3A_305 = vector.broadcast %parallel_loop3A_304 : f32 to vector<16xf32>
      %parallel_loop3A_306 = arith.mulf %parallel_loop3A_303, %parallel_loop3A_305 : vector<16xf32>
      %parallel_loop3A_307 = arith.constant 1.024000e+03 : f32
      %parallel_loop3A_308 = vector.broadcast %parallel_loop3A_307 : f32 to vector<16xf32>
      %parallel_loop3A_309 = arith.mulf %parallel_loop3A_300, %parallel_loop3A_308 : vector<16xf32>
      %parallel_loop3A_310 = arith.constant 5.000000e-01 : f32
      %parallel_loop3A_311 = vector.broadcast %parallel_loop3A_310 : f32 to vector<16xf32>
      %parallel_loop3A_312 = arith.addf %parallel_loop3A_309, %parallel_loop3A_311 : vector<16xf32>
      %parallel_loop3A_313 = arith.mulf %parallel_loop3A_297, %parallel_loop3A_312 : vector<16xf32>
      %parallel_loop3A_314 = arith.subf %parallel_loop3A_306, %parallel_loop3A_313 : vector<16xf32>
      %parallel_loop3A_315 = arith.fptosi %parallel_loop3A_314 : vector<16xf32> to vector<16xi32>
      %parallel_loop3A_316 = arith.addi %mul3A_50, %parallel_loop3A_315 : vector<16xi32>
      tpu.vector_store_idx %arg9[%parallel_loop3A_316], %broadcast_in_dim3A_51 {add = true} : memref<16384xf32, #tpu.memory_space<vmem>>[vector<16xi32>], vector<16xf32>,
    } {sc.loop_unroll_factor = 8 : i64, sc.parallel_access}
    %add3A_175 = arith.constant 160 : i32
    %add3A_176 = arith.addi %mul3A_32, %add3A_175 : i32
    %dma_start3A_177 = arith.constant 0 : i32
    %dma_start3A_178 = tpu.memref_slice %arg2[%select_n3A, %add3A_176, %dma_start3A_177] : memref<16x512x512xf32, #tpu.memory_space<hbm>> -> memref<1x32x512xf32, #tpu.memory_space<hbm>>
    %dma_start3A_179 = tpu.memref_squeeze %dma_start3A_178 : memref<1x32x512xf32, #tpu.memory_space<hbm>> -> memref<32x512xf32, #tpu.memory_space<hbm>>
    %dma_start3A_180 = arith.constant 0 : i32
    %dma_start3A_181 = tpu.memref_slice %arg2[%select_n3A, %add3A_176, %dma_start3A_180] : memref<16x512x512xf32, #tpu.memory_space<hbm>> -> memref<1x32x512xf32, #tpu.memory_space<hbm>>
    %dma_start3A_182 = tpu.memref_squeeze %dma_start3A_181 : memref<1x32x512xf32, #tpu.memory_space<hbm>> -> memref<32x512xf32, #tpu.memory_space<hbm>>
    tpu.enqueue_dma source(%dma_start3A_182 : memref<32x512xf32, #tpu.memory_space<hbm>>) target(%arg7 : memref<32x512xf32, #tpu.memory_space<vmem>>) target_semaphore(%arg13 : memref<!tpu.dma_semaphore, #tpu.memory_space<semaphore_mem>>)
    %dma_start3A_183 = arith.constant 0 : i32
    %dma_start3A_184 = tpu.memref_slice %arg3[%select_n3A, %add3A_176, %dma_start3A_183] : memref<16x512x512xf32, #tpu.memory_space<hbm>> -> memref<1x32x512xf32, #tpu.memory_space<hbm>>
    %dma_start3A_185 = tpu.memref_squeeze %dma_start3A_184 : memref<1x32x512xf32, #tpu.memory_space<hbm>> -> memref<32x512xf32, #tpu.memory_space<hbm>>
    %dma_start3A_186 = arith.constant 0 : i32
    %dma_start3A_187 = tpu.memref_slice %arg3[%select_n3A, %add3A_176, %dma_start3A_186] : memref<16x512x512xf32, #tpu.memory_space<hbm>> -> memref<1x32x512xf32, #tpu.memory_space<hbm>>
    %dma_start3A_188 = tpu.memref_squeeze %dma_start3A_187 : memref<1x32x512xf32, #tpu.memory_space<hbm>> -> memref<32x512xf32, #tpu.memory_space<hbm>>
    tpu.enqueue_dma source(%dma_start3A_188 : memref<32x512xf32, #tpu.memory_space<hbm>>) target(%arg8 : memref<32x512xf32, #tpu.memory_space<vmem>>) target_semaphore(%arg14 : memref<!tpu.dma_semaphore, #tpu.memory_space<semaphore_mem>>)
    %add3A_189 = arith.constant 128 : i32
    %add3A_190 = arith.addi %mul3A_32, %add3A_189 : i32
    %dma_wait3A_191 = arith.constant 0 : i32
    %dma_wait3A_192 = tpu.memref_slice %arg2[%select_n3A, %add3A_190, %dma_wait3A_191] : memref<16x512x512xf32, #tpu.memory_space<hbm>> -> memref<1x32x512xf32, #tpu.memory_space<hbm>>
    %dma_wait3A_193 = tpu.memref_squeeze %dma_wait3A_192 : memref<1x32x512xf32, #tpu.memory_space<hbm>> -> memref<32x512xf32, #tpu.memory_space<hbm>>
    %dma_wait3A_194 = arith.constant 0 : i32
    %dma_wait3A_195 = tpu.memref_slice %arg2[%select_n3A, %add3A_190, %dma_wait3A_194] : memref<16x512x512xf32, #tpu.memory_space<hbm>> -> memref<1x32x512xf32, #tpu.memory_space<hbm>>
    %dma_wait3A_196 = tpu.memref_squeeze %dma_wait3A_195 : memref<1x32x512xf32, #tpu.memory_space<hbm>> -> memref<32x512xf32, #tpu.memory_space<hbm>>
    tpu.wait_dma2 semaphore(%arg11 : memref<!tpu.dma_semaphore, #tpu.memory_space<semaphore_mem>>) src(%dma_wait3A_196 : memref<32x512xf32, #tpu.memory_space<hbm>>) dst(%arg5 : memref<32x512xf32, #tpu.memory_space<vmem>>)
    %dma_wait3A_197 = arith.constant 0 : i32
    %dma_wait3A_198 = tpu.memref_slice %arg3[%select_n3A, %add3A_190, %dma_wait3A_197] : memref<16x512x512xf32, #tpu.memory_space<hbm>> -> memref<1x32x512xf32, #tpu.memory_space<hbm>>
    %dma_wait3A_199 = tpu.memref_squeeze %dma_wait3A_198 : memref<1x32x512xf32, #tpu.memory_space<hbm>> -> memref<32x512xf32, #tpu.memory_space<hbm>>
    %dma_wait3A_200 = arith.constant 0 : i32
    %dma_wait3A_201 = tpu.memref_slice %arg3[%select_n3A, %add3A_190, %dma_wait3A_200] : memref<16x512x512xf32, #tpu.memory_space<hbm>> -> memref<1x32x512xf32, #tpu.memory_space<hbm>>
    %dma_wait3A_202 = tpu.memref_squeeze %dma_wait3A_201 : memref<1x32x512xf32, #tpu.memory_space<hbm>> -> memref<32x512xf32, #tpu.memory_space<hbm>>
    tpu.wait_dma2 semaphore(%arg12 : memref<!tpu.dma_semaphore, #tpu.memory_space<semaphore_mem>>) src(%dma_wait3A_202 : memref<32x512xf32, #tpu.memory_space<hbm>>) dst(%arg6 : memref<32x512xf32, #tpu.memory_space<vmem>>)
    %parallel_loop3A_203 = arith.constant 0 : i32
    %parallel_loop3A_204 = arith.constant 1024 : i32
    %parallel_loop3A_205 = arith.constant 1 : i32
    scf.for %parallel_loop3A_288 = %parallel_loop3A_203 to %parallel_loop3A_204 step %parallel_loop3A_205  : i32 {
      %parallel_loop3A_289 = arith.constant 5 : i32
      %parallel_loop3A_290 = arith.shrui %parallel_loop3A_288, %parallel_loop3A_289 : i32
      %parallel_loop3A_291 = arith.constant 31 : i32
      %parallel_loop3A_292 = arith.andi %parallel_loop3A_288, %parallel_loop3A_291 : i32
      %parallel_loop3A_293 = arith.constant 4 : i32
      %parallel_loop3A_294 = arith.shli %parallel_loop3A_292, %parallel_loop3A_293 : i32
      %parallel_loop3A_295 = arith.index_cast %parallel_loop3A_290 : i32 to index
      %parallel_loop3A_296 = arith.index_cast %parallel_loop3A_294 : i32 to index
      %parallel_loop3A_297 = tpu.vector_load %arg5[%parallel_loop3A_295, %parallel_loop3A_296] {strides = array<i32>} : memref<32x512xf32, #tpu.memory_space<vmem>>, vector<16xf32>,
      %parallel_loop3A_298 = arith.index_cast %parallel_loop3A_290 : i32 to index
      %parallel_loop3A_299 = arith.index_cast %parallel_loop3A_294 : i32 to index
      %parallel_loop3A_300 = tpu.vector_load %arg6[%parallel_loop3A_298, %parallel_loop3A_299] {strides = array<i32>} : memref<32x512xf32, #tpu.memory_space<vmem>>, vector<16xf32>,
      %parallel_loop3A_301 = arith.constant 1.000000e+00 : f32
      %parallel_loop3A_302 = vector.broadcast %parallel_loop3A_301 : f32 to vector<16xf32>
      %parallel_loop3A_303 = arith.addf %parallel_loop3A_300, %parallel_loop3A_302 : vector<16xf32>
      %parallel_loop3A_304 = arith.constant 5.120000e+02 : f32
      %parallel_loop3A_305 = vector.broadcast %parallel_loop3A_304 : f32 to vector<16xf32>
      %parallel_loop3A_306 = arith.mulf %parallel_loop3A_303, %parallel_loop3A_305 : vector<16xf32>
      %parallel_loop3A_307 = arith.constant 1.024000e+03 : f32
      %parallel_loop3A_308 = vector.broadcast %parallel_loop3A_307 : f32 to vector<16xf32>
      %parallel_loop3A_309 = arith.mulf %parallel_loop3A_300, %parallel_loop3A_308 : vector<16xf32>
      %parallel_loop3A_310 = arith.constant 5.000000e-01 : f32
      %parallel_loop3A_311 = vector.broadcast %parallel_loop3A_310 : f32 to vector<16xf32>
      %parallel_loop3A_312 = arith.addf %parallel_loop3A_309, %parallel_loop3A_311 : vector<16xf32>
      %parallel_loop3A_313 = arith.mulf %parallel_loop3A_297, %parallel_loop3A_312 : vector<16xf32>
      %parallel_loop3A_314 = arith.subf %parallel_loop3A_306, %parallel_loop3A_313 : vector<16xf32>
      %parallel_loop3A_315 = arith.fptosi %parallel_loop3A_314 : vector<16xf32> to vector<16xi32>
      %parallel_loop3A_316 = arith.addi %mul3A_50, %parallel_loop3A_315 : vector<16xi32>
      tpu.vector_store_idx %arg9[%parallel_loop3A_316], %broadcast_in_dim3A_51 {add = true} : memref<16384xf32, #tpu.memory_space<vmem>>[vector<16xi32>], vector<16xf32>,
    } {sc.loop_unroll_factor = 8 : i64, sc.parallel_access}
    %add3A_206 = arith.constant 192 : i32
    %add3A_207 = arith.addi %mul3A_32, %add3A_206 : i32
    %dma_start3A_208 = arith.constant 0 : i32
    %dma_start3A_209 = tpu.memref_slice %arg2[%select_n3A, %add3A_207, %dma_start3A_208] : memref<16x512x512xf32, #tpu.memory_space<hbm>> -> memref<1x32x512xf32, #tpu.memory_space<hbm>>
    %dma_start3A_210 = tpu.memref_squeeze %dma_start3A_209 : memref<1x32x512xf32, #tpu.memory_space<hbm>> -> memref<32x512xf32, #tpu.memory_space<hbm>>
    %dma_start3A_211 = arith.constant 0 : i32
    %dma_start3A_212 = tpu.memref_slice %arg2[%select_n3A, %add3A_207, %dma_start3A_211] : memref<16x512x512xf32, #tpu.memory_space<hbm>> -> memref<1x32x512xf32, #tpu.memory_space<hbm>>
    %dma_start3A_213 = tpu.memref_squeeze %dma_start3A_212 : memref<1x32x512xf32, #tpu.memory_space<hbm>> -> memref<32x512xf32, #tpu.memory_space<hbm>>
    tpu.enqueue_dma source(%dma_start3A_213 : memref<32x512xf32, #tpu.memory_space<hbm>>) target(%arg5 : memref<32x512xf32, #tpu.memory_space<vmem>>) target_semaphore(%arg11 : memref<!tpu.dma_semaphore, #tpu.memory_space<semaphore_mem>>)
    %dma_start3A_214 = arith.constant 0 : i32
    %dma_start3A_215 = tpu.memref_slice %arg3[%select_n3A, %add3A_207, %dma_start3A_214] : memref<16x512x512xf32, #tpu.memory_space<hbm>> -> memref<1x32x512xf32, #tpu.memory_space<hbm>>
    %dma_start3A_216 = tpu.memref_squeeze %dma_start3A_215 : memref<1x32x512xf32, #tpu.memory_space<hbm>> -> memref<32x512xf32, #tpu.memory_space<hbm>>
    %dma_start3A_217 = arith.constant 0 : i32
    %dma_start3A_218 = tpu.memref_slice %arg3[%select_n3A, %add3A_207, %dma_start3A_217] : memref<16x512x512xf32, #tpu.memory_space<hbm>> -> memref<1x32x512xf32, #tpu.memory_space<hbm>>
    %dma_start3A_219 = tpu.memref_squeeze %dma_start3A_218 : memref<1x32x512xf32, #tpu.memory_space<hbm>> -> memref<32x512xf32, #tpu.memory_space<hbm>>
    tpu.enqueue_dma source(%dma_start3A_219 : memref<32x512xf32, #tpu.memory_space<hbm>>) target(%arg6 : memref<32x512xf32, #tpu.memory_space<vmem>>) target_semaphore(%arg12 : memref<!tpu.dma_semaphore, #tpu.memory_space<semaphore_mem>>)
    %add3A_220 = arith.constant 160 : i32
    %add3A_221 = arith.addi %mul3A_32, %add3A_220 : i32
    %dma_wait3A_222 = arith.constant 0 : i32
    %dma_wait3A_223 = tpu.memref_slice %arg2[%select_n3A, %add3A_221, %dma_wait3A_222] : memref<16x512x512xf32, #tpu.memory_space<hbm>> -> memref<1x32x512xf32, #tpu.memory_space<hbm>>
    %dma_wait3A_224 = tpu.memref_squeeze %dma_wait3A_223 : memref<1x32x512xf32, #tpu.memory_space<hbm>> -> memref<32x512xf32, #tpu.memory_space<hbm>>
    %dma_wait3A_225 = arith.constant 0 : i32
    %dma_wait3A_226 = tpu.memref_slice %arg2[%select_n3A, %add3A_221, %dma_wait3A_225] : memref<16x512x512xf32, #tpu.memory_space<hbm>> -> memref<1x32x512xf32, #tpu.memory_space<hbm>>
    %dma_wait3A_227 = tpu.memref_squeeze %dma_wait3A_226 : memref<1x32x512xf32, #tpu.memory_space<hbm>> -> memref<32x512xf32, #tpu.memory_space<hbm>>
    tpu.wait_dma2 semaphore(%arg13 : memref<!tpu.dma_semaphore, #tpu.memory_space<semaphore_mem>>) src(%dma_wait3A_227 : memref<32x512xf32, #tpu.memory_space<hbm>>) dst(%arg7 : memref<32x512xf32, #tpu.memory_space<vmem>>)
    %dma_wait3A_228 = arith.constant 0 : i32
    %dma_wait3A_229 = tpu.memref_slice %arg3[%select_n3A, %add3A_221, %dma_wait3A_228] : memref<16x512x512xf32, #tpu.memory_space<hbm>> -> memref<1x32x512xf32, #tpu.memory_space<hbm>>
    %dma_wait3A_230 = tpu.memref_squeeze %dma_wait3A_229 : memref<1x32x512xf32, #tpu.memory_space<hbm>> -> memref<32x512xf32, #tpu.memory_space<hbm>>
    %dma_wait3A_231 = arith.constant 0 : i32
    %dma_wait3A_232 = tpu.memref_slice %arg3[%select_n3A, %add3A_221, %dma_wait3A_231] : memref<16x512x512xf32, #tpu.memory_space<hbm>> -> memref<1x32x512xf32, #tpu.memory_space<hbm>>
    %dma_wait3A_233 = tpu.memref_squeeze %dma_wait3A_232 : memref<1x32x512xf32, #tpu.memory_space<hbm>> -> memref<32x512xf32, #tpu.memory_space<hbm>>
    tpu.wait_dma2 semaphore(%arg14 : memref<!tpu.dma_semaphore, #tpu.memory_space<semaphore_mem>>) src(%dma_wait3A_233 : memref<32x512xf32, #tpu.memory_space<hbm>>) dst(%arg8 : memref<32x512xf32, #tpu.memory_space<vmem>>)
    %parallel_loop3A_234 = arith.constant 0 : i32
    %parallel_loop3A_235 = arith.constant 1024 : i32
    %parallel_loop3A_236 = arith.constant 1 : i32
    scf.for %parallel_loop3A_288 = %parallel_loop3A_234 to %parallel_loop3A_235 step %parallel_loop3A_236  : i32 {
      %parallel_loop3A_289 = arith.constant 5 : i32
      %parallel_loop3A_290 = arith.shrui %parallel_loop3A_288, %parallel_loop3A_289 : i32
      %parallel_loop3A_291 = arith.constant 31 : i32
      %parallel_loop3A_292 = arith.andi %parallel_loop3A_288, %parallel_loop3A_291 : i32
      %parallel_loop3A_293 = arith.constant 4 : i32
      %parallel_loop3A_294 = arith.shli %parallel_loop3A_292, %parallel_loop3A_293 : i32
      %parallel_loop3A_295 = arith.index_cast %parallel_loop3A_290 : i32 to index
      %parallel_loop3A_296 = arith.index_cast %parallel_loop3A_294 : i32 to index
      %parallel_loop3A_297 = tpu.vector_load %arg7[%parallel_loop3A_295, %parallel_loop3A_296] {strides = array<i32>} : memref<32x512xf32, #tpu.memory_space<vmem>>, vector<16xf32>,
      %parallel_loop3A_298 = arith.index_cast %parallel_loop3A_290 : i32 to index
      %parallel_loop3A_299 = arith.index_cast %parallel_loop3A_294 : i32 to index
      %parallel_loop3A_300 = tpu.vector_load %arg8[%parallel_loop3A_298, %parallel_loop3A_299] {strides = array<i32>} : memref<32x512xf32, #tpu.memory_space<vmem>>, vector<16xf32>,
      %parallel_loop3A_301 = arith.constant 1.000000e+00 : f32
      %parallel_loop3A_302 = vector.broadcast %parallel_loop3A_301 : f32 to vector<16xf32>
      %parallel_loop3A_303 = arith.addf %parallel_loop3A_300, %parallel_loop3A_302 : vector<16xf32>
      %parallel_loop3A_304 = arith.constant 5.120000e+02 : f32
      %parallel_loop3A_305 = vector.broadcast %parallel_loop3A_304 : f32 to vector<16xf32>
      %parallel_loop3A_306 = arith.mulf %parallel_loop3A_303, %parallel_loop3A_305 : vector<16xf32>
      %parallel_loop3A_307 = arith.constant 1.024000e+03 : f32
      %parallel_loop3A_308 = vector.broadcast %parallel_loop3A_307 : f32 to vector<16xf32>
      %parallel_loop3A_309 = arith.mulf %parallel_loop3A_300, %parallel_loop3A_308 : vector<16xf32>
      %parallel_loop3A_310 = arith.constant 5.000000e-01 : f32
      %parallel_loop3A_311 = vector.broadcast %parallel_loop3A_310 : f32 to vector<16xf32>
      %parallel_loop3A_312 = arith.addf %parallel_loop3A_309, %parallel_loop3A_311 : vector<16xf32>
      %parallel_loop3A_313 = arith.mulf %parallel_loop3A_297, %parallel_loop3A_312 : vector<16xf32>
      %parallel_loop3A_314 = arith.subf %parallel_loop3A_306, %parallel_loop3A_313 : vector<16xf32>
      %parallel_loop3A_315 = arith.fptosi %parallel_loop3A_314 : vector<16xf32> to vector<16xi32>
      %parallel_loop3A_316 = arith.addi %mul3A_50, %parallel_loop3A_315 : vector<16xi32>
      tpu.vector_store_idx %arg9[%parallel_loop3A_316], %broadcast_in_dim3A_51 {add = true} : memref<16384xf32, #tpu.memory_space<vmem>>[vector<16xi32>], vector<16xf32>,
    } {sc.loop_unroll_factor = 8 : i64, sc.parallel_access}
    %add3A_237 = arith.constant 224 : i32
    %add3A_238 = arith.addi %mul3A_32, %add3A_237 : i32
    %dma_start3A_239 = arith.constant 0 : i32
    %dma_start3A_240 = tpu.memref_slice %arg2[%select_n3A, %add3A_238, %dma_start3A_239] : memref<16x512x512xf32, #tpu.memory_space<hbm>> -> memref<1x32x512xf32, #tpu.memory_space<hbm>>
    %dma_start3A_241 = tpu.memref_squeeze %dma_start3A_240 : memref<1x32x512xf32, #tpu.memory_space<hbm>> -> memref<32x512xf32, #tpu.memory_space<hbm>>
    %dma_start3A_242 = arith.constant 0 : i32
    %dma_start3A_243 = tpu.memref_slice %arg2[%select_n3A, %add3A_238, %dma_start3A_242] : memref<16x512x512xf32, #tpu.memory_space<hbm>> -> memref<1x32x512xf32, #tpu.memory_space<hbm>>
    %dma_start3A_244 = tpu.memref_squeeze %dma_start3A_243 : memref<1x32x512xf32, #tpu.memory_space<hbm>> -> memref<32x512xf32, #tpu.memory_space<hbm>>
    tpu.enqueue_dma source(%dma_start3A_244 : memref<32x512xf32, #tpu.memory_space<hbm>>) target(%arg7 : memref<32x512xf32, #tpu.memory_space<vmem>>) target_semaphore(%arg13 : memref<!tpu.dma_semaphore, #tpu.memory_space<semaphore_mem>>)
    %dma_start3A_245 = arith.constant 0 : i32
    %dma_start3A_246 = tpu.memref_slice %arg3[%select_n3A, %add3A_238, %dma_start3A_245] : memref<16x512x512xf32, #tpu.memory_space<hbm>> -> memref<1x32x512xf32, #tpu.memory_space<hbm>>
    %dma_start3A_247 = tpu.memref_squeeze %dma_start3A_246 : memref<1x32x512xf32, #tpu.memory_space<hbm>> -> memref<32x512xf32, #tpu.memory_space<hbm>>
    %dma_start3A_248 = arith.constant 0 : i32
    %dma_start3A_249 = tpu.memref_slice %arg3[%select_n3A, %add3A_238, %dma_start3A_248] : memref<16x512x512xf32, #tpu.memory_space<hbm>> -> memref<1x32x512xf32, #tpu.memory_space<hbm>>
    %dma_start3A_250 = tpu.memref_squeeze %dma_start3A_249 : memref<1x32x512xf32, #tpu.memory_space<hbm>> -> memref<32x512xf32, #tpu.memory_space<hbm>>
    tpu.enqueue_dma source(%dma_start3A_250 : memref<32x512xf32, #tpu.memory_space<hbm>>) target(%arg8 : memref<32x512xf32, #tpu.memory_space<vmem>>) target_semaphore(%arg14 : memref<!tpu.dma_semaphore, #tpu.memory_space<semaphore_mem>>)
    %add3A_251 = arith.constant 192 : i32
    %add3A_252 = arith.addi %mul3A_32, %add3A_251 : i32
    %dma_wait3A_253 = arith.constant 0 : i32
    %dma_wait3A_254 = tpu.memref_slice %arg2[%select_n3A, %add3A_252, %dma_wait3A_253] : memref<16x512x512xf32, #tpu.memory_space<hbm>> -> memref<1x32x512xf32, #tpu.memory_space<hbm>>
    %dma_wait3A_255 = tpu.memref_squeeze %dma_wait3A_254 : memref<1x32x512xf32, #tpu.memory_space<hbm>> -> memref<32x512xf32, #tpu.memory_space<hbm>>
    %dma_wait3A_256 = arith.constant 0 : i32
    %dma_wait3A_257 = tpu.memref_slice %arg2[%select_n3A, %add3A_252, %dma_wait3A_256] : memref<16x512x512xf32, #tpu.memory_space<hbm>> -> memref<1x32x512xf32, #tpu.memory_space<hbm>>
    %dma_wait3A_258 = tpu.memref_squeeze %dma_wait3A_257 : memref<1x32x512xf32, #tpu.memory_space<hbm>> -> memref<32x512xf32, #tpu.memory_space<hbm>>
    tpu.wait_dma2 semaphore(%arg11 : memref<!tpu.dma_semaphore, #tpu.memory_space<semaphore_mem>>) src(%dma_wait3A_258 : memref<32x512xf32, #tpu.memory_space<hbm>>) dst(%arg5 : memref<32x512xf32, #tpu.memory_space<vmem>>)
    %dma_wait3A_259 = arith.constant 0 : i32
    %dma_wait3A_260 = tpu.memref_slice %arg3[%select_n3A, %add3A_252, %dma_wait3A_259] : memref<16x512x512xf32, #tpu.memory_space<hbm>> -> memref<1x32x512xf32, #tpu.memory_space<hbm>>
    %dma_wait3A_261 = tpu.memref_squeeze %dma_wait3A_260 : memref<1x32x512xf32, #tpu.memory_space<hbm>> -> memref<32x512xf32, #tpu.memory_space<hbm>>
    %dma_wait3A_262 = arith.constant 0 : i32
    %dma_wait3A_263 = tpu.memref_slice %arg3[%select_n3A, %add3A_252, %dma_wait3A_262] : memref<16x512x512xf32, #tpu.memory_space<hbm>> -> memref<1x32x512xf32, #tpu.memory_space<hbm>>
    %dma_wait3A_264 = tpu.memref_squeeze %dma_wait3A_263 : memref<1x32x512xf32, #tpu.memory_space<hbm>> -> memref<32x512xf32, #tpu.memory_space<hbm>>
    tpu.wait_dma2 semaphore(%arg12 : memref<!tpu.dma_semaphore, #tpu.memory_space<semaphore_mem>>) src(%dma_wait3A_264 : memref<32x512xf32, #tpu.memory_space<hbm>>) dst(%arg6 : memref<32x512xf32, #tpu.memory_space<vmem>>)
    %parallel_loop3A_265 = arith.constant 0 : i32
    %parallel_loop3A_266 = arith.constant 1024 : i32
    %parallel_loop3A_267 = arith.constant 1 : i32
    scf.for %parallel_loop3A_288 = %parallel_loop3A_265 to %parallel_loop3A_266 step %parallel_loop3A_267  : i32 {
      %parallel_loop3A_289 = arith.constant 5 : i32
      %parallel_loop3A_290 = arith.shrui %parallel_loop3A_288, %parallel_loop3A_289 : i32
      %parallel_loop3A_291 = arith.constant 31 : i32
      %parallel_loop3A_292 = arith.andi %parallel_loop3A_288, %parallel_loop3A_291 : i32
      %parallel_loop3A_293 = arith.constant 4 : i32
      %parallel_loop3A_294 = arith.shli %parallel_loop3A_292, %parallel_loop3A_293 : i32
      %parallel_loop3A_295 = arith.index_cast %parallel_loop3A_290 : i32 to index
      %parallel_loop3A_296 = arith.index_cast %parallel_loop3A_294 : i32 to index
      %parallel_loop3A_297 = tpu.vector_load %arg5[%parallel_loop3A_295, %parallel_loop3A_296] {strides = array<i32>} : memref<32x512xf32, #tpu.memory_space<vmem>>, vector<16xf32>,
      %parallel_loop3A_298 = arith.index_cast %parallel_loop3A_290 : i32 to index
      %parallel_loop3A_299 = arith.index_cast %parallel_loop3A_294 : i32 to index
      %parallel_loop3A_300 = tpu.vector_load %arg6[%parallel_loop3A_298, %parallel_loop3A_299] {strides = array<i32>} : memref<32x512xf32, #tpu.memory_space<vmem>>, vector<16xf32>,
      %parallel_loop3A_301 = arith.constant 1.000000e+00 : f32
      %parallel_loop3A_302 = vector.broadcast %parallel_loop3A_301 : f32 to vector<16xf32>
      %parallel_loop3A_303 = arith.addf %parallel_loop3A_300, %parallel_loop3A_302 : vector<16xf32>
      %parallel_loop3A_304 = arith.constant 5.120000e+02 : f32
      %parallel_loop3A_305 = vector.broadcast %parallel_loop3A_304 : f32 to vector<16xf32>
      %parallel_loop3A_306 = arith.mulf %parallel_loop3A_303, %parallel_loop3A_305 : vector<16xf32>
      %parallel_loop3A_307 = arith.constant 1.024000e+03 : f32
      %parallel_loop3A_308 = vector.broadcast %parallel_loop3A_307 : f32 to vector<16xf32>
      %parallel_loop3A_309 = arith.mulf %parallel_loop3A_300, %parallel_loop3A_308 : vector<16xf32>
      %parallel_loop3A_310 = arith.constant 5.000000e-01 : f32
      %parallel_loop3A_311 = vector.broadcast %parallel_loop3A_310 : f32 to vector<16xf32>
      %parallel_loop3A_312 = arith.addf %parallel_loop3A_309, %parallel_loop3A_311 : vector<16xf32>
      %parallel_loop3A_313 = arith.mulf %parallel_loop3A_297, %parallel_loop3A_312 : vector<16xf32>
      %parallel_loop3A_314 = arith.subf %parallel_loop3A_306, %parallel_loop3A_313 : vector<16xf32>
      %parallel_loop3A_315 = arith.fptosi %parallel_loop3A_314 : vector<16xf32> to vector<16xi32>
      %parallel_loop3A_316 = arith.addi %mul3A_50, %parallel_loop3A_315 : vector<16xi32>
      tpu.vector_store_idx %arg9[%parallel_loop3A_316], %broadcast_in_dim3A_51 {add = true} : memref<16384xf32, #tpu.memory_space<vmem>>[vector<16xi32>], vector<16xf32>,
    } {sc.loop_unroll_factor = 8 : i64, sc.parallel_access}
    %add3A_268 = arith.constant 224 : i32
    %add3A_269 = arith.addi %mul3A_32, %add3A_268 : i32
    %dma_wait3A_270 = arith.constant 0 : i32
    %dma_wait3A_271 = tpu.memref_slice %arg2[%select_n3A, %add3A_269, %dma_wait3A_270] : memref<16x512x512xf32, #tpu.memory_space<hbm>> -> memref<1x32x512xf32, #tpu.memory_space<hbm>>
    %dma_wait3A_272 = tpu.memref_squeeze %dma_wait3A_271 : memref<1x32x512xf32, #tpu.memory_space<hbm>> -> memref<32x512xf32, #tpu.memory_space<hbm>>
    %dma_wait3A_273 = arith.constant 0 : i32
    %dma_wait3A_274 = tpu.memref_slice %arg2[%select_n3A, %add3A_269, %dma_wait3A_273] : memref<16x512x512xf32, #tpu.memory_space<hbm>> -> memref<1x32x512xf32, #tpu.memory_space<hbm>>
    %dma_wait3A_275 = tpu.memref_squeeze %dma_wait3A_274 : memref<1x32x512xf32, #tpu.memory_space<hbm>> -> memref<32x512xf32, #tpu.memory_space<hbm>>
    tpu.wait_dma2 semaphore(%arg13 : memref<!tpu.dma_semaphore, #tpu.memory_space<semaphore_mem>>) src(%dma_wait3A_275 : memref<32x512xf32, #tpu.memory_space<hbm>>) dst(%arg7 : memref<32x512xf32, #tpu.memory_space<vmem>>)
    %dma_wait3A_276 = arith.constant 0 : i32
    %dma_wait3A_277 = tpu.memref_slice %arg3[%select_n3A, %add3A_269, %dma_wait3A_276] : memref<16x512x512xf32, #tpu.memory_space<hbm>> -> memref<1x32x512xf32, #tpu.memory_space<hbm>>
    %dma_wait3A_278 = tpu.memref_squeeze %dma_wait3A_277 : memref<1x32x512xf32, #tpu.memory_space<hbm>> -> memref<32x512xf32, #tpu.memory_space<hbm>>
    %dma_wait3A_279 = arith.constant 0 : i32
    %dma_wait3A_280 = tpu.memref_slice %arg3[%select_n3A, %add3A_269, %dma_wait3A_279] : memref<16x512x512xf32, #tpu.memory_space<hbm>> -> memref<1x32x512xf32, #tpu.memory_space<hbm>>
    %dma_wait3A_281 = tpu.memref_squeeze %dma_wait3A_280 : memref<1x32x512xf32, #tpu.memory_space<hbm>> -> memref<32x512xf32, #tpu.memory_space<hbm>>
    tpu.wait_dma2 semaphore(%arg14 : memref<!tpu.dma_semaphore, #tpu.memory_space<semaphore_mem>>) src(%dma_wait3A_281 : memref<32x512xf32, #tpu.memory_space<hbm>>) dst(%arg8 : memref<32x512xf32, #tpu.memory_space<vmem>>)
    %parallel_loop3A_282 = arith.constant 0 : i32
    %parallel_loop3A_283 = arith.constant 1024 : i32
    %parallel_loop3A_284 = arith.constant 1 : i32
    scf.for %parallel_loop3A_288 = %parallel_loop3A_282 to %parallel_loop3A_283 step %parallel_loop3A_284  : i32 {
      %parallel_loop3A_289 = arith.constant 5 : i32
      %parallel_loop3A_290 = arith.shrui %parallel_loop3A_288, %parallel_loop3A_289 : i32
      %parallel_loop3A_291 = arith.constant 31 : i32
      %parallel_loop3A_292 = arith.andi %parallel_loop3A_288, %parallel_loop3A_291 : i32
      %parallel_loop3A_293 = arith.constant 4 : i32
      %parallel_loop3A_294 = arith.shli %parallel_loop3A_292, %parallel_loop3A_293 : i32
      %parallel_loop3A_295 = arith.index_cast %parallel_loop3A_290 : i32 to index
      %parallel_loop3A_296 = arith.index_cast %parallel_loop3A_294 : i32 to index
      %parallel_loop3A_297 = tpu.vector_load %arg7[%parallel_loop3A_295, %parallel_loop3A_296] {strides = array<i32>} : memref<32x512xf32, #tpu.memory_space<vmem>>, vector<16xf32>,
      %parallel_loop3A_298 = arith.index_cast %parallel_loop3A_290 : i32 to index
      %parallel_loop3A_299 = arith.index_cast %parallel_loop3A_294 : i32 to index
      %parallel_loop3A_300 = tpu.vector_load %arg8[%parallel_loop3A_298, %parallel_loop3A_299] {strides = array<i32>} : memref<32x512xf32, #tpu.memory_space<vmem>>, vector<16xf32>,
      %parallel_loop3A_301 = arith.constant 1.000000e+00 : f32
      %parallel_loop3A_302 = vector.broadcast %parallel_loop3A_301 : f32 to vector<16xf32>
      %parallel_loop3A_303 = arith.addf %parallel_loop3A_300, %parallel_loop3A_302 : vector<16xf32>
      %parallel_loop3A_304 = arith.constant 5.120000e+02 : f32
      %parallel_loop3A_305 = vector.broadcast %parallel_loop3A_304 : f32 to vector<16xf32>
      %parallel_loop3A_306 = arith.mulf %parallel_loop3A_303, %parallel_loop3A_305 : vector<16xf32>
      %parallel_loop3A_307 = arith.constant 1.024000e+03 : f32
      %parallel_loop3A_308 = vector.broadcast %parallel_loop3A_307 : f32 to vector<16xf32>
      %parallel_loop3A_309 = arith.mulf %parallel_loop3A_300, %parallel_loop3A_308 : vector<16xf32>
      %parallel_loop3A_310 = arith.constant 5.000000e-01 : f32
      %parallel_loop3A_311 = vector.broadcast %parallel_loop3A_310 : f32 to vector<16xf32>
      %parallel_loop3A_312 = arith.addf %parallel_loop3A_309, %parallel_loop3A_311 : vector<16xf32>
      %parallel_loop3A_313 = arith.mulf %parallel_loop3A_297, %parallel_loop3A_312 : vector<16xf32>
      %parallel_loop3A_314 = arith.subf %parallel_loop3A_306, %parallel_loop3A_313 : vector<16xf32>
      %parallel_loop3A_315 = arith.fptosi %parallel_loop3A_314 : vector<16xf32> to vector<16xi32>
      %parallel_loop3A_316 = arith.addi %mul3A_50, %parallel_loop3A_315 : vector<16xi32>
      tpu.vector_store_idx %arg9[%parallel_loop3A_316], %broadcast_in_dim3A_51 {add = true} : memref<16384xf32, #tpu.memory_space<vmem>>[vector<16xi32>], vector<16xf32>,
    } {sc.loop_unroll_factor = 8 : i64, sc.parallel_access}
    %parallel_loop3A_285 = arith.constant 0 : i32
    %parallel_loop3A_286 = arith.constant 64 : i32
    %parallel_loop3A_287 = arith.constant 1 : i32
    scf.for %parallel_loop3A_288 = %parallel_loop3A_285 to %parallel_loop3A_286 step %parallel_loop3A_287  : i32 {
      %parallel_loop3A_289 = arith.constant 0.000000e+00 : f32
      %parallel_loop3A_290 = vector.broadcast %parallel_loop3A_289 : f32 to vector<16xf32>
      %parallel_loop3A_291 = arith.constant 16 : i32
      %parallel_loop3A_292 = arith.muli %parallel_loop3A_288, %parallel_loop3A_291 : i32
      %parallel_loop3A_293 = arith.constant 0 : i32
      %parallel_loop3A_294 = arith.addi %parallel_loop3A_293, %parallel_loop3A_292 : i32
      %parallel_loop3A_295 = arith.index_cast %parallel_loop3A_294 : i32 to index
      %parallel_loop3A_296 = tpu.vector_load %arg9[%parallel_loop3A_295] {strides = array<i32>} : memref<16384xf32, #tpu.memory_space<vmem>>, vector<16xf32>,
      %parallel_loop3A_297 = arith.addf %parallel_loop3A_290, %parallel_loop3A_296 : vector<16xf32>
      %parallel_loop3A_298 = arith.constant 16 : i32
      %parallel_loop3A_299 = arith.muli %parallel_loop3A_288, %parallel_loop3A_298 : i32
      %parallel_loop3A_300 = arith.constant 1024 : i32
      %parallel_loop3A_301 = arith.addi %parallel_loop3A_300, %parallel_loop3A_299 : i32
      %parallel_loop3A_302 = arith.index_cast %parallel_loop3A_301 : i32 to index
      %parallel_loop3A_303 = tpu.vector_load %arg9[%parallel_loop3A_302] {strides = array<i32>} : memref<16384xf32, #tpu.memory_space<vmem>>, vector<16xf32>,
      %parallel_loop3A_304 = arith.addf %parallel_loop3A_297, %parallel_loop3A_303 : vector<16xf32>
      %parallel_loop3A_305 = arith.constant 16 : i32
      %parallel_loop3A_306 = arith.muli %parallel_loop3A_288, %parallel_loop3A_305 : i32
      %parallel_loop3A_307 = arith.constant 2048 : i32
      %parallel_loop3A_308 = arith.addi %parallel_loop3A_307, %parallel_loop3A_306 : i32
      %parallel_loop3A_309 = arith.index_cast %parallel_loop3A_308 : i32 to index
      %parallel_loop3A_310 = tpu.vector_load %arg9[%parallel_loop3A_309] {strides = array<i32>} : memref<16384xf32, #tpu.memory_space<vmem>>, vector<16xf32>,
      %parallel_loop3A_311 = arith.addf %parallel_loop3A_304, %parallel_loop3A_310 : vector<16xf32>
      %parallel_loop3A_312 = arith.constant 16 : i32
      %parallel_loop3A_313 = arith.muli %parallel_loop3A_288, %parallel_loop3A_312 : i32
      %parallel_loop3A_314 = arith.constant 3072 : i32
      %parallel_loop3A_315 = arith.addi %parallel_loop3A_314, %parallel_loop3A_313 : i32
      %parallel_loop3A_316 = arith.index_cast %parallel_loop3A_315 : i32 to index
      %parallel_loop3A_317 = tpu.vector_load %arg9[%parallel_loop3A_316] {strides = array<i32>} : memref<16384xf32, #tpu.memory_space<vmem>>, vector<16xf32>,
      %parallel_loop3A_318 = arith.addf %parallel_loop3A_311, %parallel_loop3A_317 : vector<16xf32>
      %parallel_loop3A_319 = arith.constant 16 : i32
      %parallel_loop3A_320 = arith.muli %parallel_loop3A_288, %parallel_loop3A_319 : i32
      %parallel_loop3A_321 = arith.constant 4096 : i32
      %parallel_loop3A_322 = arith.addi %parallel_loop3A_321, %parallel_loop3A_320 : i32
      %parallel_loop3A_323 = arith.index_cast %parallel_loop3A_322 : i32 to index
      %parallel_loop3A_324 = tpu.vector_load %arg9[%parallel_loop3A_323] {strides = array<i32>} : memref<16384xf32, #tpu.memory_space<vmem>>, vector<16xf32>,
      %parallel_loop3A_325 = arith.addf %parallel_loop3A_318, %parallel_loop3A_324 : vector<16xf32>
      %parallel_loop3A_326 = arith.constant 16 : i32
      %parallel_loop3A_327 = arith.muli %parallel_loop3A_288, %parallel_loop3A_326 : i32
      %parallel_loop3A_328 = arith.constant 5120 : i32
      %parallel_loop3A_329 = arith.addi %parallel_loop3A_328, %parallel_loop3A_327 : i32
      %parallel_loop3A_330 = arith.index_cast %parallel_loop3A_329 : i32 to index
      %parallel_loop3A_331 = tpu.vector_load %arg9[%parallel_loop3A_330] {strides = array<i32>} : memref<16384xf32, #tpu.memory_space<vmem>>, vector<16xf32>,
      %parallel_loop3A_332 = arith.addf %parallel_loop3A_325, %parallel_loop3A_331 : vector<16xf32>
      %parallel_loop3A_333 = arith.constant 16 : i32
      %parallel_loop3A_334 = arith.muli %parallel_loop3A_288, %parallel_loop3A_333 : i32
      %parallel_loop3A_335 = arith.constant 6144 : i32
      %parallel_loop3A_336 = arith.addi %parallel_loop3A_335, %parallel_loop3A_334 : i32
      %parallel_loop3A_337 = arith.index_cast %parallel_loop3A_336 : i32 to index
      %parallel_loop3A_338 = tpu.vector_load %arg9[%parallel_loop3A_337] {strides = array<i32>} : memref<16384xf32, #tpu.memory_space<vmem>>, vector<16xf32>,
      %parallel_loop3A_339 = arith.addf %parallel_loop3A_332, %parallel_loop3A_338 : vector<16xf32>
      %parallel_loop3A_340 = arith.constant 16 : i32
      %parallel_loop3A_341 = arith.muli %parallel_loop3A_288, %parallel_loop3A_340 : i32
      %parallel_loop3A_342 = arith.constant 7168 : i32
      %parallel_loop3A_343 = arith.addi %parallel_loop3A_342, %parallel_loop3A_341 : i32
      %parallel_loop3A_344 = arith.index_cast %parallel_loop3A_343 : i32 to index
      %parallel_loop3A_345 = tpu.vector_load %arg9[%parallel_loop3A_344] {strides = array<i32>} : memref<16384xf32, #tpu.memory_space<vmem>>, vector<16xf32>,
      %parallel_loop3A_346 = arith.addf %parallel_loop3A_339, %parallel_loop3A_345 : vector<16xf32>
      %parallel_loop3A_347 = arith.constant 16 : i32
      %parallel_loop3A_348 = arith.muli %parallel_loop3A_288, %parallel_loop3A_347 : i32
      %parallel_loop3A_349 = arith.constant 8192 : i32
      %parallel_loop3A_350 = arith.addi %parallel_loop3A_349, %parallel_loop3A_348 : i32
      %parallel_loop3A_351 = arith.index_cast %parallel_loop3A_350 : i32 to index
      %parallel_loop3A_352 = tpu.vector_load %arg9[%parallel_loop3A_351] {strides = array<i32>} : memref<16384xf32, #tpu.memory_space<vmem>>, vector<16xf32>,
      %parallel_loop3A_353 = arith.addf %parallel_loop3A_346, %parallel_loop3A_352 : vector<16xf32>
      %parallel_loop3A_354 = arith.constant 16 : i32
      %parallel_loop3A_355 = arith.muli %parallel_loop3A_288, %parallel_loop3A_354 : i32
      %parallel_loop3A_356 = arith.constant 9216 : i32
      %parallel_loop3A_357 = arith.addi %parallel_loop3A_356, %parallel_loop3A_355 : i32
      %parallel_loop3A_358 = arith.index_cast %parallel_loop3A_357 : i32 to index
      %parallel_loop3A_359 = tpu.vector_load %arg9[%parallel_loop3A_358] {strides = array<i32>} : memref<16384xf32, #tpu.memory_space<vmem>>, vector<16xf32>,
      %parallel_loop3A_360 = arith.addf %parallel_loop3A_353, %parallel_loop3A_359 : vector<16xf32>
      %parallel_loop3A_361 = arith.constant 16 : i32
      %parallel_loop3A_362 = arith.muli %parallel_loop3A_288, %parallel_loop3A_361 : i32
      %parallel_loop3A_363 = arith.constant 10240 : i32
      %parallel_loop3A_364 = arith.addi %parallel_loop3A_363, %parallel_loop3A_362 : i32
      %parallel_loop3A_365 = arith.index_cast %parallel_loop3A_364 : i32 to index
      %parallel_loop3A_366 = tpu.vector_load %arg9[%parallel_loop3A_365] {strides = array<i32>} : memref<16384xf32, #tpu.memory_space<vmem>>, vector<16xf32>,
      %parallel_loop3A_367 = arith.addf %parallel_loop3A_360, %parallel_loop3A_366 : vector<16xf32>
      %parallel_loop3A_368 = arith.constant 16 : i32
      %parallel_loop3A_369 = arith.muli %parallel_loop3A_288, %parallel_loop3A_368 : i32
      %parallel_loop3A_370 = arith.constant 11264 : i32
      %parallel_loop3A_371 = arith.addi %parallel_loop3A_370, %parallel_loop3A_369 : i32
      %parallel_loop3A_372 = arith.index_cast %parallel_loop3A_371 : i32 to index
      %parallel_loop3A_373 = tpu.vector_load %arg9[%parallel_loop3A_372] {strides = array<i32>} : memref<16384xf32, #tpu.memory_space<vmem>>, vector<16xf32>,
      %parallel_loop3A_374 = arith.addf %parallel_loop3A_367, %parallel_loop3A_373 : vector<16xf32>
      %parallel_loop3A_375 = arith.constant 16 : i32
      %parallel_loop3A_376 = arith.muli %parallel_loop3A_288, %parallel_loop3A_375 : i32
      %parallel_loop3A_377 = arith.constant 12288 : i32
      %parallel_loop3A_378 = arith.addi %parallel_loop3A_377, %parallel_loop3A_376 : i32
      %parallel_loop3A_379 = arith.index_cast %parallel_loop3A_378 : i32 to index
      %parallel_loop3A_380 = tpu.vector_load %arg9[%parallel_loop3A_379] {strides = array<i32>} : memref<16384xf32, #tpu.memory_space<vmem>>, vector<16xf32>,
      %parallel_loop3A_381 = arith.addf %parallel_loop3A_374, %parallel_loop3A_380 : vector<16xf32>
      %parallel_loop3A_382 = arith.constant 16 : i32
      %parallel_loop3A_383 = arith.muli %parallel_loop3A_288, %parallel_loop3A_382 : i32
      %parallel_loop3A_384 = arith.constant 13312 : i32
      %parallel_loop3A_385 = arith.addi %parallel_loop3A_384, %parallel_loop3A_383 : i32
      %parallel_loop3A_386 = arith.index_cast %parallel_loop3A_385 : i32 to index
      %parallel_loop3A_387 = tpu.vector_load %arg9[%parallel_loop3A_386] {strides = array<i32>} : memref<16384xf32, #tpu.memory_space<vmem>>, vector<16xf32>,
      %parallel_loop3A_388 = arith.addf %parallel_loop3A_381, %parallel_loop3A_387 : vector<16xf32>
      %parallel_loop3A_389 = arith.constant 16 : i32
      %parallel_loop3A_390 = arith.muli %parallel_loop3A_288, %parallel_loop3A_389 : i32
      %parallel_loop3A_391 = arith.constant 14336 : i32
      %parallel_loop3A_392 = arith.addi %parallel_loop3A_391, %parallel_loop3A_390 : i32
      %parallel_loop3A_393 = arith.index_cast %parallel_loop3A_392 : i32 to index
      %parallel_loop3A_394 = tpu.vector_load %arg9[%parallel_loop3A_393] {strides = array<i32>} : memref<16384xf32, #tpu.memory_space<vmem>>, vector<16xf32>,
      %parallel_loop3A_395 = arith.addf %parallel_loop3A_388, %parallel_loop3A_394 : vector<16xf32>
      %parallel_loop3A_396 = arith.constant 16 : i32
      %parallel_loop3A_397 = arith.muli %parallel_loop3A_288, %parallel_loop3A_396 : i32
      %parallel_loop3A_398 = arith.constant 15360 : i32
      %parallel_loop3A_399 = arith.addi %parallel_loop3A_398, %parallel_loop3A_397 : i32
      %parallel_loop3A_400 = arith.index_cast %parallel_loop3A_399 : i32 to index
      %parallel_loop3A_401 = tpu.vector_load %arg9[%parallel_loop3A_400] {strides = array<i32>} : memref<16384xf32, #tpu.memory_space<vmem>>, vector<16xf32>,
      %parallel_loop3A_402 = arith.addf %parallel_loop3A_395, %parallel_loop3A_401 : vector<16xf32>
      %parallel_loop3A_403 = arith.constant 16 : i32
      %parallel_loop3A_404 = arith.muli %parallel_loop3A_288, %parallel_loop3A_403 : i32
      %parallel_loop3A_405 = arith.index_cast %parallel_loop3A_404 : i32 to index
      %parallel_loop3A_406 = tpu.vector_load %arg10[%parallel_loop3A_405] {strides = array<i32>} : memref<1024xf32, #tpu.memory_space<vmem>>, vector<16xf32>,
      tpu.vector_store %arg10[%parallel_loop3A_405], %parallel_loop3A_402 {strides = array<i32>} : memref<1024xf32, #tpu.memory_space<vmem>>, vector<16xf32>,
    } {sc.loop_unroll_factor = 2 : i64, sc.parallel_access}
    "tpu.region"() ({
      %run_scoped3A = tpu.sem_alloc : memref<!tpu.dma_semaphore, #tpu.memory_space<semaphore_mem>>
      %dma_start3A_288 = arith.constant 0 : i32
      %dma_start3A_289 = tpu.memref_slice %arg4[%add3A, %dma_start3A_288] : memref<32x1024xf32, #tpu.memory_space<hbm>> -> memref<1x1024xf32, #tpu.memory_space<hbm>>
      %dma_start3A_290 = tpu.memref_squeeze %dma_start3A_289 : memref<1x1024xf32, #tpu.memory_space<hbm>> -> memref<1024xf32, #tpu.memory_space<hbm>>
      %dma_start3A_291 = arith.constant 0 : i32
      %dma_start3A_292 = tpu.memref_slice %arg4[%add3A, %dma_start3A_291] : memref<32x1024xf32, #tpu.memory_space<hbm>> -> memref<1x1024xf32, #tpu.memory_space<hbm>>
      %dma_start3A_293 = tpu.memref_squeeze %dma_start3A_292 : memref<1x1024xf32, #tpu.memory_space<hbm>> -> memref<1024xf32, #tpu.memory_space<hbm>>
      tpu.enqueue_dma source(%arg10 : memref<1024xf32, #tpu.memory_space<vmem>>) target(%dma_start3A_293 : memref<1024xf32, #tpu.memory_space<hbm>>) target_semaphore(%run_scoped3A : memref<!tpu.dma_semaphore, #tpu.memory_space<semaphore_mem>>)
      %dma_wait3A_294 = arith.constant 0 : i32
      %dma_wait3A_295 = tpu.memref_slice %arg4[%add3A, %dma_wait3A_294] : memref<32x1024xf32, #tpu.memory_space<hbm>> -> memref<1x1024xf32, #tpu.memory_space<hbm>>
      %dma_wait3A_296 = tpu.memref_squeeze %dma_wait3A_295 : memref<1x1024xf32, #tpu.memory_space<hbm>> -> memref<1024xf32, #tpu.memory_space<hbm>>
      %dma_wait3A_297 = arith.constant 0 : i32
      %dma_wait3A_298 = tpu.memref_slice %arg4[%add3A, %dma_wait3A_297] : memref<32x1024xf32, #tpu.memory_space<hbm>> -> memref<1x1024xf32, #tpu.memory_space<hbm>>
      %dma_wait3A_299 = tpu.memref_squeeze %dma_wait3A_298 : memref<1x1024xf32, #tpu.memory_space<hbm>> -> memref<1024xf32, #tpu.memory_space<hbm>>
      tpu.wait_dma2 semaphore(%run_scoped3A : memref<!tpu.dma_semaphore, #tpu.memory_space<semaphore_mem>>) src(%arg10 : memref<1024xf32, #tpu.memory_space<vmem>>) dst(%dma_wait3A_299 : memref<1024xf32, #tpu.memory_space<hbm>>)
      tpu.yield
    }) : () -> ()
    return
  }
}

module attributes {stable_mosaic.version = 14 : i64} {
  func.func @_bce_body(%arg0: i32, %arg1: memref<2x512x512xf32, #tpu.memory_space<vmem>>, %arg2: memref<2x512x512xf32, #tpu.memory_space<vmem>>, %arg3: memref<1x1xf32, #tpu.memory_space<smem>>) attributes {dimension_semantics = [#tpu.dimension_semantics<arbitrary>], iteration_bounds = array<i64: 8>, scalar_prefetch = 0 : i64, scratch_operands = 0 : i64, tpu.core_type = #tpu.core_type<tc>, window_params = [{transform_indices = @transform_0, window_bounds = array<i64: 2, 512, 512>}, {transform_indices = @transform_1, window_bounds = array<i64: 2, 512, 512>}, {transform_indices = @transform_2, window_bounds = array<i64: 1, 1>}]} {
    %get3A = arith.constant 0 : index
    %get3A_0 = arith.constant 0 : index
    %get3A_1 = arith.constant 0 : index
    %get3A_2 = vector.load %arg1[%get3A, %get3A_0, %get3A_1] : memref<2x512x512xf32, #tpu.memory_space<vmem>>, vector<2x512x512xf32>
    %get3A_3 = arith.constant 0 : index
    %get3A_4 = arith.constant 0 : index
    %get3A_5 = arith.constant 0 : index
    %get3A_6 = vector.load %arg2[%get3A_3, %get3A_4, %get3A_5] : memref<2x512x512xf32, #tpu.memory_space<vmem>>, vector<2x512x512xf32>
    %log3A = math.log %get3A_6 : vector<2x512x512xf32>
    %max3A = arith.constant -1.000000e+02 : f32
    %max3A_7 = vector.broadcast %max3A : f32 to vector<2x512x512xf32>
    %max3A_8 = arith.maximumf %log3A, %max3A_7 : vector<2x512x512xf32>
    %sub3A = arith.constant 1.000000e+00 : f32
    %sub3A_9 = vector.broadcast %sub3A : f32 to vector<2x512x512xf32>
    %sub3A_10 = arith.subf %sub3A_9, %get3A_6 : vector<2x512x512xf32>
    %log3A_11 = math.log %sub3A_10 : vector<2x512x512xf32>
    %max3A_12 = arith.constant -1.000000e+02 : f32
    %max3A_13 = vector.broadcast %max3A_12 : f32 to vector<2x512x512xf32>
    %max3A_14 = arith.maximumf %log3A_11, %max3A_13 : vector<2x512x512xf32>
    %mul3A = arith.mulf %get3A_2, %max3A_8 : vector<2x512x512xf32>
    %add3A = arith.addf %mul3A, %max3A_14 : vector<2x512x512xf32>
    %mul3A_15 = arith.mulf %get3A_2, %max3A_14 : vector<2x512x512xf32>
    %sub3A_16 = arith.subf %add3A, %mul3A_15 : vector<2x512x512xf32>
    %reduce_sum3A = vector.shape_cast %sub3A_16 : vector<2x512x512xf32> to vector<1x2x512x512xf32>
    %reduce_sum3A_17 = arith.constant dense<0.000000e+00> : vector<1xf32>
    %reduce_sum3A_18 = vector.multi_reduction <add>, %reduce_sum3A, %reduce_sum3A_17 [1, 2, 3] : vector<1x2x512x512xf32> to vector<1xf32>
    %reduce_sum3A_19 = vector.shape_cast %reduce_sum3A_18 : vector<1xf32> to vector<1x1x1x1xf32>
    %reduce_sum3A_20 = vector.extract %reduce_sum3A_19[0, 0, 0, 0] : f32 from vector<1x1x1x1xf32>
    %eq3A = arith.constant 0 : i32
    %eq3A_21 = arith.cmpi eq, %arg0, %eq3A : i32
    %convert_element_type3A = arith.extui %eq3A_21 : i1 to i32
    %cond3A = arith.constant 0 : i32
    %cond3A_22 = arith.cmpi ne, %convert_element_type3A, %cond3A : i32
    scf.if %cond3A_22 {
      %swap3A_29 = arith.constant 0.000000e+00 : f32
      %swap3A_30 = arith.constant 0 : index
      %swap3A_31 = arith.constant 0 : index
      %swap3A_32 = memref.load %arg3[%swap3A_30, %swap3A_31] : memref<1x1xf32, #tpu.memory_space<smem>>
      memref.store %swap3A_29, %arg3[%swap3A_30, %swap3A_31] : memref<1x1xf32, #tpu.memory_space<smem>>
    } else {
    }
    %get3A_23 = arith.constant 0 : index
    %get3A_24 = arith.constant 0 : index
    %get3A_25 = memref.load %arg3[%get3A_23, %get3A_24] : memref<1x1xf32, #tpu.memory_space<smem>>
    %add3A_26 = arith.addf %get3A_25, %reduce_sum3A_20 : f32
    %swap3A = arith.constant 0 : index
    %swap3A_27 = arith.constant 0 : index
    %swap3A_28 = memref.load %arg3[%swap3A, %swap3A_27] : memref<1x1xf32, #tpu.memory_space<smem>>
    memref.store %add3A_26, %arg3[%swap3A, %swap3A_27] : memref<1x1xf32, #tpu.memory_space<smem>>
    return
  }
  func.func @transform_0(%arg0: i32) -> (i32, i32, i32) {
    %c0_i32 = arith.constant 0 : i32
    %c0_i32_0 = arith.constant 0 : i32
    %c0_i32_1 = arith.constant 0 : i32
    return %arg0, %c0_i32, %c0_i32_0 : i32, i32, i32
  }
  func.func @transform_1(%arg0: i32) -> (i32, i32, i32) {
    %c0_i32 = arith.constant 0 : i32
    %c0_i32_0 = arith.constant 0 : i32
    %c0_i32_1 = arith.constant 0 : i32
    return %arg0, %c0_i32, %c0_i32_0 : i32, i32, i32
  }
  func.func @transform_2(%arg0: i32) -> (i32, i32) {
    %c0_i32 = arith.constant 0 : i32
    %c0_i32_0 = arith.constant 0 : i32
    %c0_i32_1 = arith.constant 0 : i32
    return %c0_i32, %c0_i32_0 : i32, i32
  }
}

module attributes {stable_mosaic.version = 14 : i64} {
  func.func @_finish_body(%arg0: memref<32x1024xf32, #tpu.memory_space<vmem>>, %arg1: memref<1x1xf32, #tpu.memory_space<smem>>, %arg2: memref<1x1xf32, #tpu.memory_space<smem>>) attributes {dimension_semantics = [], scalar_prefetch = 0 : i64, scratch_operands = 0 : i64, tpu.core_type = #tpu.core_type<tc>} {
    %get3A = arith.constant 0 : index
    %get3A_0 = arith.constant 0 : index
    %get3A_1 = vector.load %arg0[%get3A, %get3A_0] : memref<32x1024xf32, #tpu.memory_space<vmem>>, vector<32x1024xf32>
    %reduce_sum3A = arith.constant dense<0.000000e+00> : vector<1024xf32>
    %reduce_sum3A_2 = vector.multi_reduction <add>, %get3A_1, %reduce_sum3A [0] : vector<32x1024xf32> to vector<1024xf32>
    %broadcast_in_dim3A = vector.shape_cast %reduce_sum3A_2 : vector<1024xf32> to vector<1x1024xf32>
    %iota3A = tpu.iota {dimensions = array<i32: 1>} : vector<1x1024xi32>
    %lt3A = arith.constant 512 : i32
    %lt3A_3 = vector.broadcast %lt3A : i32 to vector<1x1024xi32>
    %lt3A_4 = arith.cmpi slt, %iota3A, %lt3A_3 : vector<1x1024xi32>
    %jit3A = arith.constant 0.000000e+00 : f32
    %broadcast_in_dim3A_5 = vector.broadcast %jit3A : f32 to vector<1x1024xf32>
    %select_n3A = arith.select %lt3A_4, %broadcast_in_dim3A, %broadcast_in_dim3A_5 : vector<1x1024xi1>, vector<1x1024xf32>
    %reduce_sum3A_6 = vector.shape_cast %select_n3A : vector<1x1024xf32> to vector<1x1x1024xf32>
    %reduce_sum3A_7 = arith.constant dense<0.000000e+00> : vector<1xf32>
    %reduce_sum3A_8 = vector.multi_reduction <add>, %reduce_sum3A_6, %reduce_sum3A_7 [1, 2] : vector<1x1x1024xf32> to vector<1xf32>
    %reduce_sum3A_9 = vector.shape_cast %reduce_sum3A_8 : vector<1xf32> to vector<1x1x1xf32>
    %reduce_sum3A_10 = vector.extract %reduce_sum3A_9[0, 0, 0] : f32 from vector<1x1x1xf32>
    %sub3A = arith.constant 0x4A800000 : f32
    %sub3A_11 = arith.subf %sub3A, %reduce_sum3A_10 : f32
    %iota3A_12 = tpu.iota {dimensions = array<i32: 0>} : vector<1024x1024xi32>
    %iota3A_13 = tpu.iota {dimensions = array<i32: 1>} : vector<1024x1024xi32>
    %ge3A = arith.cmpi sge, %iota3A_12, %iota3A_13 : vector<1024x1024xi32>
    %convert_element_type3A = arith.extui %ge3A : vector<1024x1024xi1> to vector<1024x1024xi32>
    %convert_element_type3A_14 = arith.sitofp %convert_element_type3A : vector<1024x1024xi32> to vector<1024x1024xf32>
    %concatenate3A = tpu.concatenate %broadcast_in_dim3A, %select_n3A in 0 : vector<1x1024xf32>, vector<1x1024xf32> -> vector<2x1024xf32>
    %dot_general3A = arith.constant dense<0.000000e+00> : vector<2x1024xf32>
    %dot_general3A_15 = tpu.matmul %concatenate3A, %convert_element_type3A_14, %dot_general3A {dimension_numbers = #tpu.dot_dimension_numbers<[1], [0], [0], [1], [0, 0, 1, 1], [], []>, precision = #tpu.contract_precision<fp32>, transpose_lhs_hint = false} : vector<2x1024xf32>, vector<1024x1024xf32>, vector<2x1024xf32> -> vector<2x1024xf32>
    %slice3A = vector.extract_strided_slice %dot_general3A_15 {offsets = [0, 0], sizes = [1, 1024], strides = [1, 1]} : vector<2x1024xf32> to vector<1x1024xf32>
    %slice3A_16 = vector.extract_strided_slice %dot_general3A_15 {offsets = [1, 0], sizes = [1, 1024], strides = [1, 1]} : vector<2x1024xf32> to vector<1x1024xf32>
    %sub3A_17 = arith.subf %slice3A, %slice3A_16 : vector<1x1024xf32>
    %iota3A_18 = tpu.iota {dimensions = array<i32: 1>} : vector<1x1024xi32>
    %eq3A = arith.constant 512 : i32
    %eq3A_19 = vector.broadcast %eq3A : i32 to vector<1x1024xi32>
    %eq3A_20 = arith.cmpi eq, %iota3A_18, %eq3A_19 : vector<1x1024xi32>
    %get3A_21 = arith.constant 0 : index
    %get3A_22 = arith.constant 0 : index
    %get3A_23 = memref.load %arg1[%get3A_21, %get3A_22] : memref<1x1xf32, #tpu.memory_space<smem>>
    %neg3A = arith.constant 0.000000e+00 : f32
    %neg3A_24 = arith.subf %neg3A, %get3A_23 : f32
    %div3A = arith.constant 0x4A800000 : f32
    %div3A_25 = arith.divf %neg3A_24, %div3A : f32
    %sub3A_26 = vector.broadcast %reduce_sum3A_10 : f32 to vector<1x1024xf32>
    %sub3A_27 = arith.subf %sub3A_26, %slice3A_16 : vector<1x1024xf32>
    %add3A = vector.broadcast %reduce_sum3A_10 : f32 to vector<1x1024xf32>
    %add3A_28 = arith.addf %add3A, %slice3A : vector<1x1024xf32>
    %sub3A_29 = arith.subf %add3A_28, %slice3A_16 : vector<1x1024xf32>
    %eq3A_30 = arith.constant 0.000000e+00 : f32
    %eq3A_31 = vector.broadcast %eq3A_30 : f32 to vector<1x1024xf32>
    %eq3A_32 = arith.cmpf oeq, %sub3A_29, %eq3A_31 : vector<1x1024xf32>
    %convert_element_type3A_33 = arith.extui %eq3A_32 : vector<1x1024xi1> to vector<1x1024xi32>
    %convert_element_type3A_34 = arith.sitofp %convert_element_type3A_33 : vector<1x1024xi32> to vector<1x1024xf32>
    %add3A_35 = arith.addf %sub3A_27, %convert_element_type3A_34 : vector<1x1024xf32>
    %max3A = arith.constant 1.000000e+00 : f32
    %max3A_36 = vector.broadcast %max3A : f32 to vector<1x1024xf32>
    %max3A_37 = arith.maximumf %sub3A_29, %max3A_36 : vector<1x1024xf32>
    %div3A_38 = arith.divf %add3A_35, %max3A_37 : vector<1x1024xf32>
    %sub3A_39 = arith.constant 1.000000e+00 : f32
    %sub3A_40 = vector.broadcast %sub3A_39 : f32 to vector<1x1024xf32>
    %sub3A_41 = arith.subf %sub3A_40, %div3A_38 : vector<1x1024xf32>
    %reduce_sum3A_42 = vector.shape_cast %sub3A_41 : vector<1x1024xf32> to vector<1x1x1024xf32>
    %reduce_sum3A_43 = arith.constant dense<0.000000e+00> : vector<1xf32>
    %reduce_sum3A_44 = vector.multi_reduction <add>, %reduce_sum3A_42, %reduce_sum3A_43 [1, 2] : vector<1x1x1024xf32> to vector<1xf32>
    %reduce_sum3A_45 = vector.shape_cast %reduce_sum3A_44 : vector<1xf32> to vector<1x1x1xf32>
    %reduce_sum3A_46 = vector.extract %reduce_sum3A_45[0, 0, 0] : f32 from vector<1x1x1xf32>
    %mul3A = arith.constant 0.001953125 : f32
    %mul3A_47 = arith.mulf %mul3A, %reduce_sum3A_46 : f32
    %jit3A_48 = arith.constant 0.000000e+00 : f32
    %broadcast_in_dim3A_49 = vector.broadcast %jit3A_48 : f32 to vector<1x1024xf32>
    %select_n3A_50 = arith.select %eq3A_20, %sub3A_41, %broadcast_in_dim3A_49 : vector<1x1024xi1>, vector<1x1024xf32>
    %reduce_sum3A_51 = vector.shape_cast %select_n3A_50 : vector<1x1024xf32> to vector<1x1x1024xf32>
    %reduce_sum3A_52 = arith.constant dense<0.000000e+00> : vector<1xf32>
    %reduce_sum3A_53 = vector.multi_reduction <add>, %reduce_sum3A_51, %reduce_sum3A_52 [1, 2] : vector<1x1x1024xf32> to vector<1xf32>
    %reduce_sum3A_54 = vector.shape_cast %reduce_sum3A_53 : vector<1xf32> to vector<1x1x1xf32>
    %reduce_sum3A_55 = vector.extract %reduce_sum3A_54[0, 0, 0] : f32 from vector<1x1x1xf32>
    %mul3A_56 = arith.constant 9.765625E-4 : f32
    %mul3A_57 = arith.mulf %mul3A_56, %reduce_sum3A_55 : f32
    %sub3A_58 = arith.subf %mul3A_47, %mul3A_57 : f32
    %sub3A_59 = vector.broadcast %sub3A_11 : f32 to vector<1x1024xf32>
    %sub3A_60 = arith.subf %sub3A_59, %sub3A_17 : vector<1x1024xf32>
    %add3A_61 = vector.broadcast %sub3A_11 : f32 to vector<1x1024xf32>
    %add3A_62 = arith.addf %add3A_61, %slice3A : vector<1x1024xf32>
    %sub3A_63 = arith.subf %add3A_62, %sub3A_17 : vector<1x1024xf32>
    %eq3A_64 = arith.constant 0.000000e+00 : f32
    %eq3A_65 = vector.broadcast %eq3A_64 : f32 to vector<1x1024xf32>
    %eq3A_66 = arith.cmpf oeq, %sub3A_63, %eq3A_65 : vector<1x1024xf32>
    %convert_element_type3A_67 = arith.extui %eq3A_66 : vector<1x1024xi1> to vector<1x1024xi32>
    %convert_element_type3A_68 = arith.sitofp %convert_element_type3A_67 : vector<1x1024xi32> to vector<1x1024xf32>
    %add3A_69 = arith.addf %sub3A_60, %convert_element_type3A_68 : vector<1x1024xf32>
    %max3A_70 = arith.constant 1.000000e+00 : f32
    %max3A_71 = vector.broadcast %max3A_70 : f32 to vector<1x1024xf32>
    %max3A_72 = arith.maximumf %sub3A_63, %max3A_71 : vector<1x1024xf32>
    %div3A_73 = arith.divf %add3A_69, %max3A_72 : vector<1x1024xf32>
    %sub3A_74 = arith.constant 1.000000e+00 : f32
    %sub3A_75 = vector.broadcast %sub3A_74 : f32 to vector<1x1024xf32>
    %sub3A_76 = arith.subf %sub3A_75, %div3A_73 : vector<1x1024xf32>
    %reduce_sum3A_77 = vector.shape_cast %sub3A_76 : vector<1x1024xf32> to vector<1x1x1024xf32>
    %reduce_sum3A_78 = arith.constant dense<0.000000e+00> : vector<1xf32>
    %reduce_sum3A_79 = vector.multi_reduction <add>, %reduce_sum3A_77, %reduce_sum3A_78 [1, 2] : vector<1x1x1024xf32> to vector<1xf32>
    %reduce_sum3A_80 = vector.shape_cast %reduce_sum3A_79 : vector<1xf32> to vector<1x1x1xf32>
    %reduce_sum3A_81 = vector.extract %reduce_sum3A_80[0, 0, 0] : f32 from vector<1x1x1xf32>
    %mul3A_82 = arith.constant 0.001953125 : f32
    %mul3A_83 = arith.mulf %mul3A_82, %reduce_sum3A_81 : f32
    %jit3A_84 = arith.constant 0.000000e+00 : f32
    %broadcast_in_dim3A_85 = vector.broadcast %jit3A_84 : f32 to vector<1x1024xf32>
    %select_n3A_86 = arith.select %eq3A_20, %sub3A_76, %broadcast_in_dim3A_85 : vector<1x1024xi1>, vector<1x1024xf32>
    %reduce_sum3A_87 = vector.shape_cast %select_n3A_86 : vector<1x1024xf32> to vector<1x1x1024xf32>
    %reduce_sum3A_88 = arith.constant dense<0.000000e+00> : vector<1xf32>
    %reduce_sum3A_89 = vector.multi_reduction <add>, %reduce_sum3A_87, %reduce_sum3A_88 [1, 2] : vector<1x1x1024xf32> to vector<1xf32>
    %reduce_sum3A_90 = vector.shape_cast %reduce_sum3A_89 : vector<1xf32> to vector<1x1x1xf32>
    %reduce_sum3A_91 = vector.extract %reduce_sum3A_90[0, 0, 0] : f32 from vector<1x1x1xf32>
    %mul3A_92 = arith.constant 9.765625E-4 : f32
    %mul3A_93 = arith.mulf %mul3A_92, %reduce_sum3A_91 : f32
    %sub3A_94 = arith.subf %mul3A_83, %mul3A_93 : f32
    %add3A_95 = arith.addf %sub3A_58, %sub3A_94 : f32
    %mul3A_96 = arith.constant 5.000000e-01 : f32
    %mul3A_97 = arith.mulf %add3A_95, %mul3A_96 : f32
    %add3A_98 = arith.addf %mul3A_97, %div3A_25 : f32
    %swap3A = arith.constant 0 : index
    %swap3A_99 = arith.constant 0 : index
    %swap3A_100 = memref.load %arg2[%swap3A, %swap3A_99] : memref<1x1xf32, #tpu.memory_space<smem>>
    memref.store %add3A_98, %arg2[%swap3A, %swap3A_99] : memref<1x1xf32, #tpu.memory_space<smem>>
    return
  }
}

</mosaic_0001>

<sc_bundles>
// kernel: kernel.5.cloned.1.call-start
scs
__scs_entry_jumppad:
0x0: {  	(pc) =	sbr.rel $0x88, $3  }
0x1: {  	(tag) =	ssettag $0x0;
	lr =	simm.s32 $0x1  }
0x2: {  	[smem:$0x3F9F] =	sst lr;
	_ =	strace $0xD0000000  }
0x3: {  	_ = 	snop  }
0x4: {  	_ = 	snop  }
0x5: {  	_ = 	snop  }
0x6: {  	_ = 	snop  }
0x7: {  	_ = 	snop  }
__scs_overlays_trampoline_lowered:
0x8: {  	[smem:$0x3FAE] =	sst s0  }
0x9: {  	[smem:$0x3FAF] =	sst s1  }
0xa: {  	[smem:$0x3FB0] =	sst s2  }
0xb: {  	[smem:$0x3FB1] =	sst s3  }
0xc: {  	[smem:$0x3FB2] =	sst s4  }
0xd: {  	[smem:$0x3FB3] =	sst s5  }
0xe: {  	[smem:$0x3FB4] =	sst s6  }
0xf: {  	[smem:$0x3FB5] =	sst s7  }
0x10: {  	[smem:$0x3FB6] =	sst s8  }
0x11: {  	[smem:$0x3FB7] =	sst s9;
	s0 =	simm.s32 @!p0 $0x0  }
0x12: {  	s1 =	sld [smem:$0x3F9D];
	s0 =	simm.s32 @p0 $0x1  }
0x13: {  	[smem:$0x3FB8] =	sst s0;
	s0 =	simm.s32 @!p1 $0x0  }
0x14: {  	s2 =	sld [smem:$0x3F9C];
	s0 =	simm.s32 @p1 $0x1  }
0x15: {  	[smem:$0x3FB9] =	sst s0;
	s0 =	simm.s32 @!p2 $0x0  }
0x16: {  	s3 =	sld [smem:$0x3FDB];
	s0 =	simm.s32 @p2 $0x1  }
0x17: {  	s4 =	simm.s32 $0x1BF5;
	[smem:$0x3FBB] =	sst s0  }
0x18: {  	s0 =	sld [smem:$0x3F9E];
	_ =	swait.ge [sflag:s4], $0x0  }
0x19: {  	s7 =	sld [smem:$0x3F9F]  }
0x1a: {  	s8 =	sadd.s32 $0xFFFFE003, lr  }
0x1b: {  	s9 =	sadd.s32 $0xFFFFFEF7, lr;
	s5 =	simm.s32 $0xFFFFFFFF;
	p2 =	slt.u32 s8, $0xFFFFF086  }
0x1c: {  	p1 =	slt.u32 s9, $0xF7A;
	s5 =	simm.s32 @!p2 $0x0  }
0x1d: {  	s5 =	simm.s32 @p1 $0x1;
	p0 =	seq.s32 s7, s2  }
0x1e: {  	s7 =	smul.u32 @!p0 $0xF7A, s2;
	p2 =	seq.s32 @!p0 s5, $0x0  }
0x1f: {  	s9 =	smul.u32 $0xF7A, s1;
	s8 =	simm.s32 @!p0 $0x1BF5;
	p2 =	por !p2, p0  }
0x20: {  	[sflag:s8] =	ssyncset.s32 @!p0 $0xFFFFF086;
	s6 =	sadd.s32 @!p0 s3, s7;
	s7 =	simm.s32 @!p0 $0x108  }
0x21: {  	s3 =	sadd.s32 s3, s9;
	s6 =	sadd.s32 @!p0 $0x88, s6;
	s7 =	simm.s32 @p2 $0x1082  }
0x22: {  	[simem:s7], [sflag:s8] =	dma.local @!p0 [hbm:s6], $0xF7A  }
0x23: {  	s9 =	sor.u32 $0xD0000000, s2;
	s6 =	simm.s32 $0x108;
	_ =	swait.ge @!p0 [sflag:s8], $0x0  }
0x24: {  	s3 =	sadd.s32 $0x88, s3;
	s6 =	simm.s32 @!p1 $0x1082;
	[sflag:s4] =	ssyncset.s32 $0xFFFFF086  }
0x25: {  	[simem:s6], [sflag:s4] =	dma.local [hbm:s3], $0xF7A  }
0x26: {  	[smem:$0x3F9F] =	sst s1;
	(tag) =	ssettag s2;
	_ =	strace s9  }
0x27: {  	s1 =	sld [smem:$0x3FAF]  }
0x28: {  	s2 =	sld [smem:$0x3FB0]  }
0x29: {  	s4 =	sld [smem:$0x3FB2]  }
0x2a: {  	p0 =	seq.s32 s5, $0x0;
	s5 =	sld [smem:$0x3FB3]  }
0x2b: {  	s6 =	sld [smem:$0x3FB4]  }
0x2c: {  	s7 =	sld [smem:$0x3FB5]  }
0x2d: {  	s3 =	simm.s32 $0x108;
	s8 =	sld [smem:$0x3FB6]  }
0x2e: {  	s3 =	simm.s32 @!p0 $0x1082;
	s9 =	sld [smem:$0x3FB7]  }
0x2f: {  	lr =	sadd.s32 s0, s3;
	s0 =	sld [smem:$0x3FAE]  }
0x30: {  	s3 =	sld [smem:$0x3FB1]  }
0x31: {  	[smem:$0x3FBA] =	sst s10  }
0x32: {  	s10 =	sld [smem:$0x3FB8];
	_ =	sdelay $0x3  }
0x33: {  	p0 =	seq.s32 s10, $0x1;
	s10 =	sld [smem:$0x3FBA];
	_ =	sdelay $0x3  }
0x34: {  	[smem:$0x3FBA] =	sst s10  }
0x35: {  	s10 =	sld [smem:$0x3FB9];
	_ =	sdelay $0x3  }
0x36: {  	p1 =	seq.s32 s10, $0x1;
	s10 =	sld [smem:$0x3FBA];
	_ =	sdelay $0x3  }
0x37: {  	[smem:$0x3FBA] =	sst s10  }
0x38: {  	s10 =	sld [smem:$0x3FBB]  }
0x39: {  	_ = 	snop;
	(pc) =	sbr.ind lr, $3  }
0x3a: {  	_ = 	snop  }
0x3b: {  	_ = 	snop  }
0x3c: {  	p2 =	seq.s32 s10, $0x1;
	s10 =	sld [smem:$0x3FBA]  }
0x3d: {  	_ =	shalt  }
0x3e: {  	_ =	shalt  }
0x3f: {  	_ =	shalt  }
0x40: {  	_ =	shalt  }
0x41: {  	_ =	shalt  }
0x42: {  	_ =	shalt  }
0x43: {  	_ =	shalt  }
0x44: {  	_ =	shalt  }
0x45: {  	_ =	shalt  }
0x46: {  	_ =	shalt  }
0x47: {  	_ =	shalt  }
0x48: {  	_ =	shalt  }
0x49: {  	_ =	shalt  }
0x4a: {  	_ =	shalt  }
0x4b: {  	_ =	shalt  }
0x4c: {  	_ =	shalt  }
0x4d: {  	_ =	shalt  }
0x4e: {  	_ =	shalt  }
0x4f: {  	_ =	shalt  }
0x50: {  	_ =	shalt  }
0x51: {  	_ =	shalt  }
0x52: {  	_ =	shalt  }
0x53: {  	_ =	shalt  }
0x54: {  	_ =	shalt  }
0x55: {  	_ =	shalt  }
0x56: {  	_ =	shalt  }
0x57: {  	_ =	shalt  }
0x58: {  	_ =	shalt  }
0x59: {  	_ =	shalt  }
0x5a: {  	_ =	shalt  }
0x5b: {  	_ =	shalt  }
0x5c: {  	_ =	shalt  }
0x5d: {  	_ =	shalt  }
0x5e: {  	_ =	shalt  }
0x5f: {  	_ =	shalt  }
0x60: {  	_ =	shalt  }
0x61: {  	_ =	shalt  }
0x62: {  	_ =	shalt  }
0x63: {  	_ =	shalt  }
0x64: {  	_ =	shalt  }
0x65: {  	_ =	shalt  }
0x66: {  	_ =	shalt  }
0x67: {  	_ =	shalt  }
0x68: {  	_ =	shalt  }
0x69: {  	_ =	shalt  }
0x6a: {  	_ =	shalt  }
0x6b: {  	_ =	shalt  }
0x6c: {  	_ =	shalt  }
0x6d: {  	_ =	shalt  }
0x6e: {  	_ =	shalt  }
0x6f: {  	_ =	shalt  }
0x70: {  	_ =	shalt  }
0x71: {  	_ =	shalt  }
0x72: {  	_ =	shalt  }
0x73: {  	_ =	shalt  }
0x74: {  	_ =	shalt  }
0x75: {  	_ =	shalt  }
0x76: {  	_ =	shalt  }
0x77: {  	_ =	shalt  }
0x78: {  	_ =	shalt  }
0x79: {  	_ =	shalt  }
0x7a: {  	_ =	shalt  }
0x7b: {  	_ =	shalt  }
0x7c: {  	_ =	shalt  }
0x7d: {  	_ =	shalt  }
0x7e: {  	_ =	shalt  }
0x7f: {  	_ =	shalt  }
0x80: {  	_ =	shalt  }
0x81: {  	_ =	shalt  }
0x82: {  	_ =	shalt  }
0x83: {  	_ =	shalt  }
0x84: {  	_ =	shalt  }
0x85: {  	_ =	shalt  }
0x86: {  	_ =	shalt  }
0x87: {  	_ =	shalt  }
.Lfunc_end0:
.L_simem_size_0:
called_computation_lowered:
.L_overlay_start_0:
0x88: {  	s2 =	sld [smem:$0x3FD9]  }
0x89: {  	s3 =	sld [smem:$0x3FFE];
	_ =	sdelay $0x1  }
0x8a: {  	s1 =	srdreg.scid  }
0x8b: {  	s0 =	sand.u32 $0x1, s1  }
0x8c: {  	s17 =	sshll.u32 s0, $0xA;
	s2 =	sadd.s32 s3, s2  }
0x8d: {  	s2 =	sadd.s32 s2, s17  }
0x8e: {  	[smem:$0x3FC6] =	sst s2  }
0x8f: {  	_ = 	snop  }
0x90: {  	s2 =	sld [smem:$0x3FC9]  }
0x91: {  	s18 =	sld [smem:$0x3FC8];
	(tm) =	ssettm $0x1  }
0x92: {  	s4 =	sld [smem:$0x3FFB];
	_ =	sdelay $0x3  }
0x93: {  	_ =	strace s4  }
0x94: {  	s4 =	sld [smem:$0x3FFC];
	_ =	sdelay $0x3  }
0x95: {  	_ =	strace s4  }
0x96: {  	s4 =	sld [smem:$0x3FFD];
	_ =	sdelay $0x3  }
0x97: {  	_ =	strace s4  }
0x98: {  	_ =	strace $0x8FFFFFFF  }
0x99: {  	s19 =	sld [smem:$0x3FDB];
	_ =	sdelay $0x1  }
0x9a: {  	s5 =	simm.s32 $_scs_section_size  }
0x9b: {  	s6 =	simm.s32 $_size__tile_overlayer_lowered;
	s7 =	simm.s32 $_tile_overlayer_lowered  }
0x9c: {  	s22 =	simm.s32 $0x1BFF;
	s21 =	sshll.u32 s7, $0x1;
	s4 =	sadd.s32 s5, s19  }
0x9d: {  	s8 =	simm.s32 $0x0;
	s20 =	sshll.u32 s6, $0x1;
	s6 =	sadd.s32 s21, s4  }
0x9e: {  	[timem:s8], [sflag:s22] =	dma.local [hbm:s6], s20  }
0x9f: {  	_ =	swait.ge [sflag:s22], s20  }
0xa0: {  	s5 =	ssub.s32 $0x0, s20;
	[sflag:s22] =	ssyncset.done $0x0  }
0xa1: {  	[sflag:s22] =	ssyncadd.s32 s5;
	_ =	sdelay $0x1  }
0xa2: {  	s23 =	simm.s32 $0x1B8B  }
0xa3: {  	_ =	swait.ge [sflag:s23], $0x1  }
0xa4: {  	[sflag:s23] =	ssyncset.done $0x0  }
0xa5: {  	s25 =	simm.s32 $0x1B8E;
	s24 =	sld [smem:$0x3FFE];
	[sflag:s23] =	ssyncadd.s32 $0xFFFFFFFF  }
0xa6: {  	s26 =	simm.s32 $execute0_lowered;
	[smem:$0x3FD2] =	sst s25  }
0xa7: {  	s6 =	sshll.u32 s26, $0x1;
	_ =	strace $0x80000046;
	[dreg:$0x1] =	wrdreg $0xFFFFFFFF  }
0xa8: {  	s28 =	simm.s32 $_size_execute0_lowered;
	s4 =	sadd.s32 s4, s6;
	[dreg:$0x0] =	wrdreg $0x0  }
0xa9: {  	s6 =	sshll.u32 s28, $0x1;
	[dreg:$0x2] =	wrdreg s4  }
0xaa: {  	[dreg:$0x3] =	wrdreg s6  }
0xab: {  	[dreg:$0x4] =	wrdreg $0xC0  }
0xac: {  	_ =	task [dreg:s8], $0x5FFFF  }
0xad: {  	[dreg:$0x1] =	wrdreg $0xFFFFFFFF  }
0xae: {  	[dreg:$0x0] =	wrdreg $0x60  }
0xaf: {  	[dreg:$0x2] =	wrdreg s2  }
0xb0: {  	[dreg:$0x3] =	wrdreg s18  }
0xb1: {  	[dreg:$0x4] =	wrdreg s24  }
0xb2: {  	[dreg:$0x5] =	wrdreg $0x9  }
0xb3: {  	_ =	task.clear_ibuf [dreg:s8], $0x6FFFF;
	_ =	strace $0x90000046  }
0xb4: {  	s29 =	simm.s32 $0x9;
	_ =	strace $0x80000048  }
0xb5: {  	_ =	swait.ge [sflag:s29], $0x1  }
0xb6: {  	[sflag:s29] =	ssyncadd.s32 $0xFFFFFFFF  }
0xb7: {  	_ =	strace $0x90000048  }
0xb8: {  	_ =	sfence  }
0xb9: {  	s30 =	sld [smem:$0x0];
	_ =	sdelay $0x2  }
0xba: {  	s31 =	sshll.u32 s1, $0xD;
	s1 =	sshrl.u32 s1, $0x2  }
0xbb: {  	s3 =	sand.u32 $0x4000, s31;
	s1 =	sadd.s32 s1, s30  }
0xbc: {  	s0 =	sor.u32 s3, s0;
	s1 =	sshll.u32 s1, $0x11  }
0xbd: {  	s0 =	sor.u32 s1, s0  }
0xbe: {  	s0 =	sadd.s32 $0x8F2B, s0  }
0xbf: {  	[sflag:s0] =	ssyncadd.remote.s32 $0x1  }
0xc0: {  	_ =	sfence.sel $0xFFFF  }
0xc1: {  	[dreg:$0x0] =	wrdreg $0xFFFFFFFF;
	(pc) =	sbr.abs _section_cstart, $3  }
0xc2: {  	[dreg:$0x1] =	wrdreg $0xFFFFFFFF  }
0xc3: {  	_ =	task.clear_ibuf [dreg:s8], $0x2FFFF;
	_ =	strace $0x9FFFFFFF  }
0xc4: {  	(tm) =	ssettm $0x7FFFFFFF  }
0xc5: {  	_ =	shalt  }
tec
execute0_lowered:
.L_overlay_start_1:
0x0: {  	(tag) =	ssettag $0x1  }
0x1: {  	s1 =	rddreg [dreg:$0x0]  }
0x2: {  	s6 =	stileid.u32;
	s4 =	rddreg [dreg:$0x1]  }
0x3: {  	s0 =	srdreg.scid;
	s3 =	rddreg [dreg:$0x2]  }
0x4: {  	s7 =	simm.s32 $0x0;
	s0 =	sand.u32 $0x1, s0;
	s2 =	sshll.u32 s6, $0x1  }
0x5: {  	s5 =	simm.s32 $0x1;
	s28 =	simm.s32 $0x3;
	s2 =	sor.u32 s0, s2  }
0x6: {  	s29 =	simm.s32 $0x4;
	p1 =	seq.s32 s0, $0x1;
	p0 =	seq.s32 s2, $0x0  }
0x7: {  	s30 =	simm.s32 $0x0;
	[smem:$0x7FF] =	sst s7;
	p0 =	por !p0, !p1  }
0x8: {  	s21 =	sshll.u32 s0, $0x11;
	s0 =	ssub.s32 $0x2, s0;
	p0 =	por !p0, !p0  }
0x9: {  	_ =	strace $0x80000047;
	s22 =	sshrl.u32 s0, $0x1;
	s5 =	simm.s32 @!p0 $0x0  }
0xa: {  	s2 =	sshll.u32 s2, $0x4;
	s0 =	ssub.s32 s0, s22;
	s5 =	ssub.s32 s6, s5  }
0xb: {  	s2 =	sand.u32 $0x70, s2;
	s6 =	sshll.u32 s6, $0x8;
	s5 =	sshll.u32 s5, $0x12  }
0xc: {  	s22 =	simm.s32 $0x4000;
	s6 =	sand.u32 $0xC00, s6;
	s5 =	sor.u32 s21, s5  }
0xd: {  	s6 =	sadd.s32 s6, s3;
	s3 =	simm.s32 $0x1;
	s21 =	smax.u32 s0, $0x1  }
0xe: {  	s0 =	simm.s32 $0x5;
	s5 =	sshrl.u32 s5, $0x3;
	s31 =	sadd.s32 s2, s6  }
0xf: {  	s23 =	sor.u32 $0x800, s5;
	s8 =	sadd.s32 s1, s5;
	s24 =	sadd.s32 s4, s5  }
0x10: {  	s9 =	sor.u32 $0x1000, s5;
	s11 =	sor.u32 $0x1800, s5;
	s13 =	sor.u32 $0x2000, s5  }
0x11: {  	s15 =	sor.u32 $0x2800, s5;
	s17 =	sor.u32 $0x3000, s5;
	[dreg:$0x4] =	wrdreg s8  }
0x12: {  	s5 =	sor.u32 $0x3800, s5;
	s20 =	sadd.s32 $0x800, s31;
	[dreg:$0x5] =	wrdreg s24  }
0x13: {  	s25 =	sadd.s32 s1, s23;
	s7 =	sadd.s32 s4, s23;
	s26 =	sadd.s32 s1, s9  }
0x14: {  	s9 =	sadd.s32 s4, s9;
	s10 =	sadd.s32 s1, s11;
	s11 =	sadd.s32 s4, s11  }
0x15: {  	s12 =	sadd.s32 s1, s13;
	s13 =	sadd.s32 s4, s13;
	s14 =	sadd.s32 s1, s15  }
0x16: {  	s15 =	sadd.s32 s4, s15;
	s16 =	sadd.s32 s1, s17;
	s17 =	sadd.s32 s4, s17  }
0x17: {  	v2 =	vlaneseq.u32;
	s18 =	sadd.s32 s1, s5;
	s19 =	sadd.s32 s4, s5;
	[dreg:$0x6] =	wrdreg s25  }
0x18: {  	v2 =	vmul.u32 $0x400, v2;
	s23 =	simm.s32 $0x8000;
	s24 =	simm.s32 $0xC000;
	[dreg:$0x7] =	wrdreg s7  }
0x19: {  	v0 =	vimm.f32 $0.0e+00;
	v1 =	vimm.f32 $1.000000000e+00;
	[dreg:$0x8] =	wrdreg s26;
	s25 =	simm.s32 $0x2;
	s26 =	simm.s32 $0x10000  }
.LBB2_1:
0x1a: {  	s1 =	simm.s32 $0x0;
	s2 =	rddreg [dreg:$0x4]  }
0x1b: {  	[tilespmem:s1], [sflag:$0x1] =	stream.linear.gather [hbm4b:s2+s1], $0x4000, $0x38;
	[tilespmem:$0x14400] =	vst v63  }
0x1c: {  	s31 =	rddreg [dreg:$0x5]  }
0x1d: {  	[tilespmem:s22], [sflag:$0x2] =	stream.linear.gather [hbm4b:s31+s1], $0x4000, $0x38;
	[tilespmem:$0x14400] =	vst v63  }
0x1e: {  	s1 =	simm.s32 $0x10040  }
0x1f: {  	[tilespmem:s1+$0xFFFFFFC0] =	vst v0  }
0x20: {  	[tilespmem:s1+$0x30] =	vst v0  }
0x21: {  	[tilespmem:s1+$0x20] =	vst v0  }
0x22: {  	[tilespmem:s1+$0x10] =	vst v0  }
0x23: {  	[tilespmem:s1+$0x0] =	vst v0  }
0x24: {  	[tilespmem:s1+$0xFFFFFFF0] =	vst v0  }
0x25: {  	s2 =	simm.s32 $0x0;
	[tilespmem:s1+$0xFFFFFFE0] =	vst v0  }
.LBB2_2:
0x26: {  	s2 =	sadd.s32 $0x8, s2;
	[tilespmem:s1+$0xFFFFFFD0] =	vst v0;
	s1 =	sadd.s32 $0x80, s1  }
0x27: {  	[tilespmem:s1+$0xFFFFFFC0] =	vst v0;
	p0 =	slt.u32 s2, $0x3F8  }
0x28: {  	[tilespmem:s1+$0x30] =	vst v0  }
.Ltmp0:
0x29: {  	[tilespmem:s1+$0x20] =	vst v0;
	(pc) =	sbr.rel @p0 .LBB2_2-.Ltmp0, $4  }
0x2a: {  	[tilespmem:s1+$0x10] =	vst v0  }
0x2b: {  	[tilespmem:s1+$0x0] =	vst v0  }
0x2c: {  	[tilespmem:s1+$0xFFFFFFF0] =	vst v0  }
0x2d: {  	[tilespmem:s1+$0xFFFFFFE0] =	vst v0  }
0x2e: {  	[tilespmem:s1+$0xFFFFFFD0] =	vst v0  }
0x2f: {  	s8 =	simm.s32 $0x0;
	s2 =	rddreg [dreg:$0x6]  }
0x30: {  	[tilespmem:s23], [sflag:$0x3] =	stream.linear.gather [hbm4b:s2+s8], $0x4000, $0x38;
	[tilespmem:$0x14400] =	vst v63  }
0x31: {  	s4 =	rddreg [dreg:$0x7]  }
0x32: {  	[tilespmem:s24], [sflag:$0x4] =	stream.linear.gather [hbm4b:s4+s8], $0x4000, $0x38;
	[tilespmem:$0x14400] =	vst v63  }
0x33: {  	_ =	swait.ge [sflag:s3], $0x4000  }
0x34: {  	[sflag:s3] =	ssyncset.done $0x0  }
0x35: {  	[sflag:s3] =	ssyncadd.s32 $0xFFFFC000  }
0x36: {  	s5 =	sand.u32 $0x3000, s8;
	s4 =	sand.u32 $0xC00, s8;
	_ =	swait.ge [sflag:s25], $0x4000  }
0x37: {  	s1 =	sand.u32 $0x380, s8;
	s2 =	sor.u32 s4, s5;
	[sflag:s25] =	ssyncset.done $0x0  }
0x38: {  	s1 =	sor.u32 s1, s2;
	[sflag:s25] =	ssyncadd.s32 $0xFFFFC000  }
0x39: {  	v4 =	vld [tilespmem:s1+$0x4000]  }
0x3a: {  	v5 =	vld [tilespmem:s1+$0x4060]  }
0x3b: {  	v6 =	vld [tilespmem:s1+$0x4040]  }
0x3c: {  	v7 =	vld [tilespmem:s1+$0x4030]  }
0x3d: {  	v9 =	vld [tilespmem:s1+$0x4020]  }
0x3e: {  	v8 =	vld [tilespmem:s1+$0x4050]  }
0x3f: {  	v14 =	vld [tilespmem:s1+$0x4010];
	_ =	sdelay $0x1  }
0x40: {  	v3 =	vld [tilespmem:s1+$0x60];
	v12 =	vmul.f32 $1.024000000e+03, v6;
	v13 =	vmul.f32 $1.024000000e+03, v5  }
0x41: {  	v10 =	vld [tilespmem:s1+$0x40];
	v15 =	vmul.f32 $1.024000000e+03, v7;
	v6 =	vadd.f32 $1.000000000e+00, v6;
	v16 =	vadd.f32 $1.000000000e+00, v9  }
0x42: {  	v11 =	vld [tilespmem:s1+$0x30];
	v17 =	vmul.f32 $1.024000000e+03, v8;
	v7 =	vadd.f32 $1.000000000e+00, v7;
	v18 =	vmul.f32 $1.024000000e+03, v4  }
0x43: {  	v20 =	vld [tilespmem:s1+$0x10];
	v8 =	vadd.f32 $1.000000000e+00, v8;
	v19 =	vadd.f32 $1.000000000e+00, v14;
	v14 =	vmul.f32 $1.024000000e+03, v14  }
0x44: {  	v9 =	vmul.f32 $1.024000000e+03, v9;
	v5 =	vadd.f32 $1.000000000e+00, v5;
	v12 =	vadd.f32 $5.000000000e-01, v12  }
0x45: {  	s6 =	simm.s32 $0x400;
	s7 =	simm.s32 $0x80;
	v21 =	vld [tilespmem:s1+$0x70];
	v13 =	vadd.f32 $5.000000000e-01, v13;
	v15 =	vadd.f32 $5.000000000e-01, v15;
	v7 =	vmul.f32 $5.120000000e+02, v7  }
0x46: {  	s4 =	sand.u32 $0x3000, s7;
	s5 =	simm.s32 $0x20;
	s2 =	sand.u32 $0xC00, s6;
	v14 =	vadd.f32 $5.000000000e-01, v14;
	v5 =	vmul.f32 $5.120000000e+02, v5;
	v10 =	vmul.f32 v12, v10;
	v12 =	vld [tilespmem:s1+$0x0]  }
0x47: {  	s8 =	sand.u32 $0x380, s5;
	s2 =	sor.u32 s2, s4;
	v4 =	vadd.f32 $1.000000000e+00, v4;
	v3 =	vmul.f32 v13, v3;
	v13 =	vld [tilespmem:s1+$0x4070];
	v11 =	vmul.f32 v15, v11  }
0x48: {  	s5 =	sor.u32 s8, s2;
	v18 =	vadd.f32 $5.000000000e-01, v18;
	v19 =	vmul.f32 $5.120000000e+02, v19;
	v15 =	vld [tilespmem:s1+$0x20];
	v14 =	vmul.f32 v14, v20  }
0x49: {  	v22 =	vld [tilespmem:s5+$0x60];
	v8 =	vmul.f32 $5.120000000e+02, v8;
	v11 =	vsub.f32 v7, v11;
	v3 =	vsub.f32 v5, v3  }
0x4a: {  	v23 =	vld [tilespmem:s5+$0x4000];
	v6 =	vmul.f32 $5.120000000e+02, v6;
	v4 =	vmul.f32 $5.120000000e+02, v4;
	v14 =	vsub.f32 v19, v14  }
0x4b: {  	v24 =	vld [tilespmem:s5+$0x4030];
	v9 =	vadd.f32 $5.000000000e-01, v9;
	v3 =	vtrunc.f32 v3;
	v11 =	vtrunc.f32 v11  }
0x4c: {  	v5 =	vsub.f32 v6, v10;
	v10 =	vld [tilespmem:s5+$0x4020];
	v14 =	vtrunc.f32 v14;
	v12 =	vmul.f32 v18, v12  }
0x4d: {  	v25 =	vld [tilespmem:s5+$0x30];
	v7 =	vmul.f32 $1.024000000e+03, v13;
	v13 =	vadd.f32 $1.000000000e+00, v13;
	v9 =	vmul.f32 v9, v15  }
0x4e: {  	v17 =	vadd.f32 $5.000000000e-01, v17;
	v18 =	vld [tilespmem:s1+$0x50];
	v15 =	vmul.f32 $5.120000000e+02, v16;
	v3 =	vcvt.f32.s32 v3  }
0x4f: {  	s7 =	simm.s32 $0x100;
	s6 =	simm.s32 $0x800;
	v27 =	vld [tilespmem:s5+$0x4070];
	v11 =	vcvt.f32.s32 v11;
	v7 =	vadd.f32 $5.000000000e-01, v7;
	v13 =	vmul.f32 $5.120000000e+02, v13  }
0x50: {  	s31 =	simm.s32 $0x40;
	s4 =	sand.u32 $0x3000, s7;
	s2 =	sand.u32 $0xC00, s6;
	v29 =	vld [tilespmem:s5+$0x50];
	v4 =	vsub.f32 v4, v12;
	v9 =	vsub.f32 v15, v9;
	v15 =	vtrunc.f32 v5  }
0x51: {  	s8 =	sand.u32 $0x380, s31;
	s2 =	sor.u32 s2, s4;
	v16 =	vld [tilespmem:s5+$0x4040];
	v26 =	vadd.f32 $1.000000000e+00, v10;
	v31 =	vadd.s32 v2, v3;
	v10 =	vmul.f32 $1.024000000e+03, v10  }
0x52: {  	s1 =	sor.u32 s8, s2;
	v12 =	vld [tilespmem:s5+$0x4060];
	v11 =	vadd.s32 v2, v11;
	v7 =	vmul.f32 v7, v21;
	v4 =	vtrunc.f32 v4  }
0x53: {  	v19 =	vld [tilespmem:s1+$0x4030];
	v9 =	vtrunc.f32 v9;
	v10 =	vadd.f32 $5.000000000e-01, v10;
	v6 =	vmul.f32 v17, v18  }
0x54: {  	v30 =	vld [tilespmem:s5+$0x70];
	v9 =	vcvt.f32.s32 v9;
	v18 =	vmul.f32 $1.024000000e+03, v24;
	v24 =	vadd.f32 $1.000000000e+00, v24  }
0x55: {  	v20 =	vld [tilespmem:s5+$0x10];
	v4 =	vcvt.f32.s32 v4;
	v7 =	vsub.f32 v13, v7;
	v5 =	vsub.f32 v8, v6  }
0x56: {  	v13 =	vld [tilespmem:s5+$0x4050];
	v8 =	vadd.f32 $1.000000000e+00, v16;
	v16 =	vmul.f32 $1.024000000e+03, v16;
	v9 =	vadd.s32 v2, v9  }
0x57: {  	v6 =	vld [tilespmem:s5+$0x40];
	v21 =	vmul.f32 $1.024000000e+03, v12;
	v18 =	vadd.f32 $5.000000000e-01, v18;
	v24 =	vmul.f32 $5.120000000e+02, v24  }
0x58: {  	v4 =	vadd.s32 v2, v4;
	[tilespmem:v11+s26+$0x0] =	vst.idx.add.f32.msk $0xffff, v1;
	v11 =	vmul.f32 $1.024000000e+03, v19;
	v7 =	vtrunc.f32 v7  }
0x59: {  	v17 =	vld [tilespmem:s5+$0x4010];
	v12 =	vadd.f32 $1.000000000e+00, v12;
	v5 =	vtrunc.f32 v5;
	v3 =	vmul.f32 v18, v25  }
0x5a: {  	v33 =	vld [tilespmem:s1+$0x60];
	v21 =	vadd.f32 $5.000000000e-01, v21;
	v18 =	vcvt.f32.s32 v7;
	v8 =	vmul.f32 $5.120000000e+02, v8  }
0x5b: {  	v36 =	vld [tilespmem:s1+$0x4010];
	v16 =	vadd.f32 $5.000000000e-01, v16;
	v12 =	vmul.f32 $5.120000000e+02, v12;
	v5 =	vcvt.f32.s32 v5  }
0x5c: {  	v25 =	vld [tilespmem:s5+$0x20];
	v28 =	vmul.f32 $1.024000000e+03, v13;
	v21 =	vmul.f32 v21, v22;
	v13 =	vadd.f32 $1.000000000e+00, v13  }
0x5d: {  	v22 =	vld [tilespmem:s5+$0x0];
	v34 =	vadd.s32 v2, v18;
	v18 =	vmul.f32 $1.024000000e+03, v27;
	v16 =	vmul.f32 v16, v6  }
0x5e: {  	v6 =	vadd.f32 $1.000000000e+00, v17;
	v17 =	vmul.f32 $1.024000000e+03, v17;
	[tilespmem:v9+s26+$0x0] =	vst.idx.add.f32.msk $0xffff, v1;
	v9 =	vmul.f32 $1.024000000e+03, v23  }
0x5f: {  	[tilespmem:v31+s26+$0x0] =	vst.idx.add.f32.msk $0xffff, v1;
	v23 =	vadd.f32 $1.000000000e+00, v23;
	v28 =	vadd.f32 $5.000000000e-01, v28;
	v32 =	vmul.f32 $5.120000000e+02, v13  }
0x60: {  	v7 =	vld [tilespmem:s1+$0x4000];
	v13 =	vadd.s32 v2, v5;
	v5 =	vsub.f32 v24, v3;
	v18 =	vadd.f32 $5.000000000e-01, v18  }
0x61: {  	[tilespmem:v4+s26+$0x0] =	vst.idx.add.f32.msk $0xffff, v1;
	v12 =	vsub.f32 v12, v21;
	v21 =	vcvt.f32.s32 v15;
	v9 =	vadd.f32 $5.000000000e-01, v9  }
0x62: {  	v24 =	vld [tilespmem:s1+$0x40];
	v35 =	vadd.f32 $5.000000000e-01, v17;
	v10 =	vmul.f32 v10, v25;
	v17 =	vmul.f32 $5.120000000e+02, v26  }
0x63: {  	v4 =	vmul.f32 $5.120000000e+02, v6;
	v25 =	vld [tilespmem:s1+$0x4040];
	v22 =	vmul.f32 v9, v22;
	v9 =	vadd.f32 $1.000000000e+00, v27  }
0x64: {  	v3 =	vld [tilespmem:s1+$0x10];
	v23 =	vmul.f32 $5.120000000e+02, v23;
	v18 =	vmul.f32 v18, v30;
	v10 =	vsub.f32 v17, v10  }
0x65: {  	v6 =	vld [tilespmem:s1+$0x4060];
	v8 =	vsub.f32 v8, v16;
	v16 =	vmul.f32 v28, v29;
	v27 =	vmul.f32 $5.120000000e+02, v9  }
0x66: {  	v29 =	vadd.s32 v2, v21;
	v17 =	vld [tilespmem:s1+$0x4050];
	v15 =	vsub.f32 v23, v22;
	v10 =	vtrunc.f32 v10  }
0x67: {  	v8 =	vtrunc.f32 v8;
	[tilespmem:v34+s26+$0x0] =	vst.idx.add.f32.msk $0xffff, v1;
	v23 =	vsub.f32 v27, v18;
	v18 =	vcvt.f32.s32 v10  }
0x68: {  	[tilespmem:v13+s26+$0x0] =	vst.idx.add.f32.msk $0xffff, v1;
	v22 =	vtrunc.f32 v15;
	v15 =	vadd.f32 $1.000000000e+00, v25;
	v25 =	vmul.f32 $1.024000000e+03, v25  }
0x69: {  	v13 =	vld [tilespmem:s1+$0x4020];
	v10 =	vmul.f32 v35, v20;
	v20 =	vcvt.f32.s32 v22;
	v22 =	vadd.s32 v2, v18  }
0x6a: {  	v16 =	vsub.f32 v32, v16;
	v9 =	vld [tilespmem:s1+$0x30];
	v30 =	vmul.f32 $1.024000000e+03, v6;
	v27 =	vcvt.f32.s32 v14  }
0x6b: {  	[tilespmem:v29+s26+$0x0] =	vst.idx.add.f32.msk $0xffff, v1;
	v29 =	vadd.f32 $1.000000000e+00, v19;
	v31 =	vmul.f32 $1.024000000e+03, v17;
	v28 =	vadd.f32 $5.000000000e-01, v25  }
0x6c: {  	v18 =	vld [tilespmem:s1+$0x4070];
	v25 =	vadd.f32 $5.000000000e-01, v11;
	v26 =	vtrunc.f32 v23;
	v21 =	vadd.s32 v2, v20  }
0x6d: {  	v11 =	vld [tilespmem:s1+$0x50];
	v23 =	vadd.f32 $5.000000000e-01, v30;
	v30 =	vtrunc.f32 v12;
	v20 =	vtrunc.f32 v16  }
0x6e: {  	v14 =	vadd.f32 $1.000000000e+00, v13;
	v30 =	vcvt.f32.s32 v30;
	[tilespmem:v22+s26+$0x0] =	vst.idx.add.f32.msk $0xffff, v1;
	v22 =	vadd.s32 v2, v27  }
0x6f: {  	v16 =	vld [tilespmem:s1+$0x70];
	v19 =	vadd.f32 $5.000000000e-01, v31;
	v12 =	vmul.f32 v28, v24;
	v24 =	vcvt.f32.s32 v20  }
0x70: {  	s4 =	simm.s32 $0xC00;
	s2 =	simm.s32 $0x10;
	s5 =	simm.s32 $0x180;
	v20 =	vmul.f32 v23, v33;
	v28 =	vld [tilespmem:s1+$0x0];
	v23 =	vmul.f32 $1.024000000e+03, v36;
	v27 =	vadd.f32 $1.000000000e+00, v36  }
.LBB2_4:
0x71: {  	s6 =	sand.u32 $0x3000, s5;
	s7 =	sand.u32 $0xC00, s4;
	v31 =	vmul.f32 $1.024000000e+03, v7;
	v17 =	vadd.f32 $1.000000000e+00, v17;
	s31 =	sadd.s32 $0x20, s31;
	[tilespmem:v21+s26+$0x0] =	vst.idx.add.f32.msk $0xffff, v1;
	v21 =	vadd.s32 v2, v30  }
0x72: {  	s2 =	sadd.s32 $0x8, s2;
	v30 =	vadd.f32 $1.000000000e+00, v7;
	v9 =	vmul.f32 v25, v9;
	v25 =	vcvt.f32.s32 v26;
	s6 =	sor.u32 s7, s6;
	s7 =	sand.u32 $0x380, s31;
	v32 =	vld [tilespmem:s1+$0x20]  }
0x73: {  	p0 =	slt.u32 s2, $0x3F8;
	v29 =	vmul.f32 $5.120000000e+02, v29;
	s1 =	sor.u32 s7, s6;
	v26 =	vadd.f32 $5.000000000e-01, v31;
	v31 =	vmul.f32 $5.120000000e+02, v17;
	[tilespmem:v22+s26+$0x0] =	vst.idx.add.f32.msk $0xffff, v1  }
0x74: {  	v13 =	vmul.f32 $1.024000000e+03, v13;
	v17 =	vmul.f32 $5.120000000e+02, v27;
	v22 =	vadd.s32 v2, v24;
	v33 =	vld [tilespmem:s1+$0x60]  }
0x75: {  	v15 =	vmul.f32 $5.120000000e+02, v15;
	v25 =	vadd.s32 v2, v25;
	v7 =	vld [tilespmem:s1+$0x4000];
	v24 =	vmul.f32 v26, v28  }
0x76: {  	v27 =	vadd.f32 $1.000000000e+00, v18;
	v18 =	vmul.f32 $1.024000000e+03, v18;
	v9 =	vsub.f32 v29, v9;
	v26 =	vld [tilespmem:s1+$0x4060]  }
0x77: {  	v6 =	vadd.f32 $1.000000000e+00, v6;
	v13 =	vadd.f32 $5.000000000e-01, v13;
	v29 =	vtrunc.f32 v5;
	v28 =	vld [tilespmem:s1+$0x40]  }
0x78: {  	v30 =	vmul.f32 $5.120000000e+02, v30;
	v27 =	vmul.f32 $5.120000000e+02, v27;
	v18 =	vadd.f32 $5.000000000e-01, v18;
	v5 =	vmovc v9;
	v34 =	vld [tilespmem:s1+$0x10]  }
0x79: {  	v23 =	vadd.f32 $5.000000000e-01, v23;
	v37 =	vmul.f32 $5.120000000e+02, v6;
	v13 =	vmul.f32 v13, v32;
	v9 =	vld [tilespmem:s1+$0x30]  }
0x7a: {  	v14 =	vmul.f32 $5.120000000e+02, v14;
	v10 =	vsub.f32 v4, v10;
	v29 =	vcvt.f32.s32 v29;
	v4 =	vmovc v17;
	v32 =	vld [tilespmem:s1+$0x4040]  }
0x7b: {  	v36 =	vcvt.f32.s32 v8;
	v20 =	vsub.f32 v37, v20;
	v16 =	vmul.f32 v18, v16;
	v35 =	vld [tilespmem:s1+$0x4030];
	v6 =	vmovc v26  }
0x7c: {  	v8 =	vsub.f32 v30, v24;
	v13 =	vsub.f32 v14, v13;
	v14 =	vadd.s32 v2, v29;
	v37 =	vld [tilespmem:s1+$0x4010]  }
0x7d: {  	v11 =	vmul.f32 v19, v11;
	v12 =	vsub.f32 v15, v12;
	v18 =	vtrunc.f32 v10;
	v17 =	vld [tilespmem:s1+$0x4050]  }
0x7e: {  	v19 =	vtrunc.f32 v8;
	v16 =	vsub.f32 v27, v16;
	v8 =	vtrunc.f32 v13;
	[tilespmem:v22+s26+$0x0] =	vst.idx.add.f32.msk $0xffff, v1  }
0x7f: {  	v11 =	vsub.f32 v31, v11;
	v22 =	vcvt.f32.s32 v8;
	v8 =	vtrunc.f32 v12;
	v13 =	vld [tilespmem:s1+$0x4020]  }
0x80: {  	v10 =	vmul.f32 v23, v3;
	v3 =	vmovc v34;
	v15 =	vadd.f32 $1.000000000e+00, v32;
	v12 =	vmul.f32 $1.024000000e+03, v32;
	[tilespmem:v21+s26+$0x0] =	vst.idx.add.f32.msk $0xffff, v1  }
0x81: {  	v23 =	vcvt.f32.s32 v18;
	v19 =	vcvt.f32.s32 v19;
	v22 =	vadd.s32 v2, v22;
	[tilespmem:v14+s26+$0x0] =	vst.idx.add.f32.msk $0xffff, v1  }
0x82: {  	v29 =	vadd.s32 v2, v36;
	v24 =	vmul.f32 $1.024000000e+03, v35;
	v12 =	vadd.f32 $5.000000000e-01, v12;
	v18 =	vld [tilespmem:s1+$0x4070]  }
0x83: {  	v27 =	vmul.f32 $1.024000000e+03, v6;
	v21 =	vadd.s32 v2, v19;
	v19 =	vtrunc.f32 v11;
	[tilespmem:v25+s26+$0x0] =	vst.idx.add.f32.msk $0xffff, v1  }
.Ltmp1:
0x84: {  	v26 =	vtrunc.f32 v16;
	v25 =	vadd.f32 $5.000000000e-01, v24;
	v14 =	vadd.f32 $1.000000000e+00, v13;
	v11 =	vld [tilespmem:s1+$0x50];
	(pc) =	sbr.rel @p0 .LBB2_4-.Ltmp1, $4  }
0x85: {  	v30 =	vadd.f32 $5.000000000e-01, v27;
	v32 =	vtrunc.f32 v20;
	v31 =	vmul.f32 $1.024000000e+03, v17;
	v16 =	vld [tilespmem:s1+$0x70]  }
0x86: {  	v12 =	vmul.f32 v12, v28;
	v24 =	vcvt.f32.s32 v19;
	[tilespmem:v22+s26+$0x0] =	vst.idx.add.f32.msk $0xffff, v1;
	v22 =	vadd.s32 v2, v23  }
0x87: {  	v20 =	vmul.f32 v30, v33;
	v30 =	vcvt.f32.s32 v32;
	v27 =	vadd.f32 $1.000000000e+00, v37;
	[tilespmem:v29+s26+$0x0] =	vst.idx.add.f32.msk $0xffff, v1  }
0x88: {  	s4 =	sadd.s32 $0x400, s4;
	s5 =	sadd.s32 $0x80, s5;
	v19 =	vadd.f32 $5.000000000e-01, v31;
	v23 =	vmul.f32 $1.024000000e+03, v37;
	v29 =	vadd.f32 $1.000000000e+00, v35;
	v28 =	vld [tilespmem:s1+$0x0]  }
0x89: {  	v31 =	vmul.f32 $1.024000000e+03, v7;
	v17 =	vadd.f32 $1.000000000e+00, v17;
	v30 =	vadd.s32 v2, v30  }
0x8a: {  	v7 =	vadd.f32 $1.000000000e+00, v7;
	v9 =	vmul.f32 v25, v9;
	v25 =	vcvt.f32.s32 v26  }
0x8b: {  	v27 =	vmul.f32 $5.120000000e+02, v27;
	v13 =	vmul.f32 $1.024000000e+03, v13;
	v24 =	vadd.s32 v2, v24  }
0x8c: {  	v15 =	vmul.f32 $5.120000000e+02, v15;
	v6 =	vadd.f32 $1.000000000e+00, v6;
	v5 =	vtrunc.f32 v5  }
0x8d: {  	v14 =	vmul.f32 $5.120000000e+02, v14;
	v4 =	vsub.f32 v4, v10;
	v8 =	vcvt.f32.s32 v8  }
0x8e: {  	v29 =	vmul.f32 $5.120000000e+02, v29;
	v23 =	vadd.f32 $5.000000000e-01, v23;
	v5 =	vcvt.f32.s32 v5  }
0x8f: {  	v11 =	vmul.f32 v19, v11;
	v31 =	vadd.f32 $5.000000000e-01, v31;
	v17 =	vmul.f32 $5.120000000e+02, v17  }
0x90: {  	v26 =	vld [tilespmem:s1+$0x20];
	v25 =	vadd.s32 v2, v25;
	v13 =	vadd.f32 $5.000000000e-01, v13;
	v7 =	vmul.f32 $5.120000000e+02, v7  }
0x91: {  	v6 =	vmul.f32 $5.120000000e+02, v6;
	v4 =	vtrunc.f32 v4;
	v12 =	vsub.f32 v15, v12  }
0x92: {  	v8 =	vadd.s32 v2, v8;
	v9 =	vsub.f32 v29, v9;
	v3 =	vmul.f32 v23, v3  }
0x93: {  	v5 =	vadd.s32 v2, v5;
	v4 =	vcvt.f32.s32 v4;
	v28 =	vmul.f32 v31, v28  }
0x94: {  	v31 =	vadd.f32 $1.000000000e+00, v18;
	v18 =	vmul.f32 $1.024000000e+03, v18;
	v11 =	vsub.f32 v17, v11  }
0x95: {  	v6 =	vsub.f32 v6, v20;
	v13 =	vmul.f32 v13, v26;
	v3 =	vsub.f32 v27, v3  }
0x96: {  	v29 =	vmul.f32 $5.120000000e+02, v31;
	v18 =	vadd.f32 $5.000000000e-01, v18;
	v11 =	vtrunc.f32 v11  }
0x97: {  	[tilespmem:v21+s26+$0x0] =	vst.idx.add.f32.msk $0xffff, v1;
	v7 =	vsub.f32 v7, v28;
	v6 =	vtrunc.f32 v6;
	v11 =	vcvt.f32.s32 v11  }
0x98: {  	[tilespmem:v22+s26+$0x0] =	vst.idx.add.f32.msk $0xffff, v1;
	v4 =	vadd.s32 v2, v4;
	v3 =	vtrunc.f32 v3;
	v10 =	vmul.f32 v18, v16  }
0x99: {  	v13 =	vsub.f32 v14, v13;
	v7 =	vtrunc.f32 v7;
	[tilespmem:v5+s26+$0x0] =	vst.idx.add.f32.msk $0xffff, v1;
	v5 =	vcvt.f32.s32 v6  }
0x9a: {  	[tilespmem:v24+s26+$0x0] =	vst.idx.add.f32.msk $0xffff, v1;
	v6 =	vtrunc.f32 v9;
	v7 =	vcvt.f32.s32 v7;
	v9 =	vadd.s32 v2, v11  }
0x9b: {  	[tilespmem:v30+s26+$0x0] =	vst.idx.add.f32.msk $0xffff, v1;
	v3 =	vcvt.f32.s32 v3;
	v13 =	vtrunc.f32 v13;
	v5 =	vadd.s32 v2, v5  }
0x9c: {  	[tilespmem:v25+s26+$0x0] =	vst.idx.add.f32.msk $0xffff, v1;
	v6 =	vcvt.f32.s32 v6;
	v10 =	vsub.f32 v29, v10;
	v7 =	vadd.s32 v2, v7  }
0x9d: {  	[tilespmem:v8+s26+$0x0] =	vst.idx.add.f32.msk $0xffff, v1;
	v11 =	vtrunc.f32 v12;
	v13 =	vcvt.f32.s32 v13;
	v3 =	vadd.s32 v2, v3  }
0x9e: {  	v8 =	vcvt.f32.s32 v11;
	[tilespmem:v4+s26+$0x0] =	vst.idx.add.f32.msk $0xffff, v1;
	v6 =	vadd.s32 v2, v6;
	v10 =	vtrunc.f32 v10  }
0x9f: {  	v13 =	vadd.s32 v2, v13;
	v10 =	vcvt.f32.s32 v10;
	[tilespmem:v9+s26+$0x0] =	vst.idx.add.f32.msk $0xffff, v1  }
0xa0: {  	v4 =	vadd.s32 v2, v8;
	[tilespmem:v5+s26+$0x0] =	vst.idx.add.f32.msk $0xffff, v1  }
0xa1: {  	[tilespmem:v7+s26+$0x0] =	vst.idx.add.f32.msk $0xffff, v1;
	v7 =	vadd.s32 v2, v10  }
0xa2: {  	[tilespmem:v3+s26+$0x0] =	vst.idx.add.f32.msk $0xffff, v1  }
0xa3: {  	[tilespmem:v6+s26+$0x0] =	vst.idx.add.f32.msk $0xffff, v1  }
0xa4: {  	[tilespmem:v13+s26+$0x0] =	vst.idx.add.f32.msk $0xffff, v1  }
0xa5: {  	[tilespmem:v4+s26+$0x0] =	vst.idx.add.f32.msk $0xffff, v1  }
0xa6: {  	[tilespmem:v7+s26+$0x0] =	vst.idx.add.f32.msk $0xffff, v1  }
0xa7: {  	s8 =	simm.s32 $0x0;
	s2 =	rddreg [dreg:$0x8]  }
0xa8: {  	[tilespmem:s8], [sflag:$0x1] =	stream.linear.gather [hbm4b:s2+s8], $0x4000, $0x38;
	[tilespmem:$0x14400] =	vst v63  }
0xa9: {  	_ = 	snop  }
0xaa: {  	[tilespmem:s22], [sflag:$0x2] =	stream.linear.gather [hbm4b:s9+s8], $0x4000, $0x38;
	[tilespmem:$0x14400] =	vst v63  }
0xab: {  	_ =	swait.ge [sflag:s28], $0x4000  }
0xac: {  	[sflag:s28] =	ssyncset.done $0x0  }
0xad: {  	[sflag:s28] =	ssyncadd.s32 $0xFFFFC000  }
0xae: {  	s5 =	sand.u32 $0x3000, s8;
	s4 =	sand.u32 $0xC00, s8;
	_ =	swait.ge [sflag:s29], $0x4000  }
0xaf: {  	s1 =	sand.u32 $0x380, s8;
	s2 =	sor.u32 s4, s5;
	[sflag:s29] =	ssyncset.done $0x0  }
0xb0: {  	s1 =	sor.u32 s1, s2;
	[sflag:s29] =	ssyncadd.s32 $0xFFFFC000  }
0xb1: {  	v4 =	vld [tilespmem:s1+$0xC000]  }
0xb2: {  	v5 =	vld [tilespmem:s1+$0xC060]  }
0xb3: {  	v6 =	vld [tilespmem:s1+$0xC040]  }
0xb4: {  	v7 =	vld [tilespmem:s1+$0xC030]  }
0xb5: {  	v9 =	vld [tilespmem:s1+$0xC020]  }
0xb6: {  	v8 =	vld [tilespmem:s1+$0xC050]  }
0xb7: {  	v14 =	vld [tilespmem:s1+$0xC010];
	_ =	sdelay $0x1  }
0xb8: {  	v3 =	vld [tilespmem:s1+$0x8060];
	v12 =	vmul.f32 $1.024000000e+03, v6;
	v13 =	vmul.f32 $1.024000000e+03, v5  }
0xb9: {  	v10 =	vld [tilespmem:s1+$0x8040];
	v15 =	vmul.f32 $1.024000000e+03, v7;
	v6 =	vadd.f32 $1.000000000e+00, v6;
	v16 =	vadd.f32 $1.000000000e+00, v9  }
0xba: {  	v11 =	vld [tilespmem:s1+$0x8030];
	v17 =	vmul.f32 $1.024000000e+03, v8;
	v7 =	vadd.f32 $1.000000000e+00, v7;
	v18 =	vmul.f32 $1.024000000e+03, v4  }
0xbb: {  	v20 =	vld [tilespmem:s1+$0x8010];
	v8 =	vadd.f32 $1.000000000e+00, v8;
	v19 =	vadd.f32 $1.000000000e+00, v14;
	v14 =	vmul.f32 $1.024000000e+03, v14  }
0xbc: {  	v9 =	vmul.f32 $1.024000000e+03, v9;
	v5 =	vadd.f32 $1.000000000e+00, v5;
	v12 =	vadd.f32 $5.000000000e-01, v12  }
0xbd: {  	s6 =	simm.s32 $0x400;
	s7 =	simm.s32 $0x80;
	v21 =	vld [tilespmem:s1+$0x8070];
	v13 =	vadd.f32 $5.000000000e-01, v13;
	v15 =	vadd.f32 $5.000000000e-01, v15;
	v7 =	vmul.f32 $5.120000000e+02, v7  }
0xbe: {  	s4 =	sand.u32 $0x3000, s7;
	s5 =	simm.s32 $0x20;
	s2 =	sand.u32 $0xC00, s6;
	v14 =	vadd.f32 $5.000000000e-01, v14;
	v5 =	vmul.f32 $5.120000000e+02, v5;
	v10 =	vmul.f32 v12, v10;
	v12 =	vld [tilespmem:s1+$0x8000]  }
0xbf: {  	s2 =	sor.u32 s2, s4;
	s8 =	sand.u32 $0x380, s5;
	v4 =	vadd.f32 $1.000000000e+00, v4;
	v3 =	vmul.f32 v13, v3;
	v13 =	vld [tilespmem:s1+$0xC070];
	v11 =	vmul.f32 v15, v11  }
0xc0: {  	s5 =	sor.u32 s8, s2;
	v18 =	vadd.f32 $5.000000000e-01, v18;
	v19 =	vmul.f32 $5.120000000e+02, v19;
	v15 =	vld [tilespmem:s1+$0x8020];
	v14 =	vmul.f32 v14, v20  }
0xc1: {  	v22 =	vld [tilespmem:s5+$0x8060];
	v8 =	vmul.f32 $5.120000000e+02, v8;
	v11 =	vsub.f32 v7, v11;
	v3 =	vsub.f32 v5, v3  }
0xc2: {  	v23 =	vld [tilespmem:s5+$0xC000];
	v6 =	vmul.f32 $5.120000000e+02, v6;
	v4 =	vmul.f32 $5.120000000e+02, v4;
	v14 =	vsub.f32 v19, v14  }
0xc3: {  	v24 =	vld [tilespmem:s5+$0xC030];
	v9 =	vadd.f32 $5.000000000e-01, v9;
	v3 =	vtrunc.f32 v3;
	v11 =	vtrunc.f32 v11  }
0xc4: {  	v5 =	vsub.f32 v6, v10;
	v10 =	vld [tilespmem:s5+$0xC020];
	v14 =	vtrunc.f32 v14;
	v12 =	vmul.f32 v18, v12  }
0xc5: {  	v25 =	vld [tilespmem:s5+$0x8030];
	v7 =	vmul.f32 $1.024000000e+03, v13;
	v13 =	vadd.f32 $1.000000000e+00, v13;
	v9 =	vmul.f32 v9, v15  }
0xc6: {  	v17 =	vadd.f32 $5.000000000e-01, v17;
	v18 =	vld [tilespmem:s1+$0x8050];
	v15 =	vmul.f32 $5.120000000e+02, v16;
	v3 =	vcvt.f32.s32 v3  }
0xc7: {  	s7 =	simm.s32 $0x100;
	s6 =	simm.s32 $0x800;
	v27 =	vld [tilespmem:s5+$0xC070];
	v11 =	vcvt.f32.s32 v11;
	v7 =	vadd.f32 $5.000000000e-01, v7;
	v13 =	vmul.f32 $5.120000000e+02, v13  }
0xc8: {  	s31 =	simm.s32 $0x40;
	s4 =	sand.u32 $0x3000, s7;
	s2 =	sand.u32 $0xC00, s6;
	v29 =	vld [tilespmem:s5+$0x8050];
	v4 =	vsub.f32 v4, v12;
	v9 =	vsub.f32 v15, v9;
	v15 =	vtrunc.f32 v5  }
0xc9: {  	s8 =	sand.u32 $0x380, s31;
	s2 =	sor.u32 s2, s4;
	v16 =	vld [tilespmem:s5+$0xC040];
	v26 =	vadd.f32 $1.000000000e+00, v10;
	v31 =	vadd.s32 v2, v3;
	v10 =	vmul.f32 $1.024000000e+03, v10  }
0xca: {  	s1 =	sor.u32 s8, s2;
	v12 =	vld [tilespmem:s5+$0xC060];
	v11 =	vadd.s32 v2, v11;
	v7 =	vmul.f32 v7, v21;
	v4 =	vtrunc.f32 v4  }
0xcb: {  	v19 =	vld [tilespmem:s1+$0xC030];
	v9 =	vtrunc.f32 v9;
	v10 =	vadd.f32 $5.000000000e-01, v10;
	v6 =	vmul.f32 v17, v18  }
0xcc: {  	v30 =	vld [tilespmem:s5+$0x8070];
	v9 =	vcvt.f32.s32 v9;
	v18 =	vmul.f32 $1.024000000e+03, v24;
	v24 =	vadd.f32 $1.000000000e+00, v24  }
0xcd: {  	v20 =	vld [tilespmem:s5+$0x8010];
	v4 =	vcvt.f32.s32 v4;
	v7 =	vsub.f32 v13, v7;
	v5 =	vsub.f32 v8, v6  }
0xce: {  	v13 =	vld [tilespmem:s5+$0xC050];
	v8 =	vadd.f32 $1.000000000e+00, v16;
	v16 =	vmul.f32 $1.024000000e+03, v16;
	v9 =	vadd.s32 v2, v9  }
0xcf: {  	v6 =	vld [tilespmem:s5+$0x8040];
	v21 =	vmul.f32 $1.024000000e+03, v12;
	v18 =	vadd.f32 $5.000000000e-01, v18;
	v24 =	vmul.f32 $5.120000000e+02, v24  }
0xd0: {  	v4 =	vadd.s32 v2, v4;
	[tilespmem:v11+s26+$0x0] =	vst.idx.add.f32.msk $0xffff, v1;
	v11 =	vmul.f32 $1.024000000e+03, v19;
	v7 =	vtrunc.f32 v7  }
0xd1: {  	v17 =	vld [tilespmem:s5+$0xC010];
	v12 =	vadd.f32 $1.000000000e+00, v12;
	v5 =	vtrunc.f32 v5;
	v3 =	vmul.f32 v18, v25  }
0xd2: {  	v33 =	vld [tilespmem:s1+$0x8060];
	v21 =	vadd.f32 $5.000000000e-01, v21;
	v18 =	vcvt.f32.s32 v7;
	v8 =	vmul.f32 $5.120000000e+02, v8  }
0xd3: {  	v36 =	vld [tilespmem:s1+$0xC010];
	v16 =	vadd.f32 $5.000000000e-01, v16;
	v12 =	vmul.f32 $5.120000000e+02, v12;
	v5 =	vcvt.f32.s32 v5  }
0xd4: {  	v25 =	vld [tilespmem:s5+$0x8020];
	v28 =	vmul.f32 $1.024000000e+03, v13;
	v21 =	vmul.f32 v21, v22;
	v13 =	vadd.f32 $1.000000000e+00, v13  }
0xd5: {  	v22 =	vld [tilespmem:s5+$0x8000];
	v34 =	vadd.s32 v2, v18;
	v18 =	vmul.f32 $1.024000000e+03, v27;
	v16 =	vmul.f32 v16, v6  }
0xd6: {  	v6 =	vadd.f32 $1.000000000e+00, v17;
	v17 =	vmul.f32 $1.024000000e+03, v17;
	[tilespmem:v9+s26+$0x0] =	vst.idx.add.f32.msk $0xffff, v1;
	v9 =	vmul.f32 $1.024000000e+03, v23  }
0xd7: {  	[tilespmem:v31+s26+$0x0] =	vst.idx.add.f32.msk $0xffff, v1;
	v23 =	vadd.f32 $1.000000000e+00, v23;
	v28 =	vadd.f32 $5.000000000e-01, v28;
	v32 =	vmul.f32 $5.120000000e+02, v13  }
0xd8: {  	v7 =	vld [tilespmem:s1+$0xC000];
	v13 =	vadd.s32 v2, v5;
	v5 =	vsub.f32 v24, v3;
	v18 =	vadd.f32 $5.000000000e-01, v18  }
0xd9: {  	[tilespmem:v4+s26+$0x0] =	vst.idx.add.f32.msk $0xffff, v1;
	v12 =	vsub.f32 v12, v21;
	v21 =	vcvt.f32.s32 v15;
	v9 =	vadd.f32 $5.000000000e-01, v9  }
0xda: {  	v24 =	vld [tilespmem:s1+$0x8040];
	v35 =	vadd.f32 $5.000000000e-01, v17;
	v10 =	vmul.f32 v10, v25;
	v17 =	vmul.f32 $5.120000000e+02, v26  }
0xdb: {  	v4 =	vmul.f32 $5.120000000e+02, v6;
	v25 =	vld [tilespmem:s1+$0xC040];
	v22 =	vmul.f32 v9, v22;
	v9 =	vadd.f32 $1.000000000e+00, v27  }
0xdc: {  	v3 =	vld [tilespmem:s1+$0x8010];
	v23 =	vmul.f32 $5.120000000e+02, v23;
	v18 =	vmul.f32 v18, v30;
	v10 =	vsub.f32 v17, v10  }
0xdd: {  	v6 =	vld [tilespmem:s1+$0xC060];
	v8 =	vsub.f32 v8, v16;
	v16 =	vmul.f32 v28, v29;
	v27 =	vmul.f32 $5.120000000e+02, v9  }
0xde: {  	v29 =	vadd.s32 v2, v21;
	v17 =	vld [tilespmem:s1+$0xC050];
	v15 =	vsub.f32 v23, v22;
	v10 =	vtrunc.f32 v10  }
0xdf: {  	v8 =	vtrunc.f32 v8;
	[tilespmem:v34+s26+$0x0] =	vst.idx.add.f32.msk $0xffff, v1;
	v23 =	vsub.f32 v27, v18;
	v18 =	vcvt.f32.s32 v10  }
0xe0: {  	[tilespmem:v13+s26+$0x0] =	vst.idx.add.f32.msk $0xffff, v1;
	v22 =	vtrunc.f32 v15;
	v15 =	vadd.f32 $1.000000000e+00, v25;
	v25 =	vmul.f32 $1.024000000e+03, v25  }
0xe1: {  	v13 =	vld [tilespmem:s1+$0xC020];
	v10 =	vmul.f32 v35, v20;
	v20 =	vcvt.f32.s32 v22;
	v22 =	vadd.s32 v2, v18  }
0xe2: {  	v16 =	vsub.f32 v32, v16;
	v9 =	vld [tilespmem:s1+$0x8030];
	v30 =	vmul.f32 $1.024000000e+03, v6;
	v27 =	vcvt.f32.s32 v14  }
0xe3: {  	[tilespmem:v29+s26+$0x0] =	vst.idx.add.f32.msk $0xffff, v1;
	v29 =	vadd.f32 $1.000000000e+00, v19;
	v31 =	vmul.f32 $1.024000000e+03, v17;
	v28 =	vadd.f32 $5.000000000e-01, v25  }
0xe4: {  	v18 =	vld [tilespmem:s1+$0xC070];
	v25 =	vadd.f32 $5.000000000e-01, v11;
	v26 =	vtrunc.f32 v23;
	v21 =	vadd.s32 v2, v20  }
0xe5: {  	v11 =	vld [tilespmem:s1+$0x8050];
	v23 =	vadd.f32 $5.000000000e-01, v30;
	v30 =	vtrunc.f32 v12;
	v20 =	vtrunc.f32 v16  }
0xe6: {  	v14 =	vadd.f32 $1.000000000e+00, v13;
	v30 =	vcvt.f32.s32 v30;
	[tilespmem:v22+s26+$0x0] =	vst.idx.add.f32.msk $0xffff, v1;
	v22 =	vadd.s32 v2, v27  }
0xe7: {  	v16 =	vld [tilespmem:s1+$0x8070];
	v19 =	vadd.f32 $5.000000000e-01, v31;
	v12 =	vmul.f32 v28, v24;
	v24 =	vcvt.f32.s32 v20  }
0xe8: {  	s4 =	simm.s32 $0xC00;
	s2 =	simm.s32 $0x10;
	s5 =	simm.s32 $0x180;
	v20 =	vmul.f32 v23, v33;
	v28 =	vld [tilespmem:s1+$0x8000];
	v23 =	vmul.f32 $1.024000000e+03, v36;
	v27 =	vadd.f32 $1.000000000e+00, v36  }
.LBB2_6:
0xe9: {  	s6 =	sand.u32 $0x3000, s5;
	s7 =	sand.u32 $0xC00, s4;
	v31 =	vmul.f32 $1.024000000e+03, v7;
	v17 =	vadd.f32 $1.000000000e+00, v17;
	s31 =	sadd.s32 $0x20, s31;
	[tilespmem:v21+s26+$0x0] =	vst.idx.add.f32.msk $0xffff, v1;
	v21 =	vadd.s32 v2, v30  }
0xea: {  	s2 =	sadd.s32 $0x8, s2;
	v30 =	vadd.f32 $1.000000000e+00, v7;
	v9 =	vmul.f32 v25, v9;
	v25 =	vcvt.f32.s32 v26;
	s6 =	sor.u32 s7, s6;
	s7 =	sand.u32 $0x380, s31;
	v32 =	vld [tilespmem:s1+$0x8020]  }
0xeb: {  	p0 =	slt.u32 s2, $0x3F8;
	v29 =	vmul.f32 $5.120000000e+02, v29;
	s1 =	sor.u32 s7, s6;
	v26 =	vadd.f32 $5.000000000e-01, v31;
	v31 =	vmul.f32 $5.120000000e+02, v17;
	[tilespmem:v22+s26+$0x0] =	vst.idx.add.f32.msk $0xffff, v1  }
0xec: {  	v13 =	vmul.f32 $1.024000000e+03, v13;
	v17 =	vmul.f32 $5.120000000e+02, v27;
	v22 =	vadd.s32 v2, v24;
	v33 =	vld [tilespmem:s1+$0x8060]  }
0xed: {  	v15 =	vmul.f32 $5.120000000e+02, v15;
	v25 =	vadd.s32 v2, v25;
	v7 =	vld [tilespmem:s1+$0xC000];
	v24 =	vmul.f32 v26, v28  }
0xee: {  	v27 =	vadd.f32 $1.000000000e+00, v18;
	v18 =	vmul.f32 $1.024000000e+03, v18;
	v9 =	vsub.f32 v29, v9;
	v26 =	vld [tilespmem:s1+$0xC060]  }
0xef: {  	v6 =	vadd.f32 $1.000000000e+00, v6;
	v13 =	vadd.f32 $5.000000000e-01, v13;
	v29 =	vtrunc.f32 v5;
	v28 =	vld [tilespmem:s1+$0x8040]  }
0xf0: {  	v30 =	vmul.f32 $5.120000000e+02, v30;
	v27 =	vmul.f32 $5.120000000e+02, v27;
	v18 =	vadd.f32 $5.000000000e-01, v18;
	v5 =	vmovc v9;
	v34 =	vld [tilespmem:s1+$0x8010]  }
0xf1: {  	v23 =	vadd.f32 $5.000000000e-01, v23;
	v37 =	vmul.f32 $5.120000000e+02, v6;
	v13 =	vmul.f32 v13, v32;
	v9 =	vld [tilespmem:s1+$0x8030]  }
0xf2: {  	v14 =	vmul.f32 $5.120000000e+02, v14;
	v10 =	vsub.f32 v4, v10;
	v29 =	vcvt.f32.s32 v29;
	v4 =	vmovc v17;
	v32 =	vld [tilespmem:s1+$0xC040]  }
0xf3: {  	v36 =	vcvt.f32.s32 v8;
	v20 =	vsub.f32 v37, v20;
	v16 =	vmul.f32 v18, v16;
	v35 =	vld [tilespmem:s1+$0xC030];
	v6 =	vmovc v26  }
0xf4: {  	v8 =	vsub.f32 v30, v24;
	v13 =	vsub.f32 v14, v13;
	v14 =	vadd.s32 v2, v29;
	v37 =	vld [tilespmem:s1+$0xC010]  }
0xf5: {  	v11 =	vmul.f32 v19, v11;
	v12 =	vsub.f32 v15, v12;
	v18 =	vtrunc.f32 v10;
	v17 =	vld [tilespmem:s1+$0xC050]  }
0xf6: {  	v19 =	vtrunc.f32 v8;
	v16 =	vsub.f32 v27, v16;
	v8 =	vtrunc.f32 v13;
	[tilespmem:v22+s26+$0x0] =	vst.idx.add.f32.msk $0xffff, v1  }
0xf7: {  	v11 =	vsub.f32 v31, v11;
	v22 =	vcvt.f32.s32 v8;
	v8 =	vtrunc.f32 v12;
	v13 =	vld [tilespmem:s1+$0xC020]  }
0xf8: {  	v10 =	vmul.f32 v23, v3;
	v3 =	vmovc v34;
	v15 =	vadd.f32 $1.000000000e+00, v32;
	v12 =	vmul.f32 $1.024000000e+03, v32;
	[tilespmem:v21+s26+$0x0] =	vst.idx.add.f32.msk $0xffff, v1  }
0xf9: {  	v23 =	vcvt.f32.s32 v18;
	v19 =	vcvt.f32.s32 v19;
	v22 =	vadd.s32 v2, v22;
	[tilespmem:v14+s26+$0x0] =	vst.idx.add.f32.msk $0xffff, v1  }
0xfa: {  	v29 =	vadd.s32 v2, v36;
	v24 =	vmul.f32 $1.024000000e+03, v35;
	v12 =	vadd.f32 $5.000000000e-01, v12;
	v18 =	vld [tilespmem:s1+$0xC070]  }
0xfb: {  	v27 =	vmul.f32 $1.024000000e+03, v6;
	v21 =	vadd.s32 v2, v19;
	v19 =	vtrunc.f32 v11;
	[tilespmem:v25+s26+$0x0] =	vst.idx.add.f32.msk $0xffff, v1  }
.Ltmp2:
0xfc: {  	v26 =	vtrunc.f32 v16;
	v25 =	vadd.f32 $5.000000000e-01, v24;
	v14 =	vadd.f32 $1.000000000e+00, v13;
	v11 =	vld [tilespmem:s1+$0x8050];
	(pc) =	sbr.rel @p0 .LBB2_6-.Ltmp2, $4  }
0xfd: {  	v30 =	vadd.f32 $5.000000000e-01, v27;
	v32 =	vtrunc.f32 v20;
	v31 =	vmul.f32 $1.024000000e+03, v17;
	v16 =	vld [tilespmem:s1+$0x8070]  }
0xfe: {  	v12 =	vmul.f32 v12, v28;
	v24 =	vcvt.f32.s32 v19;
	[tilespmem:v22+s26+$0x0] =	vst.idx.add.f32.msk $0xffff, v1;
	v22 =	vadd.s32 v2, v23  }
0xff: {  	v20 =	vmul.f32 v30, v33;
	v30 =	vcvt.f32.s32 v32;
	v27 =	vadd.f32 $1.000000000e+00, v37;
	[tilespmem:v29+s26+$0x0] =	vst.idx.add.f32.msk $0xffff, v1  }
0x100: {  	s4 =	sadd.s32 $0x400, s4;
	s5 =	sadd.s32 $0x80, s5;
	v19 =	vadd.f32 $5.000000000e-01, v31;
	v23 =	vmul.f32 $1.024000000e+03, v37;
	v29 =	vadd.f32 $1.000000000e+00, v35;
	v28 =	vld [tilespmem:s1+$0x8000]  }
0x101: {  	v31 =	vmul.f32 $1.024000000e+03, v7;
	v17 =	vadd.f32 $1.000000000e+00, v17;
	v30 =	vadd.s32 v2, v30  }
0x102: {  	v7 =	vadd.f32 $1.000000000e+00, v7;
	v9 =	vmul.f32 v25, v9;
	v25 =	vcvt.f32.s32 v26  }
0x103: {  	v27 =	vmul.f32 $5.120000000e+02, v27;
	v13 =	vmul.f32 $1.024000000e+03, v13;
	v24 =	vadd.s32 v2, v24  }
0x104: {  	v15 =	vmul.f32 $5.120000000e+02, v15;
	v6 =	vadd.f32 $1.000000000e+00, v6;
	v5 =	vtrunc.f32 v5  }
0x105: {  	v14 =	vmul.f32 $5.120000000e+02, v14;
	v4 =	vsub.f32 v4, v10;
	v8 =	vcvt.f32.s32 v8  }
0x106: {  	v29 =	vmul.f32 $5.120000000e+02, v29;
	v23 =	vadd.f32 $5.000000000e-01, v23;
	v5 =	vcvt.f32.s32 v5  }
0x107: {  	v11 =	vmul.f32 v19, v11;
	v31 =	vadd.f32 $5.000000000e-01, v31;
	v17 =	vmul.f32 $5.120000000e+02, v17  }
0x108: {  	v26 =	vld [tilespmem:s1+$0x8020];
	v25 =	vadd.s32 v2, v25;
	v13 =	vadd.f32 $5.000000000e-01, v13;
	v7 =	vmul.f32 $5.120000000e+02, v7  }
0x109: {  	v6 =	vmul.f32 $5.120000000e+02, v6;
	v4 =	vtrunc.f32 v4;
	v12 =	vsub.f32 v15, v12  }
0x10a: {  	v8 =	vadd.s32 v2, v8;
	v9 =	vsub.f32 v29, v9;
	v3 =	vmul.f32 v23, v3  }
0x10b: {  	v5 =	vadd.s32 v2, v5;
	v4 =	vcvt.f32.s32 v4;
	v28 =	vmul.f32 v31, v28  }
0x10c: {  	v31 =	vadd.f32 $1.000000000e+00, v18;
	v18 =	vmul.f32 $1.024000000e+03, v18;
	v11 =	vsub.f32 v17, v11  }
0x10d: {  	v6 =	vsub.f32 v6, v20;
	v13 =	vmul.f32 v13, v26;
	v3 =	vsub.f32 v27, v3  }
0x10e: {  	v29 =	vmul.f32 $5.120000000e+02, v31;
	v18 =	vadd.f32 $5.000000000e-01, v18;
	v11 =	vtrunc.f32 v11  }
0x10f: {  	[tilespmem:v21+s26+$0x0] =	vst.idx.add.f32.msk $0xffff, v1;
	v7 =	vsub.f32 v7, v28;
	v6 =	vtrunc.f32 v6;
	v11 =	vcvt.f32.s32 v11  }
0x110: {  	[tilespmem:v22+s26+$0x0] =	vst.idx.add.f32.msk $0xffff, v1;
	v4 =	vadd.s32 v2, v4;
	v3 =	vtrunc.f32 v3;
	v10 =	vmul.f32 v18, v16  }
0x111: {  	v13 =	vsub.f32 v14, v13;
	v7 =	vtrunc.f32 v7;
	[tilespmem:v5+s26+$0x0] =	vst.idx.add.f32.msk $0xffff, v1;
	v5 =	vcvt.f32.s32 v6  }
0x112: {  	[tilespmem:v24+s26+$0x0] =	vst.idx.add.f32.msk $0xffff, v1;
	v6 =	vtrunc.f32 v9;
	v7 =	vcvt.f32.s32 v7;
	v9 =	vadd.s32 v2, v11  }
0x113: {  	[tilespmem:v30+s26+$0x0] =	vst.idx.add.f32.msk $0xffff, v1;
	v3 =	vcvt.f32.s32 v3;
	v13 =	vtrunc.f32 v13;
	v5 =	vadd.s32 v2, v5  }
0x114: {  	[tilespmem:v25+s26+$0x0] =	vst.idx.add.f32.msk $0xffff, v1;
	v6 =	vcvt.f32.s32 v6;
	v10 =	vsub.f32 v29, v10;
	v7 =	vadd.s32 v2, v7  }
0x115: {  	[tilespmem:v8+s26+$0x0] =	vst.idx.add.f32.msk $0xffff, v1;
	v11 =	vtrunc.f32 v12;
	v13 =	vcvt.f32.s32 v13;
	v3 =	vadd.s32 v2, v3  }
0x116: {  	v8 =	vcvt.f32.s32 v11;
	[tilespmem:v4+s26+$0x0] =	vst.idx.add.f32.msk $0xffff, v1;
	v6 =	vadd.s32 v2, v6;
	v10 =	vtrunc.f32 v10  }
0x117: {  	v13 =	vadd.s32 v2, v13;
	v10 =	vcvt.f32.s32 v10;
	[tilespmem:v9+s26+$0x0] =	vst.idx.add.f32.msk $0xffff, v1  }
0x118: {  	v4 =	vadd.s32 v2, v8;
	[tilespmem:v5+s26+$0x0] =	vst.idx.add.f32.msk $0xffff, v1  }
0x119: {  	[tilespmem:v7+s26+$0x0] =	vst.idx.add.f32.msk $0xffff, v1;
	v7 =	vadd.s32 v2, v10  }
0x11a: {  	[tilespmem:v3+s26+$0x0] =	vst.idx.add.f32.msk $0xffff, v1  }
0x11b: {  	[tilespmem:v6+s26+$0x0] =	vst.idx.add.f32.msk $0xffff, v1  }
0x11c: {  	[tilespmem:v13+s26+$0x0] =	vst.idx.add.f32.msk $0xffff, v1  }
0x11d: {  	[tilespmem:v4+s26+$0x0] =	vst.idx.add.f32.msk $0xffff, v1  }
0x11e: {  	s5 =	simm.s32 $0x0;
	[tilespmem:v7+s26+$0x0] =	vst.idx.add.f32.msk $0xffff, v1  }
0x11f: {  	[tilespmem:s23], [sflag:$0x3] =	stream.linear.gather [hbm4b:s10+s5], $0x4000, $0x38;
	[tilespmem:$0x14400] =	vst v63  }
0x120: {  	_ = 	snop  }
0x121: {  	[tilespmem:s24], [sflag:$0x4] =	stream.linear.gather [hbm4b:s11+s5], $0x4000, $0x38;
	[tilespmem:$0x14400] =	vst v63  }
0x122: {  	_ =	swait.ge [sflag:s3], $0x4000  }
0x123: {  	[sflag:s3] =	ssyncset.done $0x0  }
0x124: {  	[sflag:s3] =	ssyncadd.s32 $0xFFFFC000  }
0x125: {  	s2 =	sand.u32 $0x3000, s5;
	s4 =	sand.u32 $0xC00, s5;
	_ =	swait.ge [sflag:s25], $0x4000  }
0x126: {  	s1 =	sand.u32 $0x380, s5;
	s2 =	sor.u32 s4, s2;
	[sflag:s25] =	ssyncset.done $0x0  }
0x127: {  	s1 =	sor.u32 s1, s2;
	[sflag:s25] =	ssyncadd.s32 $0xFFFFC000  }
0x128: {  	v4 =	vld [tilespmem:s1+$0x4000]  }
0x129: {  	v5 =	vld [tilespmem:s1+$0x4060]  }
0x12a: {  	v6 =	vld [tilespmem:s1+$0x4040]  }
0x12b: {  	v7 =	vld [tilespmem:s1+$0x4030]  }
0x12c: {  	v9 =	vld [tilespmem:s1+$0x4020]  }
0x12d: {  	v8 =	vld [tilespmem:s1+$0x4050]  }
0x12e: {  	v14 =	vld [tilespmem:s1+$0x4010];
	_ =	sdelay $0x1  }
0x12f: {  	v3 =	vld [tilespmem:s1+$0x60];
	v12 =	vmul.f32 $1.024000000e+03, v6;
	v13 =	vmul.f32 $1.024000000e+03, v5  }
0x130: {  	v10 =	vld [tilespmem:s1+$0x40];
	v15 =	vmul.f32 $1.024000000e+03, v7;
	v6 =	vadd.f32 $1.000000000e+00, v6;
	v16 =	vadd.f32 $1.000000000e+00, v9  }
0x131: {  	v11 =	vld [tilespmem:s1+$0x30];
	v17 =	vmul.f32 $1.024000000e+03, v8;
	v7 =	vadd.f32 $1.000000000e+00, v7;
	v18 =	vmul.f32 $1.024000000e+03, v4  }
0x132: {  	v20 =	vld [tilespmem:s1+$0x10];
	v8 =	vadd.f32 $1.000000000e+00, v8;
	v19 =	vadd.f32 $1.000000000e+00, v14;
	v14 =	vmul.f32 $1.024000000e+03, v14  }
0x133: {  	v9 =	vmul.f32 $1.024000000e+03, v9;
	v5 =	vadd.f32 $1.000000000e+00, v5;
	v12 =	vadd.f32 $5.000000000e-01, v12  }
0x134: {  	s6 =	simm.s32 $0x400;
	s7 =	simm.s32 $0x80;
	v21 =	vld [tilespmem:s1+$0x70];
	v13 =	vadd.f32 $5.000000000e-01, v13;
	v15 =	vadd.f32 $5.000000000e-01, v15;
	v7 =	vmul.f32 $5.120000000e+02, v7  }
0x135: {  	s4 =	sand.u32 $0x3000, s7;
	s2 =	sand.u32 $0xC00, s6;
	s5 =	simm.s32 $0x20;
	v14 =	vadd.f32 $5.000000000e-01, v14;
	v5 =	vmul.f32 $5.120000000e+02, v5;
	v10 =	vmul.f32 v12, v10;
	v12 =	vld [tilespmem:s1+$0x0]  }
0x136: {  	s2 =	sor.u32 s2, s4;
	s8 =	sand.u32 $0x380, s5;
	v4 =	vadd.f32 $1.000000000e+00, v4;
	v3 =	vmul.f32 v13, v3;
	v13 =	vld [tilespmem:s1+$0x4070];
	v11 =	vmul.f32 v15, v11  }
0x137: {  	s5 =	sor.u32 s8, s2;
	v18 =	vadd.f32 $5.000000000e-01, v18;
	v19 =	vmul.f32 $5.120000000e+02, v19;
	v15 =	vld [tilespmem:s1+$0x20];
	v14 =	vmul.f32 v14, v20  }
0x138: {  	v22 =	vld [tilespmem:s5+$0x60];
	v8 =	vmul.f32 $5.120000000e+02, v8;
	v11 =	vsub.f32 v7, v11;
	v3 =	vsub.f32 v5, v3  }
0x139: {  	v23 =	vld [tilespmem:s5+$0x4000];
	v6 =	vmul.f32 $5.120000000e+02, v6;
	v4 =	vmul.f32 $5.120000000e+02, v4;
	v14 =	vsub.f32 v19, v14  }
0x13a: {  	v24 =	vld [tilespmem:s5+$0x4030];
	v9 =	vadd.f32 $5.000000000e-01, v9;
	v3 =	vtrunc.f32 v3;
	v11 =	vtrunc.f32 v11  }
0x13b: {  	v5 =	vsub.f32 v6, v10;
	v10 =	vld [tilespmem:s5+$0x4020];
	v14 =	vtrunc.f32 v14;
	v12 =	vmul.f32 v18, v12  }
0x13c: {  	v25 =	vld [tilespmem:s5+$0x30];
	v7 =	vmul.f32 $1.024000000e+03, v13;
	v13 =	vadd.f32 $1.000000000e+00, v13;
	v9 =	vmul.f32 v9, v15  }
0x13d: {  	v17 =	vadd.f32 $5.000000000e-01, v17;
	v18 =	vld [tilespmem:s1+$0x50];
	v15 =	vmul.f32 $5.120000000e+02, v16;
	v3 =	vcvt.f32.s32 v3  }
0x13e: {  	s7 =	simm.s32 $0x100;
	s6 =	simm.s32 $0x800;
	v27 =	vld [tilespmem:s5+$0x4070];
	v11 =	vcvt.f32.s32 v11;
	v7 =	vadd.f32 $5.000000000e-01, v7;
	v13 =	vmul.f32 $5.120000000e+02, v13  }
0x13f: {  	s31 =	simm.s32 $0x40;
	s4 =	sand.u32 $0x3000, s7;
	s2 =	sand.u32 $0xC00, s6;
	v29 =	vld [tilespmem:s5+$0x50];
	v4 =	vsub.f32 v4, v12;
	v9 =	vsub.f32 v15, v9;
	v15 =	vtrunc.f32 v5  }
0x140: {  	s8 =	sand.u32 $0x380, s31;
	s2 =	sor.u32 s2, s4;
	v16 =	vld [tilespmem:s5+$0x4040];
	v26 =	vadd.f32 $1.000000000e+00, v10;
	v31 =	vadd.s32 v2, v3;
	v10 =	vmul.f32 $1.024000000e+03, v10  }
0x141: {  	s1 =	sor.u32 s8, s2;
	v12 =	vld [tilespmem:s5+$0x4060];
	v11 =	vadd.s32 v2, v11;
	v7 =	vmul.f32 v7, v21;
	v4 =	vtrunc.f32 v4  }
0x142: {  	v19 =	vld [tilespmem:s1+$0x4030];
	v9 =	vtrunc.f32 v9;
	v10 =	vadd.f32 $5.000000000e-01, v10;
	v6 =	vmul.f32 v17, v18  }
0x143: {  	v30 =	vld [tilespmem:s5+$0x70];
	v9 =	vcvt.f32.s32 v9;
	v18 =	vmul.f32 $1.024000000e+03, v24;
	v24 =	vadd.f32 $1.000000000e+00, v24  }
0x144: {  	v20 =	vld [tilespmem:s5+$0x10];
	v4 =	vcvt.f32.s32 v4;
	v7 =	vsub.f32 v13, v7;
	v5 =	vsub.f32 v8, v6  }
0x145: {  	v13 =	vld [tilespmem:s5+$0x4050];
	v8 =	vadd.f32 $1.000000000e+00, v16;
	v16 =	vmul.f32 $1.024000000e+03, v16;
	v9 =	vadd.s32 v2, v9  }
0x146: {  	v6 =	vld [tilespmem:s5+$0x40];
	v21 =	vmul.f32 $1.024000000e+03, v12;
	v18 =	vadd.f32 $5.000000000e-01, v18;
	v24 =	vmul.f32 $5.120000000e+02, v24  }
0x147: {  	v4 =	vadd.s32 v2, v4;
	[tilespmem:v11+s26+$0x0] =	vst.idx.add.f32.msk $0xffff, v1;
	v11 =	vmul.f32 $1.024000000e+03, v19;
	v7 =	vtrunc.f32 v7  }
0x148: {  	v17 =	vld [tilespmem:s5+$0x4010];
	v12 =	vadd.f32 $1.000000000e+00, v12;
	v5 =	vtrunc.f32 v5;
	v3 =	vmul.f32 v18, v25  }
0x149: {  	v33 =	vld [tilespmem:s1+$0x60];
	v21 =	vadd.f32 $5.000000000e-01, v21;
	v18 =	vcvt.f32.s32 v7;
	v8 =	vmul.f32 $5.120000000e+02, v8  }
0x14a: {  	v36 =	vld [tilespmem:s1+$0x4010];
	v16 =	vadd.f32 $5.000000000e-01, v16;
	v12 =	vmul.f32 $5.120000000e+02, v12;
	v5 =	vcvt.f32.s32 v5  }
0x14b: {  	v25 =	vld [tilespmem:s5+$0x20];
	v28 =	vmul.f32 $1.024000000e+03, v13;
	v21 =	vmul.f32 v21, v22;
	v13 =	vadd.f32 $1.000000000e+00, v13  }
0x14c: {  	v22 =	vld [tilespmem:s5+$0x0];
	v34 =	vadd.s32 v2, v18;
	v18 =	vmul.f32 $1.024000000e+03, v27;
	v16 =	vmul.f32 v16, v6  }
0x14d: {  	v6 =	vadd.f32 $1.000000000e+00, v17;
	v17 =	vmul.f32 $1.024000000e+03, v17;
	[tilespmem:v9+s26+$0x0] =	vst.idx.add.f32.msk $0xffff, v1;
	v9 =	vmul.f32 $1.024000000e+03, v23  }
0x14e: {  	[tilespmem:v31+s26+$0x0] =	vst.idx.add.f32.msk $0xffff, v1;
	v23 =	vadd.f32 $1.000000000e+00, v23;
	v28 =	vadd.f32 $5.000000000e-01, v28;
	v32 =	vmul.f32 $5.120000000e+02, v13  }
0x14f: {  	v7 =	vld [tilespmem:s1+$0x4000];
	v13 =	vadd.s32 v2, v5;
	v5 =	vsub.f32 v24, v3;
	v18 =	vadd.f32 $5.000000000e-01, v18  }
0x150: {  	[tilespmem:v4+s26+$0x0] =	vst.idx.add.f32.msk $0xffff, v1;
	v12 =	vsub.f32 v12, v21;
	v21 =	vcvt.f32.s32 v15;
	v9 =	vadd.f32 $5.000000000e-01, v9  }
0x151: {  	v24 =	vld [tilespmem:s1+$0x40];
	v35 =	vadd.f32 $5.000000000e-01, v17;
	v10 =	vmul.f32 v10, v25;
	v17 =	vmul.f32 $5.120000000e+02, v26  }
0x152: {  	v4 =	vmul.f32 $5.120000000e+02, v6;
	v25 =	vld [tilespmem:s1+$0x4040];
	v22 =	vmul.f32 v9, v22;
	v9 =	vadd.f32 $1.000000000e+00, v27  }
0x153: {  	v3 =	vld [tilespmem:s1+$0x10];
	v23 =	vmul.f32 $5.120000000e+02, v23;
	v18 =	vmul.f32 v18, v30;
	v10 =	vsub.f32 v17, v10  }
0x154: {  	v6 =	vld [tilespmem:s1+$0x4060];
	v8 =	vsub.f32 v8, v16;
	v16 =	vmul.f32 v28, v29;
	v27 =	vmul.f32 $5.120000000e+02, v9  }
0x155: {  	v29 =	vadd.s32 v2, v21;
	v17 =	vld [tilespmem:s1+$0x4050];
	v15 =	vsub.f32 v23, v22;
	v10 =	vtrunc.f32 v10  }
0x156: {  	v8 =	vtrunc.f32 v8;
	[tilespmem:v34+s26+$0x0] =	vst.idx.add.f32.msk $0xffff, v1;
	v23 =	vsub.f32 v27, v18;
	v18 =	vcvt.f32.s32 v10  }
0x157: {  	[tilespmem:v13+s26+$0x0] =	vst.idx.add.f32.msk $0xffff, v1;
	v22 =	vtrunc.f32 v15;
	v15 =	vadd.f32 $1.000000000e+00, v25;
	v25 =	vmul.f32 $1.024000000e+03, v25  }
0x158: {  	v13 =	vld [tilespmem:s1+$0x4020];
	v10 =	vmul.f32 v35, v20;
	v20 =	vcvt.f32.s32 v22;
	v22 =	vadd.s32 v2, v18  }
0x159: {  	v16 =	vsub.f32 v32, v16;
	v9 =	vld [tilespmem:s1+$0x30];
	v30 =	vmul.f32 $1.024000000e+03, v6;
	v27 =	vcvt.f32.s32 v14  }
0x15a: {  	[tilespmem:v29+s26+$0x0] =	vst.idx.add.f32.msk $0xffff, v1;
	v29 =	vadd.f32 $1.000000000e+00, v19;
	v31 =	vmul.f32 $1.024000000e+03, v17;
	v28 =	vadd.f32 $5.000000000e-01, v25  }
0x15b: {  	v18 =	vld [tilespmem:s1+$0x4070];
	v25 =	vadd.f32 $5.000000000e-01, v11;
	v26 =	vtrunc.f32 v23;
	v21 =	vadd.s32 v2, v20  }
0x15c: {  	v11 =	vld [tilespmem:s1+$0x50];
	v23 =	vadd.f32 $5.000000000e-01, v30;
	v30 =	vtrunc.f32 v12;
	v20 =	vtrunc.f32 v16  }
0x15d: {  	v14 =	vadd.f32 $1.000000000e+00, v13;
	v30 =	vcvt.f32.s32 v30;
	[tilespmem:v22+s26+$0x0] =	vst.idx.add.f32.msk $0xffff, v1;
	v22 =	vadd.s32 v2, v27  }
0x15e: {  	v16 =	vld [tilespmem:s1+$0x70];
	v19 =	vadd.f32 $5.000000000e-01, v31;
	v12 =	vmul.f32 v28, v24;
	v24 =	vcvt.f32.s32 v20  }
0x15f: {  	s4 =	simm.s32 $0xC00;
	s2 =	simm.s32 $0x10;
	s5 =	simm.s32 $0x180;
	v20 =	vmul.f32 v23, v33;
	v28 =	vld [tilespmem:s1+$0x0];
	v23 =	vmul.f32 $1.024000000e+03, v36;
	v27 =	vadd.f32 $1.000000000e+00, v36  }
.LBB2_8:
0x160: {  	s6 =	sand.u32 $0x3000, s5;
	s7 =	sand.u32 $0xC00, s4;
	v31 =	vmul.f32 $1.024000000e+03, v7;
	v17 =	vadd.f32 $1.000000000e+00, v17;
	s31 =	sadd.s32 $0x20, s31;
	[tilespmem:v21+s26+$0x0] =	vst.idx.add.f32.msk $0xffff, v1;
	v21 =	vadd.s32 v2, v30  }
0x161: {  	s2 =	sadd.s32 $0x8, s2;
	v30 =	vadd.f32 $1.000000000e+00, v7;
	v9 =	vmul.f32 v25, v9;
	v25 =	vcvt.f32.s32 v26;
	s6 =	sor.u32 s7, s6;
	s7 =	sand.u32 $0x380, s31;
	v32 =	vld [tilespmem:s1+$0x20]  }
0x162: {  	p0 =	slt.u32 s2, $0x3F8;
	v29 =	vmul.f32 $5.120000000e+02, v29;
	s1 =	sor.u32 s7, s6;
	v26 =	vadd.f32 $5.000000000e-01, v31;
	v31 =	vmul.f32 $5.120000000e+02, v17;
	[tilespmem:v22+s26+$0x0] =	vst.idx.add.f32.msk $0xffff, v1  }
0x163: {  	v13 =	vmul.f32 $1.024000000e+03, v13;
	v17 =	vmul.f32 $5.120000000e+02, v27;
	v22 =	vadd.s32 v2, v24;
	v33 =	vld [tilespmem:s1+$0x60]  }
0x164: {  	v15 =	vmul.f32 $5.120000000e+02, v15;
	v25 =	vadd.s32 v2, v25;
	v7 =	vld [tilespmem:s1+$0x4000];
	v24 =	vmul.f32 v26, v28  }
0x165: {  	v27 =	vadd.f32 $1.000000000e+00, v18;
	v18 =	vmul.f32 $1.024000000e+03, v18;
	v9 =	vsub.f32 v29, v9;
	v26 =	vld [tilespmem:s1+$0x4060]  }
0x166: {  	v6 =	vadd.f32 $1.000000000e+00, v6;
	v13 =	vadd.f32 $5.000000000e-01, v13;
	v29 =	vtrunc.f32 v5;
	v28 =	vld [tilespmem:s1+$0x40]  }
0x167: {  	v30 =	vmul.f32 $5.120000000e+02, v30;
	v27 =	vmul.f32 $5.120000000e+02, v27;
	v18 =	vadd.f32 $5.000000000e-01, v18;
	v5 =	vmovc v9;
	v34 =	vld [tilespmem:s1+$0x10]  }
0x168: {  	v23 =	vadd.f32 $5.000000000e-01, v23;
	v37 =	vmul.f32 $5.120000000e+02, v6;
	v13 =	vmul.f32 v13, v32;
	v9 =	vld [tilespmem:s1+$0x30]  }
0x169: {  	v14 =	vmul.f32 $5.120000000e+02, v14;
	v10 =	vsub.f32 v4, v10;
	v29 =	vcvt.f32.s32 v29;
	v4 =	vmovc v17;
	v32 =	vld [tilespmem:s1+$0x4040]  }
0x16a: {  	v36 =	vcvt.f32.s32 v8;
	v20 =	vsub.f32 v37, v20;
	v16 =	vmul.f32 v18, v16;
	v35 =	vld [tilespmem:s1+$0x4030];
	v6 =	vmovc v26  }
0x16b: {  	v8 =	vsub.f32 v30, v24;
	v13 =	vsub.f32 v14, v13;
	v14 =	vadd.s32 v2, v29;
	v37 =	vld [tilespmem:s1+$0x4010]  }
0x16c: {  	v11 =	vmul.f32 v19, v11;
	v12 =	vsub.f32 v15, v12;
	v18 =	vtrunc.f32 v10;
	v17 =	vld [tilespmem:s1+$0x4050]  }
0x16d: {  	v19 =	vtrunc.f32 v8;
	v16 =	vsub.f32 v27, v16;
	v8 =	vtrunc.f32 v13;
	[tilespmem:v22+s26+$0x0] =	vst.idx.add.f32.msk $0xffff, v1  }
0x16e: {  	v11 =	vsub.f32 v31, v11;
	v22 =	vcvt.f32.s32 v8;
	v8 =	vtrunc.f32 v12;
	v13 =	vld [tilespmem:s1+$0x4020]  }
0x16f: {  	v10 =	vmul.f32 v23, v3;
	v3 =	vmovc v34;
	v15 =	vadd.f32 $1.000000000e+00, v32;
	v12 =	vmul.f32 $1.024000000e+03, v32;
	[tilespmem:v21+s26+$0x0] =	vst.idx.add.f32.msk $0xffff, v1  }
0x170: {  	v23 =	vcvt.f32.s32 v18;
	v19 =	vcvt.f32.s32 v19;
	v22 =	vadd.s32 v2, v22;
	[tilespmem:v14+s26+$0x0] =	vst.idx.add.f32.msk $0xffff, v1  }
0x171: {  	v29 =	vadd.s32 v2, v36;
	v24 =	vmul.f32 $1.024000000e+03, v35;
	v12 =	vadd.f32 $5.000000000e-01, v12;
	v18 =	vld [tilespmem:s1+$0x4070]  }
0x172: {  	v27 =	vmul.f32 $1.024000000e+03, v6;
	v21 =	vadd.s32 v2, v19;
	v19 =	vtrunc.f32 v11;
	[tilespmem:v25+s26+$0x0] =	vst.idx.add.f32.msk $0xffff, v1  }
.Ltmp3:
0x173: {  	v26 =	vtrunc.f32 v16;
	v25 =	vadd.f32 $5.000000000e-01, v24;
	v14 =	vadd.f32 $1.000000000e+00, v13;
	v11 =	vld [tilespmem:s1+$0x50];
	(pc) =	sbr.rel @p0 .LBB2_8-.Ltmp3, $4  }
0x174: {  	v30 =	vadd.f32 $5.000000000e-01, v27;
	v32 =	vtrunc.f32 v20;
	v31 =	vmul.f32 $1.024000000e+03, v17;
	v16 =	vld [tilespmem:s1+$0x70]  }
0x175: {  	v12 =	vmul.f32 v12, v28;
	v24 =	vcvt.f32.s32 v19;
	[tilespmem:v22+s26+$0x0] =	vst.idx.add.f32.msk $0xffff, v1;
	v22 =	vadd.s32 v2, v23  }
0x176: {  	v20 =	vmul.f32 v30, v33;
	v30 =	vcvt.f32.s32 v32;
	v27 =	vadd.f32 $1.000000000e+00, v37;
	[tilespmem:v29+s26+$0x0] =	vst.idx.add.f32.msk $0xffff, v1  }
0x177: {  	s4 =	sadd.s32 $0x400, s4;
	s5 =	sadd.s32 $0x80, s5;
	v19 =	vadd.f32 $5.000000000e-01, v31;
	v23 =	vmul.f32 $1.024000000e+03, v37;
	v29 =	vadd.f32 $1.000000000e+00, v35;
	v28 =	vld [tilespmem:s1+$0x0]  }
0x178: {  	v31 =	vmul.f32 $1.024000000e+03, v7;
	v17 =	vadd.f32 $1.000000000e+00, v17;
	v30 =	vadd.s32 v2, v30  }
0x179: {  	v7 =	vadd.f32 $1.000000000e+00, v7;
	v9 =	vmul.f32 v25, v9;
	v25 =	vcvt.f32.s32 v26  }
0x17a: {  	v27 =	vmul.f32 $5.120000000e+02, v27;
	v13 =	vmul.f32 $1.024000000e+03, v13;
	v24 =	vadd.s32 v2, v24  }
0x17b: {  	v15 =	vmul.f32 $5.120000000e+02, v15;
	v6 =	vadd.f32 $1.000000000e+00, v6;
	v5 =	vtrunc.f32 v5  }
0x17c: {  	v14 =	vmul.f32 $5.120000000e+02, v14;
	v4 =	vsub.f32 v4, v10;
	v8 =	vcvt.f32.s32 v8  }
0x17d: {  	v29 =	vmul.f32 $5.120000000e+02, v29;
	v23 =	vadd.f32 $5.000000000e-01, v23;
	v5 =	vcvt.f32.s32 v5  }
0x17e: {  	v11 =	vmul.f32 v19, v11;
	v31 =	vadd.f32 $5.000000000e-01, v31;
	v17 =	vmul.f32 $5.120000000e+02, v17  }
0x17f: {  	v26 =	vld [tilespmem:s1+$0x20];
	v25 =	vadd.s32 v2, v25;
	v13 =	vadd.f32 $5.000000000e-01, v13;
	v7 =	vmul.f32 $5.120000000e+02, v7  }
0x180: {  	v6 =	vmul.f32 $5.120000000e+02, v6;
	v4 =	vtrunc.f32 v4;
	v12 =	vsub.f32 v15, v12  }
0x181: {  	v8 =	vadd.s32 v2, v8;
	v9 =	vsub.f32 v29, v9;
	v3 =	vmul.f32 v23, v3  }
0x182: {  	v5 =	vadd.s32 v2, v5;
	v4 =	vcvt.f32.s32 v4;
	v28 =	vmul.f32 v31, v28  }
0x183: {  	v31 =	vadd.f32 $1.000000000e+00, v18;
	v18 =	vmul.f32 $1.024000000e+03, v18;
	v11 =	vsub.f32 v17, v11  }
0x184: {  	v6 =	vsub.f32 v6, v20;
	v13 =	vmul.f32 v13, v26;
	v3 =	vsub.f32 v27, v3  }
0x185: {  	v29 =	vmul.f32 $5.120000000e+02, v31;
	v18 =	vadd.f32 $5.000000000e-01, v18;
	v11 =	vtrunc.f32 v11  }
0x186: {  	[tilespmem:v21+s26+$0x0] =	vst.idx.add.f32.msk $0xffff, v1;
	v7 =	vsub.f32 v7, v28;
	v6 =	vtrunc.f32 v6;
	v11 =	vcvt.f32.s32 v11  }
0x187: {  	[tilespmem:v22+s26+$0x0] =	vst.idx.add.f32.msk $0xffff, v1;
	v4 =	vadd.s32 v2, v4;
	v3 =	vtrunc.f32 v3;
	v10 =	vmul.f32 v18, v16  }
0x188: {  	v13 =	vsub.f32 v14, v13;
	v7 =	vtrunc.f32 v7;
	[tilespmem:v5+s26+$0x0] =	vst.idx.add.f32.msk $0xffff, v1;
	v5 =	vcvt.f32.s32 v6  }
0x189: {  	[tilespmem:v24+s26+$0x0] =	vst.idx.add.f32.msk $0xffff, v1;
	v6 =	vtrunc.f32 v9;
	v7 =	vcvt.f32.s32 v7;
	v9 =	vadd.s32 v2, v11  }
0x18a: {  	[tilespmem:v30+s26+$0x0] =	vst.idx.add.f32.msk $0xffff, v1;
	v3 =	vcvt.f32.s32 v3;
	v13 =	vtrunc.f32 v13;
	v5 =	vadd.s32 v2, v5  }
0x18b: {  	[tilespmem:v25+s26+$0x0] =	vst.idx.add.f32.msk $0xffff, v1;
	v6 =	vcvt.f32.s32 v6;
	v10 =	vsub.f32 v29, v10;
	v7 =	vadd.s32 v2, v7  }
0x18c: {  	[tilespmem:v8+s26+$0x0] =	vst.idx.add.f32.msk $0xffff, v1;
	v11 =	vtrunc.f32 v12;
	v13 =	vcvt.f32.s32 v13;
	v3 =	vadd.s32 v2, v3  }
0x18d: {  	v8 =	vcvt.f32.s32 v11;
	[tilespmem:v4+s26+$0x0] =	vst.idx.add.f32.msk $0xffff, v1;
	v6 =	vadd.s32 v2, v6;
	v10 =	vtrunc.f32 v10  }
0x18e: {  	v13 =	vadd.s32 v2, v13;
	v10 =	vcvt.f32.s32 v10;
	[tilespmem:v9+s26+$0x0] =	vst.idx.add.f32.msk $0xffff, v1  }
0x18f: {  	v4 =	vadd.s32 v2, v8;
	[tilespmem:v5+s26+$0x0] =	vst.idx.add.f32.msk $0xffff, v1  }
0x190: {  	[tilespmem:v7+s26+$0x0] =	vst.idx.add.f32.msk $0xffff, v1;
	v7 =	vadd.s32 v2, v10  }
0x191: {  	[tilespmem:v3+s26+$0x0] =	vst.idx.add.f32.msk $0xffff, v1  }
0x192: {  	[tilespmem:v6+s26+$0x0] =	vst.idx.add.f32.msk $0xffff, v1  }
0x193: {  	[tilespmem:v13+s26+$0x0] =	vst.idx.add.f32.msk $0xffff, v1  }
0x194: {  	[tilespmem:v4+s26+$0x0] =	vst.idx.add.f32.msk $0xffff, v1  }
0x195: {  	s5 =	simm.s32 $0x0;
	[tilespmem:v7+s26+$0x0] =	vst.idx.add.f32.msk $0xffff, v1  }
0x196: {  	[tilespmem:s5], [sflag:$0x1] =	stream.linear.gather [hbm4b:s12+s5], $0x4000, $0x38;
	[tilespmem:$0x14400] =	vst v63  }
0x197: {  	_ = 	snop  }
0x198: {  	[tilespmem:s22], [sflag:$0x2] =	stream.linear.gather [hbm4b:s13+s5], $0x4000, $0x38;
	[tilespmem:$0x14400] =	vst v63  }
0x199: {  	_ =	swait.ge [sflag:s28], $0x4000  }
0x19a: {  	[sflag:s28] =	ssyncset.done $0x0  }
0x19b: {  	[sflag:s28] =	ssyncadd.s32 $0xFFFFC000  }
0x19c: {  	s2 =	sand.u32 $0x3000, s5;
	s4 =	sand.u32 $0xC00, s5;
	_ =	swait.ge [sflag:s29], $0x4000  }
0x19d: {  	s1 =	sand.u32 $0x380, s5;
	s2 =	sor.u32 s4, s2;
	[sflag:s29] =	ssyncset.done $0x0  }
0x19e: {  	s1 =	sor.u32 s1, s2;
	[sflag:s29] =	ssyncadd.s32 $0xFFFFC000  }
0x19f: {  	v4 =	vld [tilespmem:s1+$0xC000]  }
0x1a0: {  	v5 =	vld [tilespmem:s1+$0xC060]  }
0x1a1: {  	v6 =	vld [tilespmem:s1+$0xC040]  }
0x1a2: {  	v7 =	vld [tilespmem:s1+$0xC030]  }
0x1a3: {  	v9 =	vld [tilespmem:s1+$0xC020]  }
0x1a4: {  	v8 =	vld [tilespmem:s1+$0xC050]  }
0x1a5: {  	v14 =	vld [tilespmem:s1+$0xC010];
	_ =	sdelay $0x1  }
0x1a6: {  	v3 =	vld [tilespmem:s1+$0x8060];
	v12 =	vmul.f32 $1.024000000e+03, v6;
	v13 =	vmul.f32 $1.024000000e+03, v5  }
0x1a7: {  	v10 =	vld [tilespmem:s1+$0x8040];
	v15 =	vmul.f32 $1.024000000e+03, v7;
	v6 =	vadd.f32 $1.000000000e+00, v6;
	v16 =	vadd.f32 $1.000000000e+00, v9  }
0x1a8: {  	v11 =	vld [tilespmem:s1+$0x8030];
	v17 =	vmul.f32 $1.024000000e+03, v8;
	v7 =	vadd.f32 $1.000000000e+00, v7;
	v18 =	vmul.f32 $1.024000000e+03, v4  }
0x1a9: {  	v20 =	vld [tilespmem:s1+$0x8010];
	v8 =	vadd.f32 $1.000000000e+00, v8;
	v19 =	vadd.f32 $1.000000000e+00, v14;
	v14 =	vmul.f32 $1.024000000e+03, v14  }
0x1aa: {  	v9 =	vmul.f32 $1.024000000e+03, v9;
	v5 =	vadd.f32 $1.000000000e+00, v5;
	v12 =	vadd.f32 $5.000000000e-01, v12  }
0x1ab: {  	s6 =	simm.s32 $0x400;
	s7 =	simm.s32 $0x80;
	v21 =	vld [tilespmem:s1+$0x8070];
	v13 =	vadd.f32 $5.000000000e-01, v13;
	v15 =	vadd.f32 $5.000000000e-01, v15;
	v7 =	vmul.f32 $5.120000000e+02, v7  }
0x1ac: {  	s4 =	sand.u32 $0x3000, s7;
	s2 =	sand.u32 $0xC00, s6;
	s5 =	simm.s32 $0x20;
	v14 =	vadd.f32 $5.000000000e-01, v14;
	v5 =	vmul.f32 $5.120000000e+02, v5;
	v10 =	vmul.f32 v12, v10;
	v12 =	vld [tilespmem:s1+$0x8000]  }
0x1ad: {  	s2 =	sor.u32 s2, s4;
	s8 =	sand.u32 $0x380, s5;
	v4 =	vadd.f32 $1.000000000e+00, v4;
	v3 =	vmul.f32 v13, v3;
	v13 =	vld [tilespmem:s1+$0xC070];
	v11 =	vmul.f32 v15, v11  }
0x1ae: {  	s5 =	sor.u32 s8, s2;
	v18 =	vadd.f32 $5.000000000e-01, v18;
	v19 =	vmul.f32 $5.120000000e+02, v19;
	v15 =	vld [tilespmem:s1+$0x8020];
	v14 =	vmul.f32 v14, v20  }
0x1af: {  	v22 =	vld [tilespmem:s5+$0x8060];
	v8 =	vmul.f32 $5.120000000e+02, v8;
	v11 =	vsub.f32 v7, v11;
	v3 =	vsub.f32 v5, v3  }
0x1b0: {  	v23 =	vld [tilespmem:s5+$0xC000];
	v6 =	vmul.f32 $5.120000000e+02, v6;
	v4 =	vmul.f32 $5.120000000e+02, v4;
	v14 =	vsub.f32 v19, v14  }
0x1b1: {  	v24 =	vld [tilespmem:s5+$0xC030];
	v9 =	vadd.f32 $5.000000000e-01, v9;
	v3 =	vtrunc.f32 v3;
	v11 =	vtrunc.f32 v11  }
0x1b2: {  	v5 =	vsub.f32 v6, v10;
	v10 =	vld [tilespmem:s5+$0xC020];
	v14 =	vtrunc.f32 v14;
	v12 =	vmul.f32 v18, v12  }
0x1b3: {  	v25 =	vld [tilespmem:s5+$0x8030];
	v7 =	vmul.f32 $1.024000000e+03, v13;
	v13 =	vadd.f32 $1.000000000e+00, v13;
	v9 =	vmul.f32 v9, v15  }
0x1b4: {  	v17 =	vadd.f32 $5.000000000e-01, v17;
	v18 =	vld [tilespmem:s1+$0x8050];
	v15 =	vmul.f32 $5.120000000e+02, v16;
	v3 =	vcvt.f32.s32 v3  }
0x1b5: {  	s7 =	simm.s32 $0x100;
	s6 =	simm.s32 $0x800;
	v27 =	vld [tilespmem:s5+$0xC070];
	v11 =	vcvt.f32.s32 v11;
	v7 =	vadd.f32 $5.000000000e-01, v7;
	v13 =	vmul.f32 $5.120000000e+02, v13  }
0x1b6: {  	s31 =	simm.s32 $0x40;
	s4 =	sand.u32 $0x3000, s7;
	s2 =	sand.u32 $0xC00, s6;
	v29 =	vld [tilespmem:s5+$0x8050];
	v4 =	vsub.f32 v4, v12;
	v9 =	vsub.f32 v15, v9;
	v15 =	vtrunc.f32 v5  }
0x1b7: {  	s8 =	sand.u32 $0x380, s31;
	s2 =	sor.u32 s2, s4;
	v16 =	vld [tilespmem:s5+$0xC040];
	v26 =	vadd.f32 $1.000000000e+00, v10;
	v31 =	vadd.s32 v2, v3;
	v10 =	vmul.f32 $1.024000000e+03, v10  }
0x1b8: {  	s1 =	sor.u32 s8, s2;
	v12 =	vld [tilespmem:s5+$0xC060];
	v11 =	vadd.s32 v2, v11;
	v7 =	vmul.f32 v7, v21;
	v4 =	vtrunc.f32 v4  }
0x1b9: {  	v19 =	vld [tilespmem:s1+$0xC030];
	v9 =	vtrunc.f32 v9;
	v10 =	vadd.f32 $5.000000000e-01, v10;
	v6 =	vmul.f32 v17, v18  }
0x1ba: {  	v30 =	vld [tilespmem:s5+$0x8070];
	v9 =	vcvt.f32.s32 v9;
	v18 =	vmul.f32 $1.024000000e+03, v24;
	v24 =	vadd.f32 $1.000000000e+00, v24  }
0x1bb: {  	v20 =	vld [tilespmem:s5+$0x8010];
	v4 =	vcvt.f32.s32 v4;
	v7 =	vsub.f32 v13, v7;
	v5 =	vsub.f32 v8, v6  }
0x1bc: {  	v13 =	vld [tilespmem:s5+$0xC050];
	v8 =	vadd.f32 $1.000000000e+00, v16;
	v16 =	vmul.f32 $1.024000000e+03, v16;
	v9 =	vadd.s32 v2, v9  }
0x1bd: {  	v6 =	vld [tilespmem:s5+$0x8040];
	v21 =	vmul.f32 $1.024000000e+03, v12;
	v18 =	vadd.f32 $5.000000000e-01, v18;
	v24 =	vmul.f32 $5.120000000e+02, v24  }
0x1be: {  	v4 =	vadd.s32 v2, v4;
	[tilespmem:v11+s26+$0x0] =	vst.idx.add.f32.msk $0xffff, v1;
	v11 =	vmul.f32 $1.024000000e+03, v19;
	v7 =	vtrunc.f32 v7  }
0x1bf: {  	v17 =	vld [tilespmem:s5+$0xC010];
	v12 =	vadd.f32 $1.000000000e+00, v12;
	v5 =	vtrunc.f32 v5;
	v3 =	vmul.f32 v18, v25  }
0x1c0: {  	v33 =	vld [tilespmem:s1+$0x8060];
	v21 =	vadd.f32 $5.000000000e-01, v21;
	v18 =	vcvt.f32.s32 v7;
	v8 =	vmul.f32 $5.120000000e+02, v8  }
0x1c1: {  	v36 =	vld [tilespmem:s1+$0xC010];
	v16 =	vadd.f32 $5.000000000e-01, v16;
	v12 =	vmul.f32 $5.120000000e+02, v12;
	v5 =	vcvt.f32.s32 v5  }
0x1c2: {  	v25 =	vld [tilespmem:s5+$0x8020];
	v28 =	vmul.f32 $1.024000000e+03, v13;
	v21 =	vmul.f32 v21, v22;
	v13 =	vadd.f32 $1.000000000e+00, v13  }
0x1c3: {  	v22 =	vld [tilespmem:s5+$0x8000];
	v34 =	vadd.s32 v2, v18;
	v18 =	vmul.f32 $1.024000000e+03, v27;
	v16 =	vmul.f32 v16, v6  }
0x1c4: {  	v6 =	vadd.f32 $1.000000000e+00, v17;
	v17 =	vmul.f32 $1.024000000e+03, v17;
	[tilespmem:v9+s26+$0x0] =	vst.idx.add.f32.msk $0xffff, v1;
	v9 =	vmul.f32 $1.024000000e+03, v23  }
0x1c5: {  	[tilespmem:v31+s26+$0x0] =	vst.idx.add.f32.msk $0xffff, v1;
	v23 =	vadd.f32 $1.000000000e+00, v23;
	v28 =	vadd.f32 $5.000000000e-01, v28;
	v32 =	vmul.f32 $5.120000000e+02, v13  }
0x1c6: {  	v7 =	vld [tilespmem:s1+$0xC000];
	v13 =	vadd.s32 v2, v5;
	v5 =	vsub.f32 v24, v3;
	v18 =	vadd.f32 $5.000000000e-01, v18  }
0x1c7: {  	[tilespmem:v4+s26+$0x0] =	vst.idx.add.f32.msk $0xffff, v1;
	v12 =	vsub.f32 v12, v21;
	v21 =	vcvt.f32.s32 v15;
	v9 =	vadd.f32 $5.000000000e-01, v9  }
0x1c8: {  	v24 =	vld [tilespmem:s1+$0x8040];
	v35 =	vadd.f32 $5.000000000e-01, v17;
	v10 =	vmul.f32 v10, v25;
	v17 =	vmul.f32 $5.120000000e+02, v26  }
0x1c9: {  	v4 =	vmul.f32 $5.120000000e+02, v6;
	v25 =	vld [tilespmem:s1+$0xC040];
	v22 =	vmul.f32 v9, v22;
	v9 =	vadd.f32 $1.000000000e+00, v27  }
0x1ca: {  	v3 =	vld [tilespmem:s1+$0x8010];
	v23 =	vmul.f32 $5.120000000e+02, v23;
	v18 =	vmul.f32 v18, v30;
	v10 =	vsub.f32 v17, v10  }
0x1cb: {  	v6 =	vld [tilespmem:s1+$0xC060];
	v8 =	vsub.f32 v8, v16;
	v16 =	vmul.f32 v28, v29;
	v27 =	vmul.f32 $5.120000000e+02, v9  }
0x1cc: {  	v29 =	vadd.s32 v2, v21;
	v17 =	vld [tilespmem:s1+$0xC050];
	v15 =	vsub.f32 v23, v22;
	v10 =	vtrunc.f32 v10  }
0x1cd: {  	v8 =	vtrunc.f32 v8;
	[tilespmem:v34+s26+$0x0] =	vst.idx.add.f32.msk $0xffff, v1;
	v23 =	vsub.f32 v27, v18;
	v18 =	vcvt.f32.s32 v10  }
0x1ce: {  	[tilespmem:v13+s26+$0x0] =	vst.idx.add.f32.msk $0xffff, v1;
	v22 =	vtrunc.f32 v15;
	v15 =	vadd.f32 $1.000000000e+00, v25;
	v25 =	vmul.f32 $1.024000000e+03, v25  }
0x1cf: {  	v13 =	vld [tilespmem:s1+$0xC020];
	v10 =	vmul.f32 v35, v20;
	v20 =	vcvt.f32.s32 v22;
	v22 =	vadd.s32 v2, v18  }
0x1d0: {  	v16 =	vsub.f32 v32, v16;
	v9 =	vld [tilespmem:s1+$0x8030];
	v30 =	vmul.f32 $1.024000000e+03, v6;
	v27 =	vcvt.f32.s32 v14  }
0x1d1: {  	[tilespmem:v29+s26+$0x0] =	vst.idx.add.f32.msk $0xffff, v1;
	v29 =	vadd.f32 $1.000000000e+00, v19;
	v31 =	vmul.f32 $1.024000000e+03, v17;
	v28 =	vadd.f32 $5.000000000e-01, v25  }
0x1d2: {  	v18 =	vld [tilespmem:s1+$0xC070];
	v25 =	vadd.f32 $5.000000000e-01, v11;
	v26 =	vtrunc.f32 v23;
	v21 =	vadd.s32 v2, v20  }
0x1d3: {  	v11 =	vld [tilespmem:s1+$0x8050];
	v23 =	vadd.f32 $5.000000000e-01, v30;
	v30 =	vtrunc.f32 v12;
	v20 =	vtrunc.f32 v16  }
0x1d4: {  	v14 =	vadd.f32 $1.000000000e+00, v13;
	v30 =	vcvt.f32.s32 v30;
	[tilespmem:v22+s26+$0x0] =	vst.idx.add.f32.msk $0xffff, v1;
	v22 =	vadd.s32 v2, v27  }
0x1d5: {  	v16 =	vld [tilespmem:s1+$0x8070];
	v19 =	vadd.f32 $5.000000000e-01, v31;
	v12 =	vmul.f32 v28, v24;
	v24 =	vcvt.f32.s32 v20  }
0x1d6: {  	s4 =	simm.s32 $0xC00;
	s2 =	simm.s32 $0x10;
	s5 =	simm.s32 $0x180;
	v20 =	vmul.f32 v23, v33;
	v28 =	vld [tilespmem:s1+$0x8000];
	v23 =	vmul.f32 $1.024000000e+03, v36;
	v27 =	vadd.f32 $1.000000000e+00, v36  }
.LBB2_10:
0x1d7: {  	s6 =	sand.u32 $0x3000, s5;
	s7 =	sand.u32 $0xC00, s4;
	v31 =	vmul.f32 $1.024000000e+03, v7;
	v17 =	vadd.f32 $1.000000000e+00, v17;
	s31 =	sadd.s32 $0x20, s31;
	[tilespmem:v21+s26+$0x0] =	vst.idx.add.f32.msk $0xffff, v1;
	v21 =	vadd.s32 v2, v30  }
0x1d8: {  	s2 =	sadd.s32 $0x8, s2;
	v30 =	vadd.f32 $1.000000000e+00, v7;
	v9 =	vmul.f32 v25, v9;
	v25 =	vcvt.f32.s32 v26;
	s6 =	sor.u32 s7, s6;
	s7 =	sand.u32 $0x380, s31;
	v32 =	vld [tilespmem:s1+$0x8020]  }
0x1d9: {  	p0 =	slt.u32 s2, $0x3F8;
	v29 =	vmul.f32 $5.120000000e+02, v29;
	s1 =	sor.u32 s7, s6;
	v26 =	vadd.f32 $5.000000000e-01, v31;
	v31 =	vmul.f32 $5.120000000e+02, v17;
	[tilespmem:v22+s26+$0x0] =	vst.idx.add.f32.msk $0xffff, v1  }
0x1da: {  	v13 =	vmul.f32 $1.024000000e+03, v13;
	v17 =	vmul.f32 $5.120000000e+02, v27;
	v22 =	vadd.s32 v2, v24;
	v33 =	vld [tilespmem:s1+$0x8060]  }
0x1db: {  	v15 =	vmul.f32 $5.120000000e+02, v15;
	v25 =	vadd.s32 v2, v25;
	v7 =	vld [tilespmem:s1+$0xC000];
	v24 =	vmul.f32 v26, v28  }
0x1dc: {  	v27 =	vadd.f32 $1.000000000e+00, v18;
	v18 =	vmul.f32 $1.024000000e+03, v18;
	v9 =	vsub.f32 v29, v9;
	v26 =	vld [tilespmem:s1+$0xC060]  }
0x1dd: {  	v6 =	vadd.f32 $1.000000000e+00, v6;
	v13 =	vadd.f32 $5.000000000e-01, v13;
	v29 =	vtrunc.f32 v5;
	v28 =	vld [tilespmem:s1+$0x8040]  }
0x1de: {  	v30 =	vmul.f32 $5.120000000e+02, v30;
	v27 =	vmul.f32 $5.120000000e+02, v27;
	v18 =	vadd.f32 $5.000000000e-01, v18;
	v5 =	vmovc v9;
	v34 =	vld [tilespmem:s1+$0x8010]  }
0x1df: {  	v23 =	vadd.f32 $5.000000000e-01, v23;
	v37 =	vmul.f32 $5.120000000e+02, v6;
	v13 =	vmul.f32 v13, v32;
	v9 =	vld [tilespmem:s1+$0x8030]  }
0x1e0: {  	v14 =	vmul.f32 $5.120000000e+02, v14;
	v10 =	vsub.f32 v4, v10;
	v29 =	vcvt.f32.s32 v29;
	v4 =	vmovc v17;
	v32 =	vld [tilespmem:s1+$0xC040]  }
0x1e1: {  	v36 =	vcvt.f32.s32 v8;
	v20 =	vsub.f32 v37, v20;
	v16 =	vmul.f32 v18, v16;
	v35 =	vld [tilespmem:s1+$0xC030];
	v6 =	vmovc v26  }
0x1e2: {  	v8 =	vsub.f32 v30, v24;
	v13 =	vsub.f32 v14, v13;
	v14 =	vadd.s32 v2, v29;
	v37 =	vld [tilespmem:s1+$0xC010]  }
0x1e3: {  	v11 =	vmul.f32 v19, v11;
	v12 =	vsub.f32 v15, v12;
	v18 =	vtrunc.f32 v10;
	v17 =	vld [tilespmem:s1+$0xC050]  }
0x1e4: {  	v19 =	vtrunc.f32 v8;
	v16 =	vsub.f32 v27, v16;
	v8 =	vtrunc.f32 v13;
	[tilespmem:v22+s26+$0x0] =	vst.idx.add.f32.msk $0xffff, v1  }
0x1e5: {  	v11 =	vsub.f32 v31, v11;
	v22 =	vcvt.f32.s32 v8;
	v8 =	vtrunc.f32 v12;
	v13 =	vld [tilespmem:s1+$0xC020]  }
0x1e6: {  	v10 =	vmul.f32 v23, v3;
	v3 =	vmovc v34;
	v15 =	vadd.f32 $1.000000000e+00, v32;
	v12 =	vmul.f32 $1.024000000e+03, v32;
	[tilespmem:v21+s26+$0x0] =	vst.idx.add.f32.msk $0xffff, v1  }
0x1e7: {  	v23 =	vcvt.f32.s32 v18;
	v19 =	vcvt.f32.s32 v19;
	v22 =	vadd.s32 v2, v22;
	[tilespmem:v14+s26+$0x0] =	vst.idx.add.f32.msk $0xffff, v1  }
0x1e8: {  	v29 =	vadd.s32 v2, v36;
	v24 =	vmul.f32 $1.024000000e+03, v35;
	v12 =	vadd.f32 $5.000000000e-01, v12;
	v18 =	vld [tilespmem:s1+$0xC070]  }
0x1e9: {  	v27 =	vmul.f32 $1.024000000e+03, v6;
	v21 =	vadd.s32 v2, v19;
	v19 =	vtrunc.f32 v11;
	[tilespmem:v25+s26+$0x0] =	vst.idx.add.f32.msk $0xffff, v1  }
.Ltmp4:
0x1ea: {  	v26 =	vtrunc.f32 v16;
	v25 =	vadd.f32 $5.000000000e-01, v24;
	v14 =	vadd.f32 $1.000000000e+00, v13;
	v11 =	vld [tilespmem:s1+$0x8050];
	(pc) =	sbr.rel @p0 .LBB2_10-.Ltmp4, $4  }
0x1eb: {  	v30 =	vadd.f32 $5.000000000e-01, v27;
	v32 =	vtrunc.f32 v20;
	v31 =	vmul.f32 $1.024000000e+03, v17;
	v16 =	vld [tilespmem:s1+$0x8070]  }
0x1ec: {  	v12 =	vmul.f32 v12, v28;
	v24 =	vcvt.f32.s32 v19;
	[tilespmem:v22+s26+$0x0] =	vst.idx.add.f32.msk $0xffff, v1;
	v22 =	vadd.s32 v2, v23  }
0x1ed: {  	v20 =	vmul.f32 v30, v33;
	v30 =	vcvt.f32.s32 v32;
	v27 =	vadd.f32 $1.000000000e+00, v37;
	[tilespmem:v29+s26+$0x0] =	vst.idx.add.f32.msk $0xffff, v1  }
0x1ee: {  	s4 =	sadd.s32 $0x400, s4;
	s5 =	sadd.s32 $0x80, s5;
	v19 =	vadd.f32 $5.000000000e-01, v31;
	v23 =	vmul.f32 $1.024000000e+03, v37;
	v29 =	vadd.f32 $1.000000000e+00, v35;
	v28 =	vld [tilespmem:s1+$0x8000]  }
0x1ef: {  	v31 =	vmul.f32 $1.024000000e+03, v7;
	v17 =	vadd.f32 $1.000000000e+00, v17;
	v30 =	vadd.s32 v2, v30  }
0x1f0: {  	v7 =	vadd.f32 $1.000000000e+00, v7;
	v9 =	vmul.f32 v25, v9;
	v25 =	vcvt.f32.s32 v26  }
0x1f1: {  	v27 =	vmul.f32 $5.120000000e+02, v27;
	v13 =	vmul.f32 $1.024000000e+03, v13;
	v24 =	vadd.s32 v2, v24  }
0x1f2: {  	v15 =	vmul.f32 $5.120000000e+02, v15;
	v6 =	vadd.f32 $1.000000000e+00, v6;
	v5 =	vtrunc.f32 v5  }
0x1f3: {  	v14 =	vmul.f32 $5.120000000e+02, v14;
	v4 =	vsub.f32 v4, v10;
	v8 =	vcvt.f32.s32 v8  }
0x1f4: {  	v29 =	vmul.f32 $5.120000000e+02, v29;
	v23 =	vadd.f32 $5.000000000e-01, v23;
	v5 =	vcvt.f32.s32 v5  }
0x1f5: {  	v11 =	vmul.f32 v19, v11;
	v31 =	vadd.f32 $5.000000000e-01, v31;
	v17 =	vmul.f32 $5.120000000e+02, v17  }
0x1f6: {  	v26 =	vld [tilespmem:s1+$0x8020];
	v25 =	vadd.s32 v2, v25;
	v13 =	vadd.f32 $5.000000000e-01, v13;
	v7 =	vmul.f32 $5.120000000e+02, v7  }
0x1f7: {  	v6 =	vmul.f32 $5.120000000e+02, v6;
	v4 =	vtrunc.f32 v4;
	v12 =	vsub.f32 v15, v12  }
0x1f8: {  	v8 =	vadd.s32 v2, v8;
	v9 =	vsub.f32 v29, v9;
	v3 =	vmul.f32 v23, v3  }
0x1f9: {  	v5 =	vadd.s32 v2, v5;
	v4 =	vcvt.f32.s32 v4;
	v28 =	vmul.f32 v31, v28  }
0x1fa: {  	v31 =	vadd.f32 $1.000000000e+00, v18;
	v18 =	vmul.f32 $1.024000000e+03, v18;
	v11 =	vsub.f32 v17, v11  }
0x1fb: {  	v6 =	vsub.f32 v6, v20;
	v13 =	vmul.f32 v13, v26;
	v3 =	vsub.f32 v27, v3  }
0x1fc: {  	v29 =	vmul.f32 $5.120000000e+02, v31;
	v18 =	vadd.f32 $5.000000000e-01, v18;
	v11 =	vtrunc.f32 v11  }
0x1fd: {  	[tilespmem:v21+s26+$0x0] =	vst.idx.add.f32.msk $0xffff, v1;
	v7 =	vsub.f32 v7, v28;
	v6 =	vtrunc.f32 v6;
	v11 =	vcvt.f32.s32 v11  }
0x1fe: {  	[tilespmem:v22+s26+$0x0] =	vst.idx.add.f32.msk $0xffff, v1;
	v4 =	vadd.s32 v2, v4;
	v3 =	vtrunc.f32 v3;
	v10 =	vmul.f32 v18, v16  }
0x1ff: {  	v13 =	vsub.f32 v14, v13;
	v7 =	vtrunc.f32 v7;
	[tilespmem:v5+s26+$0x0] =	vst.idx.add.f32.msk $0xffff, v1;
	v5 =	vcvt.f32.s32 v6  }
0x200: {  	[tilespmem:v24+s26+$0x0] =	vst.idx.add.f32.msk $0xffff, v1;
	v6 =	vtrunc.f32 v9;
	v7 =	vcvt.f32.s32 v7;
	v9 =	vadd.s32 v2, v11  }
0x201: {  	[tilespmem:v30+s26+$0x0] =	vst.idx.add.f32.msk $0xffff, v1;
	v3 =	vcvt.f32.s32 v3;
	v13 =	vtrunc.f32 v13;
	v5 =	vadd.s32 v2, v5  }
0x202: {  	[tilespmem:v25+s26+$0x0] =	vst.idx.add.f32.msk $0xffff, v1;
	v6 =	vcvt.f32.s32 v6;
	v10 =	vsub.f32 v29, v10;
	v7 =	vadd.s32 v2, v7  }
0x203: {  	[tilespmem:v8+s26+$0x0] =	vst.idx.add.f32.msk $0xffff, v1;
	v11 =	vtrunc.f32 v12;
	v13 =	vcvt.f32.s32 v13;
	v3 =	vadd.s32 v2, v3  }
0x204: {  	v8 =	vcvt.f32.s32 v11;
	[tilespmem:v4+s26+$0x0] =	vst.idx.add.f32.msk $0xffff, v1;
	v6 =	vadd.s32 v2, v6;
	v10 =	vtrunc.f32 v10  }
0x205: {  	v13 =	vadd.s32 v2, v13;
	v10 =	vcvt.f32.s32 v10;
	[tilespmem:v9+s26+$0x0] =	vst.idx.add.f32.msk $0xffff, v1  }
0x206: {  	v4 =	vadd.s32 v2, v8;
	[tilespmem:v5+s26+$0x0] =	vst.idx.add.f32.msk $0xffff, v1  }
0x207: {  	[tilespmem:v7+s26+$0x0] =	vst.idx.add.f32.msk $0xffff, v1;
	v7 =	vadd.s32 v2, v10  }
0x208: {  	[tilespmem:v3+s26+$0x0] =	vst.idx.add.f32.msk $0xffff, v1  }
0x209: {  	[tilespmem:v6+s26+$0x0] =	vst.idx.add.f32.msk $0xffff, v1  }
0x20a: {  	[tilespmem:v13+s26+$0x0] =	vst.idx.add.f32.msk $0xffff, v1  }
0x20b: {  	[tilespmem:v4+s26+$0x0] =	vst.idx.add.f32.msk $0xffff, v1  }
0x20c: {  	s5 =	simm.s32 $0x0;
	[tilespmem:v7+s26+$0x0] =	vst.idx.add.f32.msk $0xffff, v1  }
0x20d: {  	[tilespmem:s23], [sflag:$0x3] =	stream.linear.gather [hbm4b:s14+s5], $0x4000, $0x38;
	[tilespmem:$0x14400] =	vst v63  }
0x20e: {  	_ = 	snop  }
0x20f: {  	[tilespmem:s24], [sflag:$0x4] =	stream.linear.gather [hbm4b:s15+s5], $0x4000, $0x38;
	[tilespmem:$0x14400] =	vst v63  }
0x210: {  	_ =	swait.ge [sflag:s3], $0x4000  }
0x211: {  	[sflag:s3] =	ssyncset.done $0x0  }
0x212: {  	[sflag:s3] =	ssyncadd.s32 $0xFFFFC000  }
0x213: {  	s2 =	sand.u32 $0x3000, s5;
	s4 =	sand.u32 $0xC00, s5;
	_ =	swait.ge [sflag:s25], $0x4000  }
0x214: {  	s1 =	sand.u32 $0x380, s5;
	s2 =	sor.u32 s4, s2;
	[sflag:s25] =	ssyncset.done $0x0  }
0x215: {  	s1 =	sor.u32 s1, s2;
	[sflag:s25] =	ssyncadd.s32 $0xFFFFC000  }
0x216: {  	v4 =	vld [tilespmem:s1+$0x4000]  }
0x217: {  	v5 =	vld [tilespmem:s1+$0x4060]  }
0x218: {  	v6 =	vld [tilespmem:s1+$0x4040]  }
0x219: {  	v7 =	vld [tilespmem:s1+$0x4030]  }
0x21a: {  	v9 =	vld [tilespmem:s1+$0x4020]  }
0x21b: {  	v8 =	vld [tilespmem:s1+$0x4050]  }
0x21c: {  	v14 =	vld [tilespmem:s1+$0x4010];
	_ =	sdelay $0x1  }
0x21d: {  	v3 =	vld [tilespmem:s1+$0x60];
	v12 =	vmul.f32 $1.024000000e+03, v6;
	v13 =	vmul.f32 $1.024000000e+03, v5  }
0x21e: {  	v10 =	vld [tilespmem:s1+$0x40];
	v15 =	vmul.f32 $1.024000000e+03, v7;
	v6 =	vadd.f32 $1.000000000e+00, v6;
	v16 =	vadd.f32 $1.000000000e+00, v9  }
0x21f: {  	v11 =	vld [tilespmem:s1+$0x30];
	v17 =	vmul.f32 $1.024000000e+03, v8;
	v7 =	vadd.f32 $1.000000000e+00, v7;
	v18 =	vmul.f32 $1.024000000e+03, v4  }
0x220: {  	v20 =	vld [tilespmem:s1+$0x10];
	v8 =	vadd.f32 $1.000000000e+00, v8;
	v19 =	vadd.f32 $1.000000000e+00, v14;
	v14 =	vmul.f32 $1.024000000e+03, v14  }
0x221: {  	v9 =	vmul.f32 $1.024000000e+03, v9;
	v5 =	vadd.f32 $1.000000000e+00, v5;
	v12 =	vadd.f32 $5.000000000e-01, v12  }
0x222: {  	s6 =	simm.s32 $0x400;
	s7 =	simm.s32 $0x80;
	v21 =	vld [tilespmem:s1+$0x70];
	v13 =	vadd.f32 $5.000000000e-01, v13;
	v15 =	vadd.f32 $5.000000000e-01, v15;
	v7 =	vmul.f32 $5.120000000e+02, v7  }
0x223: {  	s4 =	sand.u32 $0x3000, s7;
	s2 =	sand.u32 $0xC00, s6;
	s5 =	simm.s32 $0x20;
	v14 =	vadd.f32 $5.000000000e-01, v14;
	v5 =	vmul.f32 $5.120000000e+02, v5;
	v10 =	vmul.f32 v12, v10;
	v12 =	vld [tilespmem:s1+$0x0]  }
0x224: {  	s2 =	sor.u32 s2, s4;
	s8 =	sand.u32 $0x380, s5;
	v4 =	vadd.f32 $1.000000000e+00, v4;
	v3 =	vmul.f32 v13, v3;
	v13 =	vld [tilespmem:s1+$0x4070];
	v11 =	vmul.f32 v15, v11  }
0x225: {  	s5 =	sor.u32 s8, s2;
	v18 =	vadd.f32 $5.000000000e-01, v18;
	v19 =	vmul.f32 $5.120000000e+02, v19;
	v15 =	vld [tilespmem:s1+$0x20];
	v14 =	vmul.f32 v14, v20  }
0x226: {  	v22 =	vld [tilespmem:s5+$0x60];
	v8 =	vmul.f32 $5.120000000e+02, v8;
	v11 =	vsub.f32 v7, v11;
	v3 =	vsub.f32 v5, v3  }
0x227: {  	v23 =	vld [tilespmem:s5+$0x4000];
	v6 =	vmul.f32 $5.120000000e+02, v6;
	v4 =	vmul.f32 $5.120000000e+02, v4;
	v14 =	vsub.f32 v19, v14  }
0x228: {  	v24 =	vld [tilespmem:s5+$0x4030];
	v9 =	vadd.f32 $5.000000000e-01, v9;
	v3 =	vtrunc.f32 v3;
	v11 =	vtrunc.f32 v11  }
0x229: {  	v5 =	vsub.f32 v6, v10;
	v10 =	vld [tilespmem:s5+$0x4020];
	v14 =	vtrunc.f32 v14;
	v12 =	vmul.f32 v18, v12  }
0x22a: {  	v25 =	vld [tilespmem:s5+$0x30];
	v7 =	vmul.f32 $1.024000000e+03, v13;
	v13 =	vadd.f32 $1.000000000e+00, v13;
	v9 =	vmul.f32 v9, v15  }
0x22b: {  	v17 =	vadd.f32 $5.000000000e-01, v17;
	v18 =	vld [tilespmem:s1+$0x50];
	v15 =	vmul.f32 $5.120000000e+02, v16;
	v3 =	vcvt.f32.s32 v3  }
0x22c: {  	s7 =	simm.s32 $0x100;
	s6 =	simm.s32 $0x800;
	v27 =	vld [tilespmem:s5+$0x4070];
	v11 =	vcvt.f32.s32 v11;
	v7 =	vadd.f32 $5.000000000e-01, v7;
	v13 =	vmul.f32 $5.120000000e+02, v13  }
0x22d: {  	s31 =	simm.s32 $0x40;
	s4 =	sand.u32 $0x3000, s7;
	s2 =	sand.u32 $0xC00, s6;
	v29 =	vld [tilespmem:s5+$0x50];
	v4 =	vsub.f32 v4, v12;
	v9 =	vsub.f32 v15, v9;
	v15 =	vtrunc.f32 v5  }
0x22e: {  	s8 =	sand.u32 $0x380, s31;
	s2 =	sor.u32 s2, s4;
	v16 =	vld [tilespmem:s5+$0x4040];
	v26 =	vadd.f32 $1.000000000e+00, v10;
	v31 =	vadd.s32 v2, v3;
	v10 =	vmul.f32 $1.024000000e+03, v10  }
0x22f: {  	s1 =	sor.u32 s8, s2;
	v12 =	vld [tilespmem:s5+$0x4060];
	v11 =	vadd.s32 v2, v11;
	v7 =	vmul.f32 v7, v21;
	v4 =	vtrunc.f32 v4  }
0x230: {  	v19 =	vld [tilespmem:s1+$0x4030];
	v9 =	vtrunc.f32 v9;
	v10 =	vadd.f32 $5.000000000e-01, v10;
	v6 =	vmul.f32 v17, v18  }
0x231: {  	v30 =	vld [tilespmem:s5+$0x70];
	v9 =	vcvt.f32.s32 v9;
	v18 =	vmul.f32 $1.024000000e+03, v24;
	v24 =	vadd.f32 $1.000000000e+00, v24  }
0x232: {  	v20 =	vld [tilespmem:s5+$0x10];
	v4 =	vcvt.f32.s32 v4;
	v7 =	vsub.f32 v13, v7;
	v5 =	vsub.f32 v8, v6  }
0x233: {  	v13 =	vld [tilespmem:s5+$0x4050];
	v8 =	vadd.f32 $1.000000000e+00, v16;
	v16 =	vmul.f32 $1.024000000e+03, v16;
	v9 =	vadd.s32 v2, v9  }
0x234: {  	v6 =	vld [tilespmem:s5+$0x40];
	v21 =	vmul.f32 $1.024000000e+03, v12;
	v18 =	vadd.f32 $5.000000000e-01, v18;
	v24 =	vmul.f32 $5.120000000e+02, v24  }
0x235: {  	v4 =	vadd.s32 v2, v4;
	[tilespmem:v11+s26+$0x0] =	vst.idx.add.f32.msk $0xffff, v1;
	v11 =	vmul.f32 $1.024000000e+03, v19;
	v7 =	vtrunc.f32 v7  }
0x236: {  	v17 =	vld [tilespmem:s5+$0x4010];
	v12 =	vadd.f32 $1.000000000e+00, v12;
	v5 =	vtrunc.f32 v5;
	v3 =	vmul.f32 v18, v25  }
0x237: {  	v33 =	vld [tilespmem:s1+$0x60];
	v21 =	vadd.f32 $5.000000000e-01, v21;
	v18 =	vcvt.f32.s32 v7;
	v8 =	vmul.f32 $5.120000000e+02, v8  }
0x238: {  	v36 =	vld [tilespmem:s1+$0x4010];
	v16 =	vadd.f32 $5.000000000e-01, v16;
	v12 =	vmul.f32 $5.120000000e+02, v12;
	v5 =	vcvt.f32.s32 v5  }
0x239: {  	v25 =	vld [tilespmem:s5+$0x20];
	v28 =	vmul.f32 $1.024000000e+03, v13;
	v21 =	vmul.f32 v21, v22;
	v13 =	vadd.f32 $1.000000000e+00, v13  }
0x23a: {  	v22 =	vld [tilespmem:s5+$0x0];
	v34 =	vadd.s32 v2, v18;
	v18 =	vmul.f32 $1.024000000e+03, v27;
	v16 =	vmul.f32 v16, v6  }
0x23b: {  	v6 =	vadd.f32 $1.000000000e+00, v17;
	v17 =	vmul.f32 $1.024000000e+03, v17;
	[tilespmem:v9+s26+$0x0] =	vst.idx.add.f32.msk $0xffff, v1;
	v9 =	vmul.f32 $1.024000000e+03, v23  }
0x23c: {  	[tilespmem:v31+s26+$0x0] =	vst.idx.add.f32.msk $0xffff, v1;
	v23 =	vadd.f32 $1.000000000e+00, v23;
	v28 =	vadd.f32 $5.000000000e-01, v28;
	v32 =	vmul.f32 $5.120000000e+02, v13  }
0x23d: {  	v7 =	vld [tilespmem:s1+$0x4000];
	v13 =	vadd.s32 v2, v5;
	v5 =	vsub.f32 v24, v3;
	v18 =	vadd.f32 $5.000000000e-01, v18  }
0x23e: {  	[tilespmem:v4+s26+$0x0] =	vst.idx.add.f32.msk $0xffff, v1;
	v12 =	vsub.f32 v12, v21;
	v21 =	vcvt.f32.s32 v15;
	v9 =	vadd.f32 $5.000000000e-01, v9  }
0x23f: {  	v24 =	vld [tilespmem:s1+$0x40];
	v35 =	vadd.f32 $5.000000000e-01, v17;
	v10 =	vmul.f32 v10, v25;
	v17 =	vmul.f32 $5.120000000e+02, v26  }
0x240: {  	v4 =	vmul.f32 $5.120000000e+02, v6;
	v25 =	vld [tilespmem:s1+$0x4040];
	v22 =	vmul.f32 v9, v22;
	v9 =	vadd.f32 $1.000000000e+00, v27  }
0x241: {  	v3 =	vld [tilespmem:s1+$0x10];
	v23 =	vmul.f32 $5.120000000e+02, v23;
	v18 =	vmul.f32 v18, v30;
	v10 =	vsub.f32 v17, v10  }
0x242: {  	v6 =	vld [tilespmem:s1+$0x4060];
	v8 =	vsub.f32 v8, v16;
	v16 =	vmul.f32 v28, v29;
	v27 =	vmul.f32 $5.120000000e+02, v9  }
0x243: {  	v29 =	vadd.s32 v2, v21;
	v17 =	vld [tilespmem:s1+$0x4050];
	v15 =	vsub.f32 v23, v22;
	v10 =	vtrunc.f32 v10  }
0x244: {  	v8 =	vtrunc.f32 v8;
	[tilespmem:v34+s26+$0x0] =	vst.idx.add.f32.msk $0xffff, v1;
	v23 =	vsub.f32 v27, v18;
	v18 =	vcvt.f32.s32 v10  }
0x245: {  	[tilespmem:v13+s26+$0x0] =	vst.idx.add.f32.msk $0xffff, v1;
	v22 =	vtrunc.f32 v15;
	v15 =	vadd.f32 $1.000000000e+00, v25;
	v25 =	vmul.f32 $1.024000000e+03, v25  }
0x246: {  	v13 =	vld [tilespmem:s1+$0x4020];
	v10 =	vmul.f32 v35, v20;
	v20 =	vcvt.f32.s32 v22;
	v22 =	vadd.s32 v2, v18  }
0x247: {  	v16 =	vsub.f32 v32, v16;
	v9 =	vld [tilespmem:s1+$0x30];
	v30 =	vmul.f32 $1.024000000e+03, v6;
	v27 =	vcvt.f32.s32 v14  }
0x248: {  	[tilespmem:v29+s26+$0x0] =	vst.idx.add.f32.msk $0xffff, v1;
	v29 =	vadd.f32 $1.000000000e+00, v19;
	v31 =	vmul.f32 $1.024000000e+03, v17;
	v28 =	vadd.f32 $5.000000000e-01, v25  }
0x249: {  	v18 =	vld [tilespmem:s1+$0x4070];
	v25 =	vadd.f32 $5.000000000e-01, v11;
	v26 =	vtrunc.f32 v23;
	v21 =	vadd.s32 v2, v20  }
0x24a: {  	v11 =	vld [tilespmem:s1+$0x50];
	v23 =	vadd.f32 $5.000000000e-01, v30;
	v30 =	vtrunc.f32 v12;
	v20 =	vtrunc.f32 v16  }
0x24b: {  	v14 =	vadd.f32 $1.000000000e+00, v13;
	v30 =	vcvt.f32.s32 v30;
	[tilespmem:v22+s26+$0x0] =	vst.idx.add.f32.msk $0xffff, v1;
	v22 =	vadd.s32 v2, v27  }
0x24c: {  	v16 =	vld [tilespmem:s1+$0x70];
	v19 =	vadd.f32 $5.000000000e-01, v31;
	v12 =	vmul.f32 v28, v24;
	v24 =	vcvt.f32.s32 v20  }
0x24d: {  	s4 =	simm.s32 $0xC00;
	s2 =	simm.s32 $0x10;
	s5 =	simm.s32 $0x180;
	v20 =	vmul.f32 v23, v33;
	v28 =	vld [tilespmem:s1+$0x0];
	v23 =	vmul.f32 $1.024000000e+03, v36;
	v27 =	vadd.f32 $1.000000000e+00, v36  }
.LBB2_12:
0x24e: {  	s6 =	sand.u32 $0x3000, s5;
	s7 =	sand.u32 $0xC00, s4;
	v31 =	vmul.f32 $1.024000000e+03, v7;
	v17 =	vadd.f32 $1.000000000e+00, v17;
	s31 =	sadd.s32 $0x20, s31;
	[tilespmem:v21+s26+$0x0] =	vst.idx.add.f32.msk $0xffff, v1;
	v21 =	vadd.s32 v2, v30  }
0x24f: {  	s2 =	sadd.s32 $0x8, s2;
	v30 =	vadd.f32 $1.000000000e+00, v7;
	v9 =	vmul.f32 v25, v9;
	v25 =	vcvt.f32.s32 v26;
	s6 =	sor.u32 s7, s6;
	s7 =	sand.u32 $0x380, s31;
	v32 =	vld [tilespmem:s1+$0x20]  }
0x250: {  	p0 =	slt.u32 s2, $0x3F8;
	v29 =	vmul.f32 $5.120000000e+02, v29;
	s1 =	sor.u32 s7, s6;
	v26 =	vadd.f32 $5.000000000e-01, v31;
	v31 =	vmul.f32 $5.120000000e+02, v17;
	[tilespmem:v22+s26+$0x0] =	vst.idx.add.f32.msk $0xffff, v1  }
0x251: {  	v13 =	vmul.f32 $1.024000000e+03, v13;
	v17 =	vmul.f32 $5.120000000e+02, v27;
	v22 =	vadd.s32 v2, v24;
	v33 =	vld [tilespmem:s1+$0x60]  }
0x252: {  	v15 =	vmul.f32 $5.120000000e+02, v15;
	v25 =	vadd.s32 v2, v25;
	v7 =	vld [tilespmem:s1+$0x4000];
	v24 =	vmul.f32 v26, v28  }
0x253: {  	v27 =	vadd.f32 $1.000000000e+00, v18;
	v18 =	vmul.f32 $1.024000000e+03, v18;
	v9 =	vsub.f32 v29, v9;
	v26 =	vld [tilespmem:s1+$0x4060]  }
0x254: {  	v6 =	vadd.f32 $1.000000000e+00, v6;
	v13 =	vadd.f32 $5.000000000e-01, v13;
	v29 =	vtrunc.f32 v5;
	v28 =	vld [tilespmem:s1+$0x40]  }
0x255: {  	v30 =	vmul.f32 $5.120000000e+02, v30;
	v27 =	vmul.f32 $5.120000000e+02, v27;
	v18 =	vadd.f32 $5.000000000e-01, v18;
	v5 =	vmovc v9;
	v34 =	vld [tilespmem:s1+$0x10]  }
0x256: {  	v23 =	vadd.f32 $5.000000000e-01, v23;
	v37 =	vmul.f32 $5.120000000e+02, v6;
	v13 =	vmul.f32 v13, v32;
	v9 =	vld [tilespmem:s1+$0x30]  }
0x257: {  	v14 =	vmul.f32 $5.120000000e+02, v14;
	v10 =	vsub.f32 v4, v10;
	v29 =	vcvt.f32.s32 v29;
	v4 =	vmovc v17;
	v32 =	vld [tilespmem:s1+$0x4040]  }
0x258: {  	v36 =	vcvt.f32.s32 v8;
	v20 =	vsub.f32 v37, v20;
	v16 =	vmul.f32 v18, v16;
	v35 =	vld [tilespmem:s1+$0x4030];
	v6 =	vmovc v26  }
0x259: {  	v8 =	vsub.f32 v30, v24;
	v13 =	vsub.f32 v14, v13;
	v14 =	vadd.s32 v2, v29;
	v37 =	vld [tilespmem:s1+$0x4010]  }
0x25a: {  	v11 =	vmul.f32 v19, v11;
	v12 =	vsub.f32 v15, v12;
	v18 =	vtrunc.f32 v10;
	v17 =	vld [tilespmem:s1+$0x4050]  }
0x25b: {  	v19 =	vtrunc.f32 v8;
	v16 =	vsub.f32 v27, v16;
	v8 =	vtrunc.f32 v13;
	[tilespmem:v22+s26+$0x0] =	vst.idx.add.f32.msk $0xffff, v1  }
0x25c: {  	v11 =	vsub.f32 v31, v11;
	v22 =	vcvt.f32.s32 v8;
	v8 =	vtrunc.f32 v12;
	v13 =	vld [tilespmem:s1+$0x4020]  }
0x25d: {  	v10 =	vmul.f32 v23, v3;
	v3 =	vmovc v34;
	v15 =	vadd.f32 $1.000000000e+00, v32;
	v12 =	vmul.f32 $1.024000000e+03, v32;
	[tilespmem:v21+s26+$0x0] =	vst.idx.add.f32.msk $0xffff, v1  }
0x25e: {  	v23 =	vcvt.f32.s32 v18;
	v19 =	vcvt.f32.s32 v19;
	v22 =	vadd.s32 v2, v22;
	[tilespmem:v14+s26+$0x0] =	vst.idx.add.f32.msk $0xffff, v1  }
0x25f: {  	v29 =	vadd.s32 v2, v36;
	v24 =	vmul.f32 $1.024000000e+03, v35;
	v12 =	vadd.f32 $5.000000000e-01, v12;
	v18 =	vld [tilespmem:s1+$0x4070]  }
0x260: {  	v27 =	vmul.f32 $1.024000000e+03, v6;
	v21 =	vadd.s32 v2, v19;
	v19 =	vtrunc.f32 v11;
	[tilespmem:v25+s26+$0x0] =	vst.idx.add.f32.msk $0xffff, v1  }
.Ltmp5:
0x261: {  	v26 =	vtrunc.f32 v16;
	v25 =	vadd.f32 $5.000000000e-01, v24;
	v14 =	vadd.f32 $1.000000000e+00, v13;
	v11 =	vld [tilespmem:s1+$0x50];
	(pc) =	sbr.rel @p0 .LBB2_12-.Ltmp5, $4  }
0x262: {  	v30 =	vadd.f32 $5.000000000e-01, v27;
	v32 =	vtrunc.f32 v20;
	v31 =	vmul.f32 $1.024000000e+03, v17;
	v16 =	vld [tilespmem:s1+$0x70]  }
0x263: {  	v12 =	vmul.f32 v12, v28;
	v24 =	vcvt.f32.s32 v19;
	[tilespmem:v22+s26+$0x0] =	vst.idx.add.f32.msk $0xffff, v1;
	v22 =	vadd.s32 v2, v23  }
0x264: {  	v20 =	vmul.f32 v30, v33;
	v30 =	vcvt.f32.s32 v32;
	v27 =	vadd.f32 $1.000000000e+00, v37;
	[tilespmem:v29+s26+$0x0] =	vst.idx.add.f32.msk $0xffff, v1  }
0x265: {  	s4 =	sadd.s32 $0x400, s4;
	s5 =	sadd.s32 $0x80, s5;
	v19 =	vadd.f32 $5.000000000e-01, v31;
	v23 =	vmul.f32 $1.024000000e+03, v37;
	v29 =	vadd.f32 $1.000000000e+00, v35;
	v28 =	vld [tilespmem:s1+$0x0]  }
0x266: {  	v31 =	vmul.f32 $1.024000000e+03, v7;
	v17 =	vadd.f32 $1.000000000e+00, v17;
	v30 =	vadd.s32 v2, v30  }
0x267: {  	v7 =	vadd.f32 $1.000000000e+00, v7;
	v9 =	vmul.f32 v25, v9;
	v25 =	vcvt.f32.s32 v26  }
0x268: {  	v27 =	vmul.f32 $5.120000000e+02, v27;
	v13 =	vmul.f32 $1.024000000e+03, v13;
	v24 =	vadd.s32 v2, v24  }
0x269: {  	v15 =	vmul.f32 $5.120000000e+02, v15;
	v6 =	vadd.f32 $1.000000000e+00, v6;
	v5 =	vtrunc.f32 v5  }
0x26a: {  	v14 =	vmul.f32 $5.120000000e+02, v14;
	v4 =	vsub.f32 v4, v10;
	v8 =	vcvt.f32.s32 v8  }
0x26b: {  	v29 =	vmul.f32 $5.120000000e+02, v29;
	v23 =	vadd.f32 $5.000000000e-01, v23;
	v5 =	vcvt.f32.s32 v5  }
0x26c: {  	v11 =	vmul.f32 v19, v11;
	v31 =	vadd.f32 $5.000000000e-01, v31;
	v17 =	vmul.f32 $5.120000000e+02, v17  }
0x26d: {  	v26 =	vld [tilespmem:s1+$0x20];
	v25 =	vadd.s32 v2, v25;
	v13 =	vadd.f32 $5.000000000e-01, v13;
	v7 =	vmul.f32 $5.120000000e+02, v7  }
0x26e: {  	v6 =	vmul.f32 $5.120000000e+02, v6;
	v4 =	vtrunc.f32 v4;
	v12 =	vsub.f32 v15, v12  }
0x26f: {  	v8 =	vadd.s32 v2, v8;
	v9 =	vsub.f32 v29, v9;
	v3 =	vmul.f32 v23, v3  }
0x270: {  	v5 =	vadd.s32 v2, v5;
	v4 =	vcvt.f32.s32 v4;
	v28 =	vmul.f32 v31, v28  }
0x271: {  	v31 =	vadd.f32 $1.000000000e+00, v18;
	v18 =	vmul.f32 $1.024000000e+03, v18;
	v11 =	vsub.f32 v17, v11  }
0x272: {  	v6 =	vsub.f32 v6, v20;
	v13 =	vmul.f32 v13, v26;
	v3 =	vsub.f32 v27, v3  }
0x273: {  	v29 =	vmul.f32 $5.120000000e+02, v31;
	v18 =	vadd.f32 $5.000000000e-01, v18;
	v11 =	vtrunc.f32 v11  }
0x274: {  	[tilespmem:v21+s26+$0x0] =	vst.idx.add.f32.msk $0xffff, v1;
	v7 =	vsub.f32 v7, v28;
	v6 =	vtrunc.f32 v6;
	v11 =	vcvt.f32.s32 v11  }
0x275: {  	[tilespmem:v22+s26+$0x0] =	vst.idx.add.f32.msk $0xffff, v1;
	v4 =	vadd.s32 v2, v4;
	v3 =	vtrunc.f32 v3;
	v10 =	vmul.f32 v18, v16  }
0x276: {  	v13 =	vsub.f32 v14, v13;
	v7 =	vtrunc.f32 v7;
	[tilespmem:v5+s26+$0x0] =	vst.idx.add.f32.msk $0xffff, v1;
	v5 =	vcvt.f32.s32 v6  }
0x277: {  	[tilespmem:v24+s26+$0x0] =	vst.idx.add.f32.msk $0xffff, v1;
	v6 =	vtrunc.f32 v9;
	v7 =	vcvt.f32.s32 v7;
	v9 =	vadd.s32 v2, v11  }
0x278: {  	[tilespmem:v30+s26+$0x0] =	vst.idx.add.f32.msk $0xffff, v1;
	v3 =	vcvt.f32.s32 v3;
	v13 =	vtrunc.f32 v13;
	v5 =	vadd.s32 v2, v5  }
0x279: {  	[tilespmem:v25+s26+$0x0] =	vst.idx.add.f32.msk $0xffff, v1;
	v6 =	vcvt.f32.s32 v6;
	v10 =	vsub.f32 v29, v10;
	v7 =	vadd.s32 v2, v7  }
0x27a: {  	[tilespmem:v8+s26+$0x0] =	vst.idx.add.f32.msk $0xffff, v1;
	v11 =	vtrunc.f32 v12;
	v13 =	vcvt.f32.s32 v13;
	v3 =	vadd.s32 v2, v3  }
0x27b: {  	v8 =	vcvt.f32.s32 v11;
	[tilespmem:v4+s26+$0x0] =	vst.idx.add.f32.msk $0xffff, v1;
	v6 =	vadd.s32 v2, v6;
	v10 =	vtrunc.f32 v10  }
0x27c: {  	v13 =	vadd.s32 v2, v13;
	v10 =	vcvt.f32.s32 v10;
	[tilespmem:v9+s26+$0x0] =	vst.idx.add.f32.msk $0xffff, v1  }
0x27d: {  	v4 =	vadd.s32 v2, v8;
	[tilespmem:v5+s26+$0x0] =	vst.idx.add.f32.msk $0xffff, v1  }
0x27e: {  	[tilespmem:v7+s26+$0x0] =	vst.idx.add.f32.msk $0xffff, v1;
	v7 =	vadd.s32 v2, v10  }
0x27f: {  	[tilespmem:v3+s26+$0x0] =	vst.idx.add.f32.msk $0xffff, v1  }
0x280: {  	[tilespmem:v6+s26+$0x0] =	vst.idx.add.f32.msk $0xffff, v1  }
0x281: {  	[tilespmem:v13+s26+$0x0] =	vst.idx.add.f32.msk $0xffff, v1  }
0x282: {  	[tilespmem:v4+s26+$0x0] =	vst.idx.add.f32.msk $0xffff, v1  }
0x283: {  	s5 =	simm.s32 $0x0;
	[tilespmem:v7+s26+$0x0] =	vst.idx.add.f32.msk $0xffff, v1  }
0x284: {  	[tilespmem:s5], [sflag:$0x1] =	stream.linear.gather [hbm4b:s16+s5], $0x4000, $0x38;
	[tilespmem:$0x14400] =	vst v63  }
0x285: {  	_ = 	snop  }
0x286: {  	[tilespmem:s22], [sflag:$0x2] =	stream.linear.gather [hbm4b:s17+s5], $0x4000, $0x38;
	[tilespmem:$0x14400] =	vst v63  }
0x287: {  	_ =	swait.ge [sflag:s28], $0x4000  }
0x288: {  	[sflag:s28] =	ssyncset.done $0x0  }
0x289: {  	[sflag:s28] =	ssyncadd.s32 $0xFFFFC000  }
0x28a: {  	s2 =	sand.u32 $0x3000, s5;
	s4 =	sand.u32 $0xC00, s5;
	_ =	swait.ge [sflag:s29], $0x4000  }
0x28b: {  	s1 =	sand.u32 $0x380, s5;
	s2 =	sor.u32 s4, s2;
	[sflag:s29] =	ssyncset.done $0x0  }
0x28c: {  	s1 =	sor.u32 s1, s2;
	[sflag:s29] =	ssyncadd.s32 $0xFFFFC000  }
0x28d: {  	v4 =	vld [tilespmem:s1+$0xC000]  }
0x28e: {  	v5 =	vld [tilespmem:s1+$0xC060]  }
0x28f: {  	v6 =	vld [tilespmem:s1+$0xC040]  }
0x290: {  	v7 =	vld [tilespmem:s1+$0xC030]  }
0x291: {  	v9 =	vld [tilespmem:s1+$0xC020]  }
0x292: {  	v8 =	vld [tilespmem:s1+$0xC050]  }
0x293: {  	v14 =	vld [tilespmem:s1+$0xC010];
	_ =	sdelay $0x1  }
0x294: {  	v3 =	vld [tilespmem:s1+$0x8060];
	v12 =	vmul.f32 $1.024000000e+03, v6;
	v13 =	vmul.f32 $1.024000000e+03, v5  }
0x295: {  	v10 =	vld [tilespmem:s1+$0x8040];
	v15 =	vmul.f32 $1.024000000e+03, v7;
	v6 =	vadd.f32 $1.000000000e+00, v6;
	v16 =	vadd.f32 $1.000000000e+00, v9  }
0x296: {  	v11 =	vld [tilespmem:s1+$0x8030];
	v17 =	vmul.f32 $1.024000000e+03, v8;
	v7 =	vadd.f32 $1.000000000e+00, v7;
	v18 =	vmul.f32 $1.024000000e+03, v4  }
0x297: {  	v20 =	vld [tilespmem:s1+$0x8010];
	v8 =	vadd.f32 $1.000000000e+00, v8;
	v19 =	vadd.f32 $1.000000000e+00, v14;
	v14 =	vmul.f32 $1.024000000e+03, v14  }
0x298: {  	v9 =	vmul.f32 $1.024000000e+03, v9;
	v5 =	vadd.f32 $1.000000000e+00, v5;
	v12 =	vadd.f32 $5.000000000e-01, v12  }
0x299: {  	s6 =	simm.s32 $0x400;
	s7 =	simm.s32 $0x80;
	v21 =	vld [tilespmem:s1+$0x8070];
	v13 =	vadd.f32 $5.000000000e-01, v13;
	v15 =	vadd.f32 $5.000000000e-01, v15;
	v7 =	vmul.f32 $5.120000000e+02, v7  }
0x29a: {  	s4 =	sand.u32 $0x3000, s7;
	s2 =	sand.u32 $0xC00, s6;
	s5 =	simm.s32 $0x20;
	v14 =	vadd.f32 $5.000000000e-01, v14;
	v5 =	vmul.f32 $5.120000000e+02, v5;
	v10 =	vmul.f32 v12, v10;
	v12 =	vld [tilespmem:s1+$0x8000]  }
0x29b: {  	s2 =	sor.u32 s2, s4;
	s8 =	sand.u32 $0x380, s5;
	v4 =	vadd.f32 $1.000000000e+00, v4;
	v3 =	vmul.f32 v13, v3;
	v13 =	vld [tilespmem:s1+$0xC070];
	v11 =	vmul.f32 v15, v11  }
0x29c: {  	s5 =	sor.u32 s8, s2;
	v18 =	vadd.f32 $5.000000000e-01, v18;
	v19 =	vmul.f32 $5.120000000e+02, v19;
	v15 =	vld [tilespmem:s1+$0x8020];
	v14 =	vmul.f32 v14, v20  }
0x29d: {  	v22 =	vld [tilespmem:s5+$0x8060];
	v8 =	vmul.f32 $5.120000000e+02, v8;
	v11 =	vsub.f32 v7, v11;
	v3 =	vsub.f32 v5, v3  }
0x29e: {  	v23 =	vld [tilespmem:s5+$0xC000];
	v6 =	vmul.f32 $5.120000000e+02, v6;
	v4 =	vmul.f32 $5.120000000e+02, v4;
	v14 =	vsub.f32 v19, v14  }
0x29f: {  	v24 =	vld [tilespmem:s5+$0xC030];
	v9 =	vadd.f32 $5.000000000e-01, v9;
	v3 =	vtrunc.f32 v3;
	v11 =	vtrunc.f32 v11  }
0x2a0: {  	v5 =	vsub.f32 v6, v10;
	v10 =	vld [tilespmem:s5+$0xC020];
	v14 =	vtrunc.f32 v14;
	v12 =	vmul.f32 v18, v12  }
0x2a1: {  	v25 =	vld [tilespmem:s5+$0x8030];
	v7 =	vmul.f32 $1.024000000e+03, v13;
	v13 =	vadd.f32 $1.000000000e+00, v13;
	v9 =	vmul.f32 v9, v15  }
0x2a2: {  	v17 =	vadd.f32 $5.000000000e-01, v17;
	v18 =	vld [tilespmem:s1+$0x8050];
	v15 =	vmul.f32 $5.120000000e+02, v16;
	v3 =	vcvt.f32.s32 v3  }
0x2a3: {  	s7 =	simm.s32 $0x100;
	s6 =	simm.s32 $0x800;
	v27 =	vld [tilespmem:s5+$0xC070];
	v11 =	vcvt.f32.s32 v11;
	v7 =	vadd.f32 $5.000000000e-01, v7;
	v13 =	vmul.f32 $5.120000000e+02, v13  }
0x2a4: {  	s31 =	simm.s32 $0x40;
	s4 =	sand.u32 $0x3000, s7;
	s2 =	sand.u32 $0xC00, s6;
	v29 =	vld [tilespmem:s5+$0x8050];
	v4 =	vsub.f32 v4, v12;
	v9 =	vsub.f32 v15, v9;
	v15 =	vtrunc.f32 v5  }
0x2a5: {  	s8 =	sand.u32 $0x380, s31;
	s2 =	sor.u32 s2, s4;
	v16 =	vld [tilespmem:s5+$0xC040];
	v26 =	vadd.f32 $1.000000000e+00, v10;
	v31 =	vadd.s32 v2, v3;
	v10 =	vmul.f32 $1.024000000e+03, v10  }
0x2a6: {  	s1 =	sor.u32 s8, s2;
	v12 =	vld [tilespmem:s5+$0xC060];
	v11 =	vadd.s32 v2, v11;
	v7 =	vmul.f32 v7, v21;
	v4 =	vtrunc.f32 v4  }
0x2a7: {  	v19 =	vld [tilespmem:s1+$0xC030];
	v9 =	vtrunc.f32 v9;
	v10 =	vadd.f32 $5.000000000e-01, v10;
	v6 =	vmul.f32 v17, v18  }
0x2a8: {  	v30 =	vld [tilespmem:s5+$0x8070];
	v9 =	vcvt.f32.s32 v9;
	v18 =	vmul.f32 $1.024000000e+03, v24;
	v24 =	vadd.f32 $1.000000000e+00, v24  }
0x2a9: {  	v20 =	vld [tilespmem:s5+$0x8010];
	v4 =	vcvt.f32.s32 v4;
	v7 =	vsub.f32 v13, v7;
	v5 =	vsub.f32 v8, v6  }
0x2aa: {  	v13 =	vld [tilespmem:s5+$0xC050];
	v8 =	vadd.f32 $1.000000000e+00, v16;
	v16 =	vmul.f32 $1.024000000e+03, v16;
	v9 =	vadd.s32 v2, v9  }
0x2ab: {  	v6 =	vld [tilespmem:s5+$0x8040];
	v21 =	vmul.f32 $1.024000000e+03, v12;
	v18 =	vadd.f32 $5.000000000e-01, v18;
	v24 =	vmul.f32 $5.120000000e+02, v24  }
0x2ac: {  	v4 =	vadd.s32 v2, v4;
	[tilespmem:v11+s26+$0x0] =	vst.idx.add.f32.msk $0xffff, v1;
	v11 =	vmul.f32 $1.024000000e+03, v19;
	v7 =	vtrunc.f32 v7  }
0x2ad: {  	v17 =	vld [tilespmem:s5+$0xC010];
	v12 =	vadd.f32 $1.000000000e+00, v12;
	v5 =	vtrunc.f32 v5;
	v3 =	vmul.f32 v18, v25  }
0x2ae: {  	v33 =	vld [tilespmem:s1+$0x8060];
	v21 =	vadd.f32 $5.000000000e-01, v21;
	v18 =	vcvt.f32.s32 v7;
	v8 =	vmul.f32 $5.120000000e+02, v8  }
0x2af: {  	v36 =	vld [tilespmem:s1+$0xC010];
	v16 =	vadd.f32 $5.000000000e-01, v16;
	v12 =	vmul.f32 $5.120000000e+02, v12;
	v5 =	vcvt.f32.s32 v5  }
0x2b0: {  	v25 =	vld [tilespmem:s5+$0x8020];
	v28 =	vmul.f32 $1.024000000e+03, v13;
	v21 =	vmul.f32 v21, v22;
	v13 =	vadd.f32 $1.000000000e+00, v13  }
0x2b1: {  	v22 =	vld [tilespmem:s5+$0x8000];
	v34 =	vadd.s32 v2, v18;
	v18 =	vmul.f32 $1.024000000e+03, v27;
	v16 =	vmul.f32 v16, v6  }
0x2b2: {  	v6 =	vadd.f32 $1.000000000e+00, v17;
	v17 =	vmul.f32 $1.024000000e+03, v17;
	[tilespmem:v9+s26+$0x0] =	vst.idx.add.f32.msk $0xffff, v1;
	v9 =	vmul.f32 $1.024000000e+03, v23  }
0x2b3: {  	[tilespmem:v31+s26+$0x0] =	vst.idx.add.f32.msk $0xffff, v1;
	v23 =	vadd.f32 $1.000000000e+00, v23;
	v28 =	vadd.f32 $5.000000000e-01, v28;
	v32 =	vmul.f32 $5.120000000e+02, v13  }
0x2b4: {  	v7 =	vld [tilespmem:s1+$0xC000];
	v13 =	vadd.s32 v2, v5;
	v5 =	vsub.f32 v24, v3;
	v18 =	vadd.f32 $5.000000000e-01, v18  }
0x2b5: {  	[tilespmem:v4+s26+$0x0] =	vst.idx.add.f32.msk $0xffff, v1;
	v12 =	vsub.f32 v12, v21;
	v21 =	vcvt.f32.s32 v15;
	v9 =	vadd.f32 $5.000000000e-01, v9  }
0x2b6: {  	v24 =	vld [tilespmem:s1+$0x8040];
	v35 =	vadd.f32 $5.000000000e-01, v17;
	v10 =	vmul.f32 v10, v25;
	v17 =	vmul.f32 $5.120000000e+02, v26  }
0x2b7: {  	v4 =	vmul.f32 $5.120000000e+02, v6;
	v25 =	vld [tilespmem:s1+$0xC040];
	v22 =	vmul.f32 v9, v22;
	v9 =	vadd.f32 $1.000000000e+00, v27  }
0x2b8: {  	v3 =	vld [tilespmem:s1+$0x8010];
	v23 =	vmul.f32 $5.120000000e+02, v23;
	v18 =	vmul.f32 v18, v30;
	v10 =	vsub.f32 v17, v10  }
0x2b9: {  	v6 =	vld [tilespmem:s1+$0xC060];
	v8 =	vsub.f32 v8, v16;
	v16 =	vmul.f32 v28, v29;
	v27 =	vmul.f32 $5.120000000e+02, v9  }
0x2ba: {  	v29 =	vadd.s32 v2, v21;
	v17 =	vld [tilespmem:s1+$0xC050];
	v15 =	vsub.f32 v23, v22;
	v10 =	vtrunc.f32 v10  }
0x2bb: {  	v8 =	vtrunc.f32 v8;
	[tilespmem:v34+s26+$0x0] =	vst.idx.add.f32.msk $0xffff, v1;
	v23 =	vsub.f32 v27, v18;
	v18 =	vcvt.f32.s32 v10  }
0x2bc: {  	[tilespmem:v13+s26+$0x0] =	vst.idx.add.f32.msk $0xffff, v1;
	v22 =	vtrunc.f32 v15;
	v15 =	vadd.f32 $1.000000000e+00, v25;
	v25 =	vmul.f32 $1.024000000e+03, v25  }
0x2bd: {  	v13 =	vld [tilespmem:s1+$0xC020];
	v10 =	vmul.f32 v35, v20;
	v20 =	vcvt.f32.s32 v22;
	v22 =	vadd.s32 v2, v18  }
0x2be: {  	v16 =	vsub.f32 v32, v16;
	v9 =	vld [tilespmem:s1+$0x8030];
	v30 =	vmul.f32 $1.024000000e+03, v6;
	v27 =	vcvt.f32.s32 v14  }
0x2bf: {  	[tilespmem:v29+s26+$0x0] =	vst.idx.add.f32.msk $0xffff, v1;
	v29 =	vadd.f32 $1.000000000e+00, v19;
	v31 =	vmul.f32 $1.024000000e+03, v17;
	v28 =	vadd.f32 $5.000000000e-01, v25  }
0x2c0: {  	v18 =	vld [tilespmem:s1+$0xC070];
	v25 =	vadd.f32 $5.000000000e-01, v11;
	v26 =	vtrunc.f32 v23;
	v21 =	vadd.s32 v2, v20  }
0x2c1: {  	v11 =	vld [tilespmem:s1+$0x8050];
	v23 =	vadd.f32 $5.000000000e-01, v30;
	v30 =	vtrunc.f32 v12;
	v20 =	vtrunc.f32 v16  }
0x2c2: {  	v14 =	vadd.f32 $1.000000000e+00, v13;
	v30 =	vcvt.f32.s32 v30;
	[tilespmem:v22+s26+$0x0] =	vst.idx.add.f32.msk $0xffff, v1;
	v22 =	vadd.s32 v2, v27  }
0x2c3: {  	v16 =	vld [tilespmem:s1+$0x8070];
	v19 =	vadd.f32 $5.000000000e-01, v31;
	v12 =	vmul.f32 v28, v24;
	v24 =	vcvt.f32.s32 v20  }
0x2c4: {  	s4 =	simm.s32 $0xC00;
	s2 =	simm.s32 $0x10;
	s5 =	simm.s32 $0x180;
	v20 =	vmul.f32 v23, v33;
	v28 =	vld [tilespmem:s1+$0x8000];
	v23 =	vmul.f32 $1.024000000e+03, v36;
	v27 =	vadd.f32 $1.000000000e+00, v36  }
.LBB2_14:
0x2c5: {  	s6 =	sand.u32 $0x3000, s5;
	s7 =	sand.u32 $0xC00, s4;
	v31 =	vmul.f32 $1.024000000e+03, v7;
	v17 =	vadd.f32 $1.000000000e+00, v17;
	s31 =	sadd.s32 $0x20, s31;
	[tilespmem:v21+s26+$0x0] =	vst.idx.add.f32.msk $0xffff, v1;
	v21 =	vadd.s32 v2, v30  }
0x2c6: {  	s2 =	sadd.s32 $0x8, s2;
	v30 =	vadd.f32 $1.000000000e+00, v7;
	v9 =	vmul.f32 v25, v9;
	v25 =	vcvt.f32.s32 v26;
	s6 =	sor.u32 s7, s6;
	s7 =	sand.u32 $0x380, s31;
	v32 =	vld [tilespmem:s1+$0x8020]  }
0x2c7: {  	p0 =	slt.u32 s2, $0x3F8;
	v29 =	vmul.f32 $5.120000000e+02, v29;
	s1 =	sor.u32 s7, s6;
	v26 =	vadd.f32 $5.000000000e-01, v31;
	v31 =	vmul.f32 $5.120000000e+02, v17;
	[tilespmem:v22+s26+$0x0] =	vst.idx.add.f32.msk $0xffff, v1  }
0x2c8: {  	v13 =	vmul.f32 $1.024000000e+03, v13;
	v17 =	vmul.f32 $5.120000000e+02, v27;
	v22 =	vadd.s32 v2, v24;
	v33 =	vld [tilespmem:s1+$0x8060]  }
0x2c9: {  	v15 =	vmul.f32 $5.120000000e+02, v15;
	v25 =	vadd.s32 v2, v25;
	v7 =	vld [tilespmem:s1+$0xC000];
	v24 =	vmul.f32 v26, v28  }
0x2ca: {  	v27 =	vadd.f32 $1.000000000e+00, v18;
	v18 =	vmul.f32 $1.024000000e+03, v18;
	v9 =	vsub.f32 v29, v9;
	v26 =	vld [tilespmem:s1+$0xC060]  }
0x2cb: {  	v6 =	vadd.f32 $1.000000000e+00, v6;
	v13 =	vadd.f32 $5.000000000e-01, v13;
	v29 =	vtrunc.f32 v5;
	v28 =	vld [tilespmem:s1+$0x8040]  }
0x2cc: {  	v30 =	vmul.f32 $5.120000000e+02, v30;
	v27 =	vmul.f32 $5.120000000e+02, v27;
	v18 =	vadd.f32 $5.000000000e-01, v18;
	v5 =	vmovc v9;
	v34 =	vld [tilespmem:s1+$0x8010]  }
0x2cd: {  	v23 =	vadd.f32 $5.000000000e-01, v23;
	v37 =	vmul.f32 $5.120000000e+02, v6;
	v13 =	vmul.f32 v13, v32;
	v9 =	vld [tilespmem:s1+$0x8030]  }
0x2ce: {  	v14 =	vmul.f32 $5.120000000e+02, v14;
	v10 =	vsub.f32 v4, v10;
	v29 =	vcvt.f32.s32 v29;
	v4 =	vmovc v17;
	v32 =	vld [tilespmem:s1+$0xC040]  }
0x2cf: {  	v36 =	vcvt.f32.s32 v8;
	v20 =	vsub.f32 v37, v20;
	v16 =	vmul.f32 v18, v16;
	v35 =	vld [tilespmem:s1+$0xC030];
	v6 =	vmovc v26  }
0x2d0: {  	v8 =	vsub.f32 v30, v24;
	v13 =	vsub.f32 v14, v13;
	v14 =	vadd.s32 v2, v29;
	v37 =	vld [tilespmem:s1+$0xC010]  }
0x2d1: {  	v11 =	vmul.f32 v19, v11;
	v12 =	vsub.f32 v15, v12;
	v18 =	vtrunc.f32 v10;
	v17 =	vld [tilespmem:s1+$0xC050]  }
0x2d2: {  	v19 =	vtrunc.f32 v8;
	v16 =	vsub.f32 v27, v16;
	v8 =	vtrunc.f32 v13;
	[tilespmem:v22+s26+$0x0] =	vst.idx.add.f32.msk $0xffff, v1  }
0x2d3: {  	v11 =	vsub.f32 v31, v11;
	v22 =	vcvt.f32.s32 v8;
	v8 =	vtrunc.f32 v12;
	v13 =	vld [tilespmem:s1+$0xC020]  }
0x2d4: {  	v10 =	vmul.f32 v23, v3;
	v3 =	vmovc v34;
	v15 =	vadd.f32 $1.000000000e+00, v32;
	v12 =	vmul.f32 $1.024000000e+03, v32;
	[tilespmem:v21+s26+$0x0] =	vst.idx.add.f32.msk $0xffff, v1  }
0x2d5: {  	v23 =	vcvt.f32.s32 v18;
	v19 =	vcvt.f32.s32 v19;
	v22 =	vadd.s32 v2, v22;
	[tilespmem:v14+s26+$0x0] =	vst.idx.add.f32.msk $0xffff, v1  }
0x2d6: {  	v29 =	vadd.s32 v2, v36;
	v24 =	vmul.f32 $1.024000000e+03, v35;
	v12 =	vadd.f32 $5.000000000e-01, v12;
	v18 =	vld [tilespmem:s1+$0xC070]  }
0x2d7: {  	v27 =	vmul.f32 $1.024000000e+03, v6;
	v21 =	vadd.s32 v2, v19;
	v19 =	vtrunc.f32 v11;
	[tilespmem:v25+s26+$0x0] =	vst.idx.add.f32.msk $0xffff, v1  }
.Ltmp6:
0x2d8: {  	v26 =	vtrunc.f32 v16;
	v25 =	vadd.f32 $5.000000000e-01, v24;
	v14 =	vadd.f32 $1.000000000e+00, v13;
	v11 =	vld [tilespmem:s1+$0x8050];
	(pc) =	sbr.rel @p0 .LBB2_14-.Ltmp6, $4  }
0x2d9: {  	v30 =	vadd.f32 $5.000000000e-01, v27;
	v32 =	vtrunc.f32 v20;
	v31 =	vmul.f32 $1.024000000e+03, v17;
	v16 =	vld [tilespmem:s1+$0x8070]  }
0x2da: {  	v12 =	vmul.f32 v12, v28;
	v24 =	vcvt.f32.s32 v19;
	[tilespmem:v22+s26+$0x0] =	vst.idx.add.f32.msk $0xffff, v1;
	v22 =	vadd.s32 v2, v23  }
0x2db: {  	v20 =	vmul.f32 v30, v33;
	v30 =	vcvt.f32.s32 v32;
	v27 =	vadd.f32 $1.000000000e+00, v37;
	[tilespmem:v29+s26+$0x0] =	vst.idx.add.f32.msk $0xffff, v1  }
0x2dc: {  	s4 =	sadd.s32 $0x400, s4;
	s5 =	sadd.s32 $0x80, s5;
	v19 =	vadd.f32 $5.000000000e-01, v31;
	v23 =	vmul.f32 $1.024000000e+03, v37;
	v29 =	vadd.f32 $1.000000000e+00, v35;
	v28 =	vld [tilespmem:s1+$0x8000]  }
0x2dd: {  	v31 =	vmul.f32 $1.024000000e+03, v7;
	v17 =	vadd.f32 $1.000000000e+00, v17;
	v30 =	vadd.s32 v2, v30  }
0x2de: {  	v7 =	vadd.f32 $1.000000000e+00, v7;
	v9 =	vmul.f32 v25, v9;
	v25 =	vcvt.f32.s32 v26  }
0x2df: {  	v27 =	vmul.f32 $5.120000000e+02, v27;
	v13 =	vmul.f32 $1.024000000e+03, v13;
	v24 =	vadd.s32 v2, v24  }
0x2e0: {  	v15 =	vmul.f32 $5.120000000e+02, v15;
	v6 =	vadd.f32 $1.000000000e+00, v6;
	v5 =	vtrunc.f32 v5  }
0x2e1: {  	v14 =	vmul.f32 $5.120000000e+02, v14;
	v4 =	vsub.f32 v4, v10;
	v8 =	vcvt.f32.s32 v8  }
0x2e2: {  	v29 =	vmul.f32 $5.120000000e+02, v29;
	v23 =	vadd.f32 $5.000000000e-01, v23;
	v5 =	vcvt.f32.s32 v5  }
0x2e3: {  	v11 =	vmul.f32 v19, v11;
	v31 =	vadd.f32 $5.000000000e-01, v31;
	v17 =	vmul.f32 $5.120000000e+02, v17  }
0x2e4: {  	v26 =	vld [tilespmem:s1+$0x8020];
	v25 =	vadd.s32 v2, v25;
	v13 =	vadd.f32 $5.000000000e-01, v13;
	v7 =	vmul.f32 $5.120000000e+02, v7  }
0x2e5: {  	v6 =	vmul.f32 $5.120000000e+02, v6;
	v4 =	vtrunc.f32 v4;
	v12 =	vsub.f32 v15, v12  }
0x2e6: {  	v8 =	vadd.s32 v2, v8;
	v9 =	vsub.f32 v29, v9;
	v3 =	vmul.f32 v23, v3  }
0x2e7: {  	v5 =	vadd.s32 v2, v5;
	v4 =	vcvt.f32.s32 v4;
	v28 =	vmul.f32 v31, v28  }
0x2e8: {  	v31 =	vadd.f32 $1.000000000e+00, v18;
	v18 =	vmul.f32 $1.024000000e+03, v18;
	v11 =	vsub.f32 v17, v11  }
0x2e9: {  	v6 =	vsub.f32 v6, v20;
	v13 =	vmul.f32 v13, v26;
	v3 =	vsub.f32 v27, v3  }
0x2ea: {  	v29 =	vmul.f32 $5.120000000e+02, v31;
	v18 =	vadd.f32 $5.000000000e-01, v18;
	v11 =	vtrunc.f32 v11  }
0x2eb: {  	[tilespmem:v21+s26+$0x0] =	vst.idx.add.f32.msk $0xffff, v1;
	v7 =	vsub.f32 v7, v28;
	v6 =	vtrunc.f32 v6;
	v11 =	vcvt.f32.s32 v11  }
0x2ec: {  	[tilespmem:v22+s26+$0x0] =	vst.idx.add.f32.msk $0xffff, v1;
	v4 =	vadd.s32 v2, v4;
	v3 =	vtrunc.f32 v3;
	v10 =	vmul.f32 v18, v16  }
0x2ed: {  	v13 =	vsub.f32 v14, v13;
	v7 =	vtrunc.f32 v7;
	[tilespmem:v5+s26+$0x0] =	vst.idx.add.f32.msk $0xffff, v1;
	v5 =	vcvt.f32.s32 v6  }
0x2ee: {  	[tilespmem:v24+s26+$0x0] =	vst.idx.add.f32.msk $0xffff, v1;
	v6 =	vtrunc.f32 v9;
	v7 =	vcvt.f32.s32 v7;
	v9 =	vadd.s32 v2, v11  }
0x2ef: {  	[tilespmem:v30+s26+$0x0] =	vst.idx.add.f32.msk $0xffff, v1;
	v3 =	vcvt.f32.s32 v3;
	v13 =	vtrunc.f32 v13;
	v5 =	vadd.s32 v2, v5  }
0x2f0: {  	[tilespmem:v25+s26+$0x0] =	vst.idx.add.f32.msk $0xffff, v1;
	v6 =	vcvt.f32.s32 v6;
	v10 =	vsub.f32 v29, v10;
	v7 =	vadd.s32 v2, v7  }
0x2f1: {  	[tilespmem:v8+s26+$0x0] =	vst.idx.add.f32.msk $0xffff, v1;
	v11 =	vtrunc.f32 v12;
	v13 =	vcvt.f32.s32 v13;
	v3 =	vadd.s32 v2, v3  }
0x2f2: {  	v8 =	vcvt.f32.s32 v11;
	[tilespmem:v4+s26+$0x0] =	vst.idx.add.f32.msk $0xffff, v1;
	v6 =	vadd.s32 v2, v6;
	v10 =	vtrunc.f32 v10  }
0x2f3: {  	v13 =	vadd.s32 v2, v13;
	v10 =	vcvt.f32.s32 v10;
	[tilespmem:v9+s26+$0x0] =	vst.idx.add.f32.msk $0xffff, v1  }
0x2f4: {  	v4 =	vadd.s32 v2, v8;
	[tilespmem:v5+s26+$0x0] =	vst.idx.add.f32.msk $0xffff, v1  }
0x2f5: {  	[tilespmem:v7+s26+$0x0] =	vst.idx.add.f32.msk $0xffff, v1;
	v7 =	vadd.s32 v2, v10  }
0x2f6: {  	[tilespmem:v3+s26+$0x0] =	vst.idx.add.f32.msk $0xffff, v1  }
0x2f7: {  	[tilespmem:v6+s26+$0x0] =	vst.idx.add.f32.msk $0xffff, v1  }
0x2f8: {  	[tilespmem:v13+s26+$0x0] =	vst.idx.add.f32.msk $0xffff, v1  }
0x2f9: {  	[tilespmem:v4+s26+$0x0] =	vst.idx.add.f32.msk $0xffff, v1  }
0x2fa: {  	s5 =	simm.s32 $0x0;
	[tilespmem:v7+s26+$0x0] =	vst.idx.add.f32.msk $0xffff, v1  }
0x2fb: {  	[tilespmem:s23], [sflag:$0x3] =	stream.linear.gather [hbm4b:s18+s5], $0x4000, $0x38;
	[tilespmem:$0x14400] =	vst v63  }
0x2fc: {  	_ = 	snop  }
0x2fd: {  	[tilespmem:s24], [sflag:$0x4] =	stream.linear.gather [hbm4b:s19+s5], $0x4000, $0x38;
	[tilespmem:$0x14400] =	vst v63  }
0x2fe: {  	_ =	swait.ge [sflag:s3], $0x4000  }
0x2ff: {  	[sflag:s3] =	ssyncset.done $0x0  }
0x300: {  	[sflag:s3] =	ssyncadd.s32 $0xFFFFC000  }
0x301: {  	s2 =	sand.u32 $0x3000, s5;
	s4 =	sand.u32 $0xC00, s5;
	_ =	swait.ge [sflag:s25], $0x4000  }
0x302: {  	s1 =	sand.u32 $0x380, s5;
	s2 =	sor.u32 s4, s2;
	[sflag:s25] =	ssyncset.done $0x0  }
0x303: {  	s1 =	sor.u32 s1, s2;
	[sflag:s25] =	ssyncadd.s32 $0xFFFFC000  }
0x304: {  	v4 =	vld [tilespmem:s1+$0x4000]  }
0x305: {  	v5 =	vld [tilespmem:s1+$0x4060]  }
0x306: {  	v6 =	vld [tilespmem:s1+$0x4040]  }
0x307: {  	v7 =	vld [tilespmem:s1+$0x4030]  }
0x308: {  	v9 =	vld [tilespmem:s1+$0x4020]  }
0x309: {  	v8 =	vld [tilespmem:s1+$0x4050]  }
0x30a: {  	v14 =	vld [tilespmem:s1+$0x4010];
	_ =	sdelay $0x1  }
0x30b: {  	v3 =	vld [tilespmem:s1+$0x60];
	v12 =	vmul.f32 $1.024000000e+03, v6;
	v13 =	vmul.f32 $1.024000000e+03, v5  }
0x30c: {  	v10 =	vld [tilespmem:s1+$0x40];
	v15 =	vmul.f32 $1.024000000e+03, v7;
	v6 =	vadd.f32 $1.000000000e+00, v6;
	v16 =	vadd.f32 $1.000000000e+00, v9  }
0x30d: {  	v11 =	vld [tilespmem:s1+$0x30];
	v17 =	vmul.f32 $1.024000000e+03, v8;
	v7 =	vadd.f32 $1.000000000e+00, v7;
	v18 =	vmul.f32 $1.024000000e+03, v4  }
0x30e: {  	v20 =	vld [tilespmem:s1+$0x10];
	v8 =	vadd.f32 $1.000000000e+00, v8;
	v19 =	vadd.f32 $1.000000000e+00, v14;
	v14 =	vmul.f32 $1.024000000e+03, v14  }
0x30f: {  	v9 =	vmul.f32 $1.024000000e+03, v9;
	v5 =	vadd.f32 $1.000000000e+00, v5;
	v12 =	vadd.f32 $5.000000000e-01, v12  }
0x310: {  	s6 =	simm.s32 $0x400;
	s7 =	simm.s32 $0x80;
	v21 =	vld [tilespmem:s1+$0x70];
	v13 =	vadd.f32 $5.000000000e-01, v13;
	v15 =	vadd.f32 $5.000000000e-01, v15;
	v7 =	vmul.f32 $5.120000000e+02, v7  }
0x311: {  	s4 =	sand.u32 $0x3000, s7;
	s2 =	sand.u32 $0xC00, s6;
	s5 =	simm.s32 $0x20;
	v14 =	vadd.f32 $5.000000000e-01, v14;
	v5 =	vmul.f32 $5.120000000e+02, v5;
	v10 =	vmul.f32 v12, v10;
	v12 =	vld [tilespmem:s1+$0x0]  }
0x312: {  	s2 =	sor.u32 s2, s4;
	s8 =	sand.u32 $0x380, s5;
	v4 =	vadd.f32 $1.000000000e+00, v4;
	v3 =	vmul.f32 v13, v3;
	v13 =	vld [tilespmem:s1+$0x4070];
	v11 =	vmul.f32 v15, v11  }
0x313: {  	s5 =	sor.u32 s8, s2;
	v18 =	vadd.f32 $5.000000000e-01, v18;
	v19 =	vmul.f32 $5.120000000e+02, v19;
	v15 =	vld [tilespmem:s1+$0x20];
	v14 =	vmul.f32 v14, v20  }
0x314: {  	v22 =	vld [tilespmem:s5+$0x60];
	v8 =	vmul.f32 $5.120000000e+02, v8;
	v11 =	vsub.f32 v7, v11;
	v3 =	vsub.f32 v5, v3  }
0x315: {  	v23 =	vld [tilespmem:s5+$0x4000];
	v6 =	vmul.f32 $5.120000000e+02, v6;
	v4 =	vmul.f32 $5.120000000e+02, v4;
	v14 =	vsub.f32 v19, v14  }
0x316: {  	v24 =	vld [tilespmem:s5+$0x4030];
	v9 =	vadd.f32 $5.000000000e-01, v9;
	v3 =	vtrunc.f32 v3;
	v11 =	vtrunc.f32 v11  }
0x317: {  	v5 =	vsub.f32 v6, v10;
	v10 =	vld [tilespmem:s5+$0x4020];
	v14 =	vtrunc.f32 v14;
	v12 =	vmul.f32 v18, v12  }
0x318: {  	v25 =	vld [tilespmem:s5+$0x30];
	v7 =	vmul.f32 $1.024000000e+03, v13;
	v13 =	vadd.f32 $1.000000000e+00, v13;
	v9 =	vmul.f32 v9, v15  }
0x319: {  	v17 =	vadd.f32 $5.000000000e-01, v17;
	v18 =	vld [tilespmem:s1+$0x50];
	v15 =	vmul.f32 $5.120000000e+02, v16;
	v3 =	vcvt.f32.s32 v3  }
0x31a: {  	s7 =	simm.s32 $0x100;
	s6 =	simm.s32 $0x800;
	v27 =	vld [tilespmem:s5+$0x4070];
	v11 =	vcvt.f32.s32 v11;
	v7 =	vadd.f32 $5.000000000e-01, v7;
	v13 =	vmul.f32 $5.120000000e+02, v13  }
0x31b: {  	s31 =	simm.s32 $0x40;
	s4 =	sand.u32 $0x3000, s7;
	s2 =	sand.u32 $0xC00, s6;
	v29 =	vld [tilespmem:s5+$0x50];
	v4 =	vsub.f32 v4, v12;
	v9 =	vsub.f32 v15, v9;
	v15 =	vtrunc.f32 v5  }
0x31c: {  	s8 =	sand.u32 $0x380, s31;
	s2 =	sor.u32 s2, s4;
	v16 =	vld [tilespmem:s5+$0x4040];
	v26 =	vadd.f32 $1.000000000e+00, v10;
	v31 =	vadd.s32 v2, v3;
	v10 =	vmul.f32 $1.024000000e+03, v10  }
0x31d: {  	s1 =	sor.u32 s8, s2;
	v12 =	vld [tilespmem:s5+$0x4060];
	v11 =	vadd.s32 v2, v11;
	v7 =	vmul.f32 v7, v21;
	v4 =	vtrunc.f32 v4  }
0x31e: {  	v19 =	vld [tilespmem:s1+$0x4030];
	v9 =	vtrunc.f32 v9;
	v10 =	vadd.f32 $5.000000000e-01, v10;
	v6 =	vmul.f32 v17, v18  }
0x31f: {  	v30 =	vld [tilespmem:s5+$0x70];
	v9 =	vcvt.f32.s32 v9;
	v18 =	vmul.f32 $1.024000000e+03, v24;
	v24 =	vadd.f32 $1.000000000e+00, v24  }
0x320: {  	v20 =	vld [tilespmem:s5+$0x10];
	v4 =	vcvt.f32.s32 v4;
	v7 =	vsub.f32 v13, v7;
	v5 =	vsub.f32 v8, v6  }
0x321: {  	v13 =	vld [tilespmem:s5+$0x4050];
	v8 =	vadd.f32 $1.000000000e+00, v16;
	v16 =	vmul.f32 $1.024000000e+03, v16;
	v9 =	vadd.s32 v2, v9  }
0x322: {  	v6 =	vld [tilespmem:s5+$0x40];
	v21 =	vmul.f32 $1.024000000e+03, v12;
	v18 =	vadd.f32 $5.000000000e-01, v18;
	v24 =	vmul.f32 $5.120000000e+02, v24  }
0x323: {  	v4 =	vadd.s32 v2, v4;
	[tilespmem:v11+s26+$0x0] =	vst.idx.add.f32.msk $0xffff, v1;
	v11 =	vmul.f32 $1.024000000e+03, v19;
	v7 =	vtrunc.f32 v7  }
0x324: {  	v17 =	vld [tilespmem:s5+$0x4010];
	v12 =	vadd.f32 $1.000000000e+00, v12;
	v5 =	vtrunc.f32 v5;
	v3 =	vmul.f32 v18, v25  }
0x325: {  	v33 =	vld [tilespmem:s1+$0x60];
	v21 =	vadd.f32 $5.000000000e-01, v21;
	v18 =	vcvt.f32.s32 v7;
	v8 =	vmul.f32 $5.120000000e+02, v8  }
0x326: {  	v36 =	vld [tilespmem:s1+$0x4010];
	v16 =	vadd.f32 $5.000000000e-01, v16;
	v12 =	vmul.f32 $5.120000000e+02, v12;
	v5 =	vcvt.f32.s32 v5  }
0x327: {  	v25 =	vld [tilespmem:s5+$0x20];
	v28 =	vmul.f32 $1.024000000e+03, v13;
	v21 =	vmul.f32 v21, v22;
	v13 =	vadd.f32 $1.000000000e+00, v13  }
0x328: {  	v22 =	vld [tilespmem:s5+$0x0];
	v34 =	vadd.s32 v2, v18;
	v18 =	vmul.f32 $1.024000000e+03, v27;
	v16 =	vmul.f32 v16, v6  }
0x329: {  	v6 =	vadd.f32 $1.000000000e+00, v17;
	v17 =	vmul.f32 $1.024000000e+03, v17;
	[tilespmem:v9+s26+$0x0] =	vst.idx.add.f32.msk $0xffff, v1;
	v9 =	vmul.f32 $1.024000000e+03, v23  }
0x32a: {  	[tilespmem:v31+s26+$0x0] =	vst.idx.add.f32.msk $0xffff, v1;
	v23 =	vadd.f32 $1.000000000e+00, v23;
	v28 =	vadd.f32 $5.000000000e-01, v28;
	v32 =	vmul.f32 $5.120000000e+02, v13  }
0x32b: {  	v7 =	vld [tilespmem:s1+$0x4000];
	v13 =	vadd.s32 v2, v5;
	v5 =	vsub.f32 v24, v3;
	v18 =	vadd.f32 $5.000000000e-01, v18  }
0x32c: {  	[tilespmem:v4+s26+$0x0] =	vst.idx.add.f32.msk $0xffff, v1;
	v12 =	vsub.f32 v12, v21;
	v21 =	vcvt.f32.s32 v15;
	v9 =	vadd.f32 $5.000000000e-01, v9  }
0x32d: {  	v24 =	vld [tilespmem:s1+$0x40];
	v35 =	vadd.f32 $5.000000000e-01, v17;
	v10 =	vmul.f32 v10, v25;
	v17 =	vmul.f32 $5.120000000e+02, v26  }
0x32e: {  	v4 =	vmul.f32 $5.120000000e+02, v6;
	v25 =	vld [tilespmem:s1+$0x4040];
	v22 =	vmul.f32 v9, v22;
	v9 =	vadd.f32 $1.000000000e+00, v27  }
0x32f: {  	v3 =	vld [tilespmem:s1+$0x10];
	v23 =	vmul.f32 $5.120000000e+02, v23;
	v18 =	vmul.f32 v18, v30;
	v10 =	vsub.f32 v17, v10  }
0x330: {  	v6 =	vld [tilespmem:s1+$0x4060];
	v8 =	vsub.f32 v8, v16;
	v16 =	vmul.f32 v28, v29;
	v27 =	vmul.f32 $5.120000000e+02, v9  }
0x331: {  	v29 =	vadd.s32 v2, v21;
	v17 =	vld [tilespmem:s1+$0x4050];
	v15 =	vsub.f32 v23, v22;
	v10 =	vtrunc.f32 v10  }
0x332: {  	v8 =	vtrunc.f32 v8;
	[tilespmem:v34+s26+$0x0] =	vst.idx.add.f32.msk $0xffff, v1;
	v23 =	vsub.f32 v27, v18;
	v18 =	vcvt.f32.s32 v10  }
0x333: {  	[tilespmem:v13+s26+$0x0] =	vst.idx.add.f32.msk $0xffff, v1;
	v22 =	vtrunc.f32 v15;
	v15 =	vadd.f32 $1.000000000e+00, v25;
	v25 =	vmul.f32 $1.024000000e+03, v25  }
0x334: {  	v13 =	vld [tilespmem:s1+$0x4020];
	v10 =	vmul.f32 v35, v20;
	v20 =	vcvt.f32.s32 v22;
	v22 =	vadd.s32 v2, v18  }
0x335: {  	v16 =	vsub.f32 v32, v16;
	v9 =	vld [tilespmem:s1+$0x30];
	v30 =	vmul.f32 $1.024000000e+03, v6;
	v27 =	vcvt.f32.s32 v14  }
0x336: {  	[tilespmem:v29+s26+$0x0] =	vst.idx.add.f32.msk $0xffff, v1;
	v29 =	vadd.f32 $1.000000000e+00, v19;
	v31 =	vmul.f32 $1.024000000e+03, v17;
	v28 =	vadd.f32 $5.000000000e-01, v25  }
0x337: {  	v18 =	vld [tilespmem:s1+$0x4070];
	v25 =	vadd.f32 $5.000000000e-01, v11;
	v26 =	vtrunc.f32 v23;
	v21 =	vadd.s32 v2, v20  }
0x338: {  	v11 =	vld [tilespmem:s1+$0x50];
	v23 =	vadd.f32 $5.000000000e-01, v30;
	v30 =	vtrunc.f32 v12;
	v20 =	vtrunc.f32 v16  }
0x339: {  	v14 =	vadd.f32 $1.000000000e+00, v13;
	v30 =	vcvt.f32.s32 v30;
	[tilespmem:v22+s26+$0x0] =	vst.idx.add.f32.msk $0xffff, v1;
	v22 =	vadd.s32 v2, v27  }
0x33a: {  	v16 =	vld [tilespmem:s1+$0x70];
	v19 =	vadd.f32 $5.000000000e-01, v31;
	v12 =	vmul.f32 v28, v24;
	v24 =	vcvt.f32.s32 v20  }
0x33b: {  	s4 =	simm.s32 $0xC00;
	s2 =	simm.s32 $0x10;
	s5 =	simm.s32 $0x180;
	v20 =	vmul.f32 v23, v33;
	v28 =	vld [tilespmem:s1+$0x0];
	v23 =	vmul.f32 $1.024000000e+03, v36;
	v27 =	vadd.f32 $1.000000000e+00, v36  }
.LBB2_16:
0x33c: {  	s6 =	sand.u32 $0x3000, s5;
	s7 =	sand.u32 $0xC00, s4;
	v31 =	vmul.f32 $1.024000000e+03, v7;
	v17 =	vadd.f32 $1.000000000e+00, v17;
	s31 =	sadd.s32 $0x20, s31;
	[tilespmem:v21+s26+$0x0] =	vst.idx.add.f32.msk $0xffff, v1;
	v21 =	vadd.s32 v2, v30  }
0x33d: {  	s2 =	sadd.s32 $0x8, s2;
	v30 =	vadd.f32 $1.000000000e+00, v7;
	v9 =	vmul.f32 v25, v9;
	v25 =	vcvt.f32.s32 v26;
	s6 =	sor.u32 s7, s6;
	s7 =	sand.u32 $0x380, s31;
	v32 =	vld [tilespmem:s1+$0x20]  }
0x33e: {  	p0 =	slt.u32 s2, $0x3F8;
	v29 =	vmul.f32 $5.120000000e+02, v29;
	s1 =	sor.u32 s7, s6;
	v26 =	vadd.f32 $5.000000000e-01, v31;
	v31 =	vmul.f32 $5.120000000e+02, v17;
	[tilespmem:v22+s26+$0x0] =	vst.idx.add.f32.msk $0xffff, v1  }
0x33f: {  	v13 =	vmul.f32 $1.024000000e+03, v13;
	v17 =	vmul.f32 $5.120000000e+02, v27;
	v22 =	vadd.s32 v2, v24;
	v33 =	vld [tilespmem:s1+$0x60]  }
0x340: {  	v15 =	vmul.f32 $5.120000000e+02, v15;
	v25 =	vadd.s32 v2, v25;
	v7 =	vld [tilespmem:s1+$0x4000];
	v24 =	vmul.f32 v26, v28  }
0x341: {  	v27 =	vadd.f32 $1.000000000e+00, v18;
	v18 =	vmul.f32 $1.024000000e+03, v18;
	v9 =	vsub.f32 v29, v9;
	v26 =	vld [tilespmem:s1+$0x4060]  }
0x342: {  	v6 =	vadd.f32 $1.000000000e+00, v6;
	v13 =	vadd.f32 $5.000000000e-01, v13;
	v29 =	vtrunc.f32 v5;
	v28 =	vld [tilespmem:s1+$0x40]  }
0x343: {  	v30 =	vmul.f32 $5.120000000e+02, v30;
	v27 =	vmul.f32 $5.120000000e+02, v27;
	v18 =	vadd.f32 $5.000000000e-01, v18;
	v5 =	vmovc v9;
	v34 =	vld [tilespmem:s1+$0x10]  }
0x344: {  	v23 =	vadd.f32 $5.000000000e-01, v23;
	v37 =	vmul.f32 $5.120000000e+02, v6;
	v13 =	vmul.f32 v13, v32;
	v9 =	vld [tilespmem:s1+$0x30]  }
0x345: {  	v14 =	vmul.f32 $5.120000000e+02, v14;
	v10 =	vsub.f32 v4, v10;
	v29 =	vcvt.f32.s32 v29;
	v4 =	vmovc v17;
	v32 =	vld [tilespmem:s1+$0x4040]  }
0x346: {  	v36 =	vcvt.f32.s32 v8;
	v20 =	vsub.f32 v37, v20;
	v16 =	vmul.f32 v18, v16;
	v35 =	vld [tilespmem:s1+$0x4030];
	v6 =	vmovc v26  }
0x347: {  	v8 =	vsub.f32 v30, v24;
	v13 =	vsub.f32 v14, v13;
	v14 =	vadd.s32 v2, v29;
	v37 =	vld [tilespmem:s1+$0x4010]  }
0x348: {  	v11 =	vmul.f32 v19, v11;
	v12 =	vsub.f32 v15, v12;
	v18 =	vtrunc.f32 v10;
	v17 =	vld [tilespmem:s1+$0x4050]  }
0x349: {  	v19 =	vtrunc.f32 v8;
	v16 =	vsub.f32 v27, v16;
	v8 =	vtrunc.f32 v13;
	[tilespmem:v22+s26+$0x0] =	vst.idx.add.f32.msk $0xffff, v1  }
0x34a: {  	v11 =	vsub.f32 v31, v11;
	v22 =	vcvt.f32.s32 v8;
	v8 =	vtrunc.f32 v12;
	v13 =	vld [tilespmem:s1+$0x4020]  }
0x34b: {  	v10 =	vmul.f32 v23, v3;
	v3 =	vmovc v34;
	v15 =	vadd.f32 $1.000000000e+00, v32;
	v12 =	vmul.f32 $1.024000000e+03, v32;
	[tilespmem:v21+s26+$0x0] =	vst.idx.add.f32.msk $0xffff, v1  }
0x34c: {  	v23 =	vcvt.f32.s32 v18;
	v19 =	vcvt.f32.s32 v19;
	v22 =	vadd.s32 v2, v22;
	[tilespmem:v14+s26+$0x0] =	vst.idx.add.f32.msk $0xffff, v1  }
0x34d: {  	v29 =	vadd.s32 v2, v36;
	v24 =	vmul.f32 $1.024000000e+03, v35;
	v12 =	vadd.f32 $5.000000000e-01, v12;
	v18 =	vld [tilespmem:s1+$0x4070]  }
0x34e: {  	v27 =	vmul.f32 $1.024000000e+03, v6;
	v21 =	vadd.s32 v2, v19;
	v19 =	vtrunc.f32 v11;
	[tilespmem:v25+s26+$0x0] =	vst.idx.add.f32.msk $0xffff, v1  }
.Ltmp7:
0x34f: {  	v26 =	vtrunc.f32 v16;
	v25 =	vadd.f32 $5.000000000e-01, v24;
	v14 =	vadd.f32 $1.000000000e+00, v13;
	v11 =	vld [tilespmem:s1+$0x50];
	(pc) =	sbr.rel @p0 .LBB2_16-.Ltmp7, $4  }
0x350: {  	v30 =	vadd.f32 $5.000000000e-01, v27;
	v32 =	vtrunc.f32 v20;
	v31 =	vmul.f32 $1.024000000e+03, v17;
	v16 =	vld [tilespmem:s1+$0x70]  }
0x351: {  	v12 =	vmul.f32 v12, v28;
	v24 =	vcvt.f32.s32 v19;
	[tilespmem:v22+s26+$0x0] =	vst.idx.add.f32.msk $0xffff, v1;
	v22 =	vadd.s32 v2, v23  }
0x352: {  	v20 =	vmul.f32 v30, v33;
	v30 =	vcvt.f32.s32 v32;
	v27 =	vadd.f32 $1.000000000e+00, v37;
	[tilespmem:v29+s26+$0x0] =	vst.idx.add.f32.msk $0xffff, v1  }
0x353: {  	s4 =	sadd.s32 $0x400, s4;
	s5 =	sadd.s32 $0x80, s5;
	v19 =	vadd.f32 $5.000000000e-01, v31;
	v23 =	vmul.f32 $1.024000000e+03, v37;
	v29 =	vadd.f32 $1.000000000e+00, v35;
	v28 =	vld [tilespmem:s1+$0x0]  }
0x354: {  	v31 =	vmul.f32 $1.024000000e+03, v7;
	v17 =	vadd.f32 $1.000000000e+00, v17;
	v30 =	vadd.s32 v2, v30  }
0x355: {  	v7 =	vadd.f32 $1.000000000e+00, v7;
	v9 =	vmul.f32 v25, v9;
	v52 =	vcvt.f32.s32 v26  }
0x356: {  	v27 =	vmul.f32 $5.120000000e+02, v27;
	v13 =	vmul.f32 $1.024000000e+03, v13;
	v24 =	vadd.s32 v2, v24  }
0x357: {  	v15 =	vmul.f32 $5.120000000e+02, v15;
	v54 =	vadd.f32 $1.000000000e+00, v18;
	v18 =	vmul.f32 $1.024000000e+03, v18  }
0x358: {  	v6 =	vadd.f32 $1.000000000e+00, v6;
	v5 =	vtrunc.f32 v5;
	v14 =	vmul.f32 $5.120000000e+02, v14  }
0x359: {  	v4 =	vsub.f32 v4, v10;
	v8 =	vcvt.f32.s32 v8;
	v29 =	vmul.f32 $5.120000000e+02, v29  }
0x35a: {  	v23 =	vadd.f32 $5.000000000e-01, v23;
	v5 =	vcvt.f32.s32 v5;
	v11 =	vmul.f32 v19, v11  }
0x35b: {  	v31 =	vadd.f32 $5.000000000e-01, v31;
	v17 =	vmul.f32 $5.120000000e+02, v17;
	v25 =	vadd.s32 v2, v52  }
0x35c: {  	v53 =	vld [tilespmem:s1+$0x20];
	v13 =	vadd.f32 $5.000000000e-01, v13;
	v7 =	vmul.f32 $5.120000000e+02, v7;
	v55 =	vmul.f32 $5.120000000e+02, v54  }
0x35d: {  	v18 =	vadd.f32 $5.000000000e-01, v18;
	v6 =	vmul.f32 $5.120000000e+02, v6;
	v4 =	vtrunc.f32 v4  }
0x35e: {  	v12 =	vsub.f32 v15, v12;
	v8 =	vadd.s32 v2, v8;
	v9 =	vsub.f32 v29, v9  }
0x35f: {  	v5 =	vadd.s32 v2, v5;
	v3 =	vmul.f32 v23, v3;
	v4 =	vcvt.f32.s32 v4  }
0x360: {  	v28 =	vmul.f32 v31, v28;
	v6 =	vsub.f32 v6, v20;
	v11 =	vsub.f32 v17, v11  }
0x361: {  	v10 =	vmul.f32 v18, v16;
	v13 =	vmul.f32 v13, v53;
	v3 =	vsub.f32 v27, v3  }
0x362: {  	[tilespmem:v21+s26+$0x0] =	vst.idx.add.f32.msk $0xffff, v1;
	v7 =	vsub.f32 v7, v28;
	v11 =	vtrunc.f32 v11;
	v6 =	vtrunc.f32 v6  }
0x363: {  	[tilespmem:v22+s26+$0x0] =	vst.idx.add.f32.msk $0xffff, v1;
	v4 =	vadd.s32 v2, v4;
	v11 =	vcvt.f32.s32 v11;
	v3 =	vtrunc.f32 v3  }
0x364: {  	v13 =	vsub.f32 v14, v13;
	v7 =	vtrunc.f32 v7;
	[tilespmem:v5+s26+$0x0] =	vst.idx.add.f32.msk $0xffff, v1;
	v5 =	vcvt.f32.s32 v6  }
0x365: {  	[tilespmem:v24+s26+$0x0] =	vst.idx.add.f32.msk $0xffff, v1;
	v6 =	vtrunc.f32 v9;
	v7 =	vcvt.f32.s32 v7;
	v9 =	vadd.s32 v2, v11  }
0x366: {  	[tilespmem:v30+s26+$0x0] =	vst.idx.add.f32.msk $0xffff, v1;
	v10 =	vsub.f32 v55, v10;
	v3 =	vcvt.f32.s32 v3;
	v5 =	vadd.s32 v2, v5  }
0x367: {  	[tilespmem:v25+s26+$0x0] =	vst.idx.add.f32.msk $0xffff, v1;
	v13 =	vtrunc.f32 v13;
	v6 =	vcvt.f32.s32 v6;
	v7 =	vadd.s32 v2, v7  }
0x368: {  	[tilespmem:v8+s26+$0x0] =	vst.idx.add.f32.msk $0xffff, v1;
	v11 =	vtrunc.f32 v12;
	v13 =	vcvt.f32.s32 v13;
	v3 =	vadd.s32 v2, v3  }
0x369: {  	v10 =	vtrunc.f32 v10;
	v8 =	vcvt.f32.s32 v11;
	[tilespmem:v4+s26+$0x0] =	vst.idx.add.f32.msk $0xffff, v1;
	v6 =	vadd.s32 v2, v6  }
0x36a: {  	v10 =	vcvt.f32.s32 v10;
	v13 =	vadd.s32 v2, v13;
	[tilespmem:v9+s26+$0x0] =	vst.idx.add.f32.msk $0xffff, v1  }
0x36b: {  	v4 =	vadd.s32 v2, v8;
	[tilespmem:v5+s26+$0x0] =	vst.idx.add.f32.msk $0xffff, v1  }
0x36c: {  	[tilespmem:v7+s26+$0x0] =	vst.idx.add.f32.msk $0xffff, v1;
	v7 =	vadd.s32 v2, v10  }
0x36d: {  	[tilespmem:v3+s26+$0x0] =	vst.idx.add.f32.msk $0xffff, v1  }
0x36e: {  	[tilespmem:v6+s26+$0x0] =	vst.idx.add.f32.msk $0xffff, v1  }
0x36f: {  	[tilespmem:v13+s26+$0x0] =	vst.idx.add.f32.msk $0xffff, v1  }
0x370: {  	[tilespmem:v4+s26+$0x0] =	vst.idx.add.f32.msk $0xffff, v1  }
0x371: {  	[tilespmem:v7+s26+$0x0] =	vst.idx.add.f32.msk $0xffff, v1  }
0x372: {  	_ =	swait.ge [sflag:s28], $0x4000  }
0x373: {  	[sflag:s28] =	ssyncset.done $0x0  }
0x374: {  	s31 =	simm.s32 $0x0;
	[sflag:s28] =	ssyncadd.s32 $0xFFFFC000  }
0x375: {  	s4 =	sand.u32 $0x3000, s31;
	s2 =	sand.u32 $0xC00, s31;
	_ =	swait.ge [sflag:s29], $0x4000  }
0x376: {  	s5 =	sand.u32 $0x380, s31;
	s1 =	sor.u32 s2, s4;
	[sflag:s29] =	ssyncset.done $0x0  }
0x377: {  	s4 =	sor.u32 s5, s1;
	[sflag:s29] =	ssyncadd.s32 $0xFFFFC000  }
0x378: {  	v3 =	vld [tilespmem:s4+$0xC050]  }
0x379: {  	v4 =	vld [tilespmem:s4+$0xC070]  }
0x37a: {  	s6 =	simm.s32 $0x400;
	s7 =	simm.s32 $0x80;
	v5 =	vld [tilespmem:s4+$0xC040]  }
0x37b: {  	s2 =	simm.s32 $0x20;
	s5 =	sand.u32 $0x3000, s7;
	s1 =	sand.u32 $0xC00, s6;
	v6 =	vld [tilespmem:s4+$0xC030]  }
0x37c: {  	s8 =	sand.u32 $0x380, s2;
	s1 =	sor.u32 s1, s5;
	v7 =	vld [tilespmem:s4+$0xC020]  }
0x37d: {  	s1 =	sor.u32 s8, s1;
	v9 =	vld [tilespmem:s4+$0xC060]  }
0x37e: {  	v57 =	vld [tilespmem:s1+$0xC060]  }
0x37f: {  	v10 =	vmul.f32 $1.024000000e+03, v4  }
0x380: {  	v8 =	vld [tilespmem:s4+$0x8040];
	v11 =	vadd.f32 $1.000000000e+00, v5;
	v5 =	vmul.f32 $1.024000000e+03, v5;
	v13 =	vadd.f32 $1.000000000e+00, v6  }
0x381: {  	v12 =	vld [tilespmem:s4+$0x8030];
	v6 =	vmul.f32 $1.024000000e+03, v6;
	v4 =	vadd.f32 $1.000000000e+00, v4;
	v15 =	vadd.f32 $1.000000000e+00, v3  }
0x382: {  	v14 =	vld [tilespmem:s4+$0x8020];
	v16 =	vmul.f32 $1.024000000e+03, v7;
	v7 =	vadd.f32 $1.000000000e+00, v7;
	v3 =	vmul.f32 $1.024000000e+03, v3  }
0x383: {  	v17 =	vld [tilespmem:s4+$0x8050];
	v19 =	vmul.f32 $1.024000000e+03, v9;
	v9 =	vadd.f32 $1.000000000e+00, v9;
	v62 =	vmul.f32 $1.024000000e+03, v57  }
0x384: {  	v5 =	vadd.f32 $5.000000000e-01, v5;
	v6 =	vadd.f32 $5.000000000e-01, v6;
	v13 =	vmul.f32 $5.120000000e+02, v13  }
0x385: {  	v18 =	vld [tilespmem:s4+$0x8060];
	v16 =	vadd.f32 $5.000000000e-01, v16;
	v7 =	vmul.f32 $5.120000000e+02, v7;
	v11 =	vmul.f32 $5.120000000e+02, v11  }
0x386: {  	v3 =	vadd.f32 $5.000000000e-01, v3;
	v5 =	vmul.f32 v5, v8;
	v6 =	vmul.f32 v6, v12;
	v8 =	vld [tilespmem:s4+$0x8070]  }
0x387: {  	v10 =	vadd.f32 $5.000000000e-01, v10;
	v12 =	vadd.f32 $5.000000000e-01, v19;
	v14 =	vmul.f32 v16, v14  }
0x388: {  	v3 =	vmul.f32 v3, v17;
	v6 =	vsub.f32 v13, v6;
	v13 =	vmul.f32 $5.120000000e+02, v15  }
0x389: {  	v4 =	vmul.f32 $5.120000000e+02, v4;
	v9 =	vmul.f32 $5.120000000e+02, v9;
	v15 =	vld [tilespmem:s4+$0xC010];
	v7 =	vsub.f32 v7, v14  }
0x38a: {  	v12 =	vmul.f32 v12, v18;
	v18 =	vld [tilespmem:s1+$0xC030];
	v6 =	vtrunc.f32 v6;
	v3 =	vsub.f32 v13, v3  }
0x38b: {  	v7 =	vtrunc.f32 v7;
	v8 =	vmul.f32 v10, v8  }
0x38c: {  	v20 =	vld [tilespmem:s1+$0xC050];
	v5 =	vsub.f32 v11, v5;
	v7 =	vcvt.f32.s32 v7;
	v3 =	vtrunc.f32 v3  }
0x38d: {  	v10 =	vld [tilespmem:s4+$0xC000];
	v6 =	vcvt.f32.s32 v6;
	v3 =	vcvt.f32.s32 v3;
	v4 =	vsub.f32 v4, v8  }
0x38e: {  	v11 =	vld [tilespmem:s4+$0x8010];
	v13 =	vadd.f32 $1.000000000e+00, v15;
	v14 =	vmul.f32 $1.024000000e+03, v15;
	v7 =	vadd.s32 v2, v7  }
0x38f: {  	v15 =	vld [tilespmem:s1+$0xC070];
	v56 =	vadd.s32 v2, v6;
	v6 =	vsub.f32 v9, v12;
	v58 =	vadd.f32 $1.000000000e+00, v18  }
0x390: {  	v17 =	vld [tilespmem:s1+$0xC040];
	v18 =	vmul.f32 $1.024000000e+03, v18;
	v16 =	vadd.s32 v2, v3;
	v3 =	vtrunc.f32 v4  }
0x391: {  	v59 =	vld [tilespmem:s1+$0x8020];
	v4 =	vadd.f32 $5.000000000e-01, v14;
	v12 =	vmul.f32 $5.120000000e+02, v13;
	v23 =	vmul.f32 $5.120000000e+02, v58  }
0x392: {  	v9 =	vld [tilespmem:s1+$0xC020];
	v14 =	vcvt.f32.s32 v3;
	v19 =	vadd.f32 $1.000000000e+00, v10;
	v10 =	vmul.f32 $1.024000000e+03, v10  }
0x393: {  	v61 =	vld [tilespmem:s1+$0x8060];
	v27 =	vadd.f32 $5.000000000e-01, v62;
	v3 =	vtrunc.f32 v5;
	v5 =	vmul.f32 v4, v11  }
0x394: {  	v8 =	vld [tilespmem:s4+$0x8000];
	v11 =	vmul.f32 $5.120000000e+02, v19;
	v10 =	vadd.f32 $5.000000000e-01, v10;
	v4 =	vmul.f32 $1.024000000e+03, v15  }
0x395: {  	v13 =	vld [tilespmem:s1+$0x8040];
	v19 =	vtrunc.f32 v6;
	v14 =	vadd.s32 v2, v14;
	v6 =	vadd.f32 $1.000000000e+00, v17  }
0x396: {  	v17 =	vmul.f32 $1.024000000e+03, v17;
	v12 =	vsub.f32 v12, v5;
	v5 =	vadd.f32 $1.000000000e+00, v15;
	v15 =	vld [tilespmem:s1+$0x8030]  }
0x397: {  	v60 =	vadd.f32 $1.000000000e+00, v9;
	v9 =	vmul.f32 $1.024000000e+03, v9;
	[tilespmem:v7+s26+$0x0] =	vst.idx.add.f32.msk $0xffff, v1;
	v7 =	vadd.f32 $1.000000000e+00, v57  }
0x398: {  	[tilespmem:v16+s26+$0x0] =	vst.idx.add.f32.msk $0xffff, v1;
	v16 =	vadd.f32 $5.000000000e-01, v17;
	v17 =	vadd.f32 $1.000000000e+00, v20;
	v12 =	vtrunc.f32 v12  }
0x399: {  	v8 =	vmul.f32 v10, v8;
	v10 =	vadd.f32 $5.000000000e-01, v18;
	v18 =	vld [tilespmem:s1+$0x8050];
	v12 =	vcvt.f32.s32 v12  }
0x39a: {  	[tilespmem:v56+s26+$0x0] =	vst.idx.add.f32.msk $0xffff, v1;
	v9 =	vadd.f32 $5.000000000e-01, v9;
	v20 =	vmul.f32 $1.024000000e+03, v20;
	v16 =	vmul.f32 v16, v13  }
0x39b: {  	v13 =	vsub.f32 v11, v8;
	v8 =	vmul.f32 v10, v15;
	v11 =	vadd.s32 v2, v12  }
0x39c: {  	v63 =	vmul.f32 $5.120000000e+02, v6;
	v24 =	vmul.f32 v9, v59;
	v20 =	vadd.f32 $5.000000000e-01, v20;
	[tilespmem:v14+s26+$0x0] =	vst.idx.add.f32.msk $0xffff, v1  }
0x39d: {  	v14 =	vmul.f32 $5.120000000e+02, v60;
	v10 =	vcvt.f32.s32 v19;
	v15 =	vld [tilespmem:s1+$0x8070];
	v19 =	vsub.f32 v23, v8  }
0x39e: {  	v6 =	vld [tilespmem:s1+$0xC000];
	v9 =	vsub.f32 v63, v16;
	v16 =	vmul.f32 $5.120000000e+02, v17;
	v18 =	vmul.f32 v20, v18  }
0x39f: {  	s6 =	simm.s32 $0x100;
	s5 =	simm.s32 $0x800;
	s4 =	simm.s32 $0x8;
	v12 =	vld [tilespmem:s1+$0xC010];
	v17 =	vsub.f32 v14, v24;
	v8 =	vmul.f32 v27, v61;
	v14 =	vtrunc.f32 v19  }
.LBB2_18:
0x3a0: {  	s7 =	sand.u32 $0x3000, s6;
	s8 =	sand.u32 $0xC00, s5;
	v4 =	vadd.f32 $5.000000000e-01, v4;
	s2 =	sadd.s32 $0x20, s2;
	v13 =	vtrunc.f32 v13;
	[tilespmem:v11+s26+$0x0] =	vst.idx.add.f32.msk $0xffff, v1;
	v3 =	vcvt.f32.s32 v3  }
0x3a1: {  	s4 =	sadd.s32 $0x8, s4;
	s7 =	sor.u32 s8, s7;
	s8 =	sand.u32 $0x380, s2;
	v11 =	vld [tilespmem:s1+$0x8010];
	v17 =	vtrunc.f32 v17;
	v16 =	vsub.f32 v16, v18;
	v13 =	vcvt.f32.s32 v13  }
0x3a2: {  	v5 =	vmul.f32 $5.120000000e+02, v5;
	p0 =	slt.u32 s4, $0x3F8;
	v18 =	vld [tilespmem:s1+$0x8000];
	s1 =	sor.u32 s8, s7;
	v4 =	vmul.f32 v4, v15;
	v15 =	vadd.s32 v2, v3  }
0x3a3: {  	v3 =	vcvt.f32.s32 v17;
	v19 =	vld [tilespmem:s1+$0x8040];
	v16 =	vtrunc.f32 v16;
	v13 =	vadd.s32 v2, v13  }
0x3a4: {  	v14 =	vcvt.f32.s32 v14;
	v17 =	vld [tilespmem:s1+$0xC050];
	v16 =	vcvt.f32.s32 v16;
	v4 =	vsub.f32 v5, v4  }
0x3a5: {  	v20 =	vadd.f32 $1.000000000e+00, v12;
	v12 =	vmul.f32 $1.024000000e+03, v12;
	v21 =	vadd.s32 v2, v3;
	v5 =	vld [tilespmem:s1+$0xC070]  }
0x3a6: {  	v10 =	vadd.s32 v2, v10;
	v22 =	vld [tilespmem:s1+$0xC040];
	v16 =	vadd.s32 v2, v16;
	v3 =	vtrunc.f32 v4  }
0x3a7: {  	v7 =	vmul.f32 $5.120000000e+02, v7;
	v4 =	vadd.f32 $5.000000000e-01, v12;
	v23 =	vld [tilespmem:s1+$0xC030];
	v12 =	vcvt.f32.s32 v3  }
0x3a8: {  	v24 =	vadd.f32 $1.000000000e+00, v6;
	v6 =	vmul.f32 $1.024000000e+03, v6;
	v3 =	vtrunc.f32 v9;
	[tilespmem:v15+s26+$0x0] =	vst.idx.add.f32.msk $0xffff, v1  }
0x3a9: {  	v14 =	vadd.s32 v2, v14;
	v7 =	vsub.f32 v7, v8;
	v11 =	vmul.f32 v4, v11;
	v9 =	vld [tilespmem:s1+$0xC020]  }
0x3aa: {  	v8 =	vmul.f32 $5.120000000e+02, v24;
	v6 =	vadd.f32 $5.000000000e-01, v6;
	v15 =	vmul.f32 $5.120000000e+02, v20;
	[tilespmem:v13+s26+$0x0] =	vst.idx.add.f32.msk $0xffff, v1  }
0x3ab: {  	v20 =	vtrunc.f32 v7;
	v12 =	vadd.s32 v2, v12;
	v4 =	vmul.f32 $1.024000000e+03, v5;
	[tilespmem:v10+s26+$0x0] =	vst.idx.add.f32.msk $0xffff, v1  }
0x3ac: {  	v11 =	vsub.f32 v15, v11;
	v7 =	vadd.f32 $1.000000000e+00, v22;
	v10 =	vmul.f32 $1.024000000e+03, v22;
	v22 =	vld [tilespmem:s1+$0xC060]  }
0x3ad: {  	v5 =	vadd.f32 $1.000000000e+00, v5;
	v13 =	vadd.f32 $1.000000000e+00, v23;
	v15 =	vmul.f32 $1.024000000e+03, v23;
	[tilespmem:v16+s26+$0x0] =	vst.idx.add.f32.msk $0xffff, v1  }
0x3ae: {  	v23 =	vadd.f32 $1.000000000e+00, v17;
	v11 =	vtrunc.f32 v11;
	v10 =	vadd.f32 $5.000000000e-01, v10;
	v16 =	vld [tilespmem:s1+$0x8030]  }
0x3af: {  	v6 =	vmul.f32 v6, v18;
	v25 =	vadd.f32 $1.000000000e+00, v9;
	v9 =	vmul.f32 $1.024000000e+03, v9;
	v24 =	vld [tilespmem:s1+$0x8020]  }
0x3b0: {  	v18 =	vmul.f32 $5.120000000e+02, v13;
	v15 =	vadd.f32 $5.000000000e-01, v15;
	v19 =	vmul.f32 v10, v19;
	v26 =	vld [tilespmem:s1+$0x8050]  }
0x3b1: {  	v11 =	vcvt.f32.s32 v11;
	v9 =	vadd.f32 $5.000000000e-01, v9;
	v27 =	vld [tilespmem:s1+$0x8060];
	v10 =	vmul.f32 $1.024000000e+03, v22  }
0x3b2: {  	v17 =	vmul.f32 $1.024000000e+03, v17;
	v28 =	vmul.f32 $5.120000000e+02, v7;
	v13 =	vsub.f32 v8, v6;
	[tilespmem:v21+s26+$0x0] =	vst.idx.add.f32.msk $0xffff, v1  }
.Ltmp8:
0x3b3: {  	v11 =	vadd.s32 v2, v11;
	v6 =	vld [tilespmem:s1+$0xC000];
	v8 =	vmul.f32 v15, v16;
	v21 =	vadd.f32 $5.000000000e-01, v10;
	(pc) =	sbr.rel @p0 .LBB2_18-.Ltmp8, $4  }
0x3b4: {  	v7 =	vadd.f32 $1.000000000e+00, v22;
	v10 =	vcvt.f32.s32 v20;
	v24 =	vmul.f32 v9, v24;
	[tilespmem:v12+s26+$0x0] =	vst.idx.add.f32.msk $0xffff, v1  }
0x3b5: {  	v22 =	vadd.f32 $5.000000000e-01, v17;
	v20 =	vmul.f32 $5.120000000e+02, v25;
	v18 =	vsub.f32 v18, v8;
	v15 =	vld [tilespmem:s1+$0x8070]  }
0x3b6: {  	v16 =	vmul.f32 $5.120000000e+02, v23;
	v9 =	vsub.f32 v28, v19;
	v8 =	vmul.f32 v21, v27;
	[tilespmem:v14+s26+$0x0] =	vst.idx.add.f32.msk $0xffff, v1  }
0x3b7: {  	s5 =	sadd.s32 $0x400, s5;
	s6 =	sadd.s32 $0x80, s6;
	v17 =	vsub.f32 v20, v24;
	v12 =	vld [tilespmem:s1+$0xC010];
	v14 =	vtrunc.f32 v18;
	v18 =	vmul.f32 v22, v26  }
0x3b8: {  	v13 =	vtrunc.f32 v13;
	v5 =	vmul.f32 $5.120000000e+02, v5  }
0x3b9: {  	v4 =	vadd.f32 $5.000000000e-01, v4;
	v3 =	vcvt.f32.s32 v3;
	v61 =	vmul.f32 $1.024000000e+03, v6  }
0x3ba: {  	v14 =	vcvt.f32.s32 v14;
	v6 =	vadd.f32 $1.000000000e+00, v6;
	v7 =	vmul.f32 $5.120000000e+02, v7  }
0x3bb: {  	v59 =	vld [tilespmem:s1+$0x8000];
	v10 =	vadd.s32 v2, v10;
	v9 =	vtrunc.f32 v9;
	v17 =	vtrunc.f32 v17  }
0x3bc: {  	v16 =	vsub.f32 v16, v18;
	v13 =	vcvt.f32.s32 v13;
	v4 =	vmul.f32 v4, v15  }
0x3bd: {  	v19 =	vld [tilespmem:s1+$0x8010];
	v3 =	vadd.s32 v2, v3;
	v17 =	vcvt.f32.s32 v17;
	v6 =	vmul.f32 $5.120000000e+02, v6  }
0x3be: {  	v18 =	vadd.f32 $5.000000000e-01, v61;
	v16 =	vtrunc.f32 v16;
	v58 =	vmul.f32 $1.024000000e+03, v12  }
0x3bf: {  	v13 =	vadd.s32 v2, v13;
	v4 =	vsub.f32 v5, v4;
	v60 =	vadd.f32 $1.000000000e+00, v12  }
0x3c0: {  	v16 =	vcvt.f32.s32 v16;
	v62 =	vmul.f32 v18, v59;
	v5 =	vadd.f32 $5.000000000e-01, v58  }
0x3c1: {  	v17 =	vadd.s32 v2, v17;
	v12 =	vmul.f32 $5.120000000e+02, v60;
	v4 =	vtrunc.f32 v4  }
0x3c2: {  	v63 =	vadd.s32 v2, v16;
	v6 =	vsub.f32 v6, v62;
	v5 =	vmul.f32 v5, v19  }
0x3c3: {  	v4 =	vcvt.f32.s32 v4;
	[tilespmem:v3+s26+$0x0] =	vst.idx.add.f32.msk $0xffff, v1;
	v3 =	vsub.f32 v7, v8;
	v7 =	vadd.s32 v2, v14  }
0x3c4: {  	[tilespmem:v11+s26+$0x0] =	vst.idx.add.f32.msk $0xffff, v1;
	v8 =	vcvt.f32.s32 v9;
	v6 =	vtrunc.f32 v6;
	v5 =	vsub.f32 v12, v5  }
0x3c5: {  	[tilespmem:v10+s26+$0x0] =	vst.idx.add.f32.msk $0xffff, v1;
	v4 =	vadd.s32 v2, v4;
	v3 =	vtrunc.f32 v3;
	v6 =	vcvt.f32.s32 v6  }
0x3c6: {  	[tilespmem:v13+s26+$0x0] =	vst.idx.add.f32.msk $0xffff, v1;
	v8 =	vadd.s32 v2, v8;
	v3 =	vcvt.f32.s32 v3;
	v5 =	vtrunc.f32 v5  }
0x3c7: {  	[tilespmem:v17+s26+$0x0] =	vst.idx.add.f32.msk $0xffff, v1;
	v6 =	vadd.s32 v2, v6;
	v5 =	vcvt.f32.s32 v5  }
0x3c8: {  	[tilespmem:v63+s26+$0x0] =	vst.idx.add.f32.msk $0xffff, v1;
	v3 =	vadd.s32 v2, v3  }
0x3c9: {  	[tilespmem:v7+s26+$0x0] =	vst.idx.add.f32.msk $0xffff, v1;
	v5 =	vadd.s32 v2, v5  }
0x3ca: {  	[tilespmem:v4+s26+$0x0] =	vst.idx.add.f32.msk $0xffff, v1  }
0x3cb: {  	[tilespmem:v8+s26+$0x0] =	vst.idx.add.f32.msk $0xffff, v1  }
0x3cc: {  	[tilespmem:v6+s26+$0x0] =	vst.idx.add.f32.msk $0xffff, v1  }
0x3cd: {  	[tilespmem:v3+s26+$0x0] =	vst.idx.add.f32.msk $0xffff, v1  }
0x3ce: {  	s8 =	simm.s32 $0x12010;
	[tilespmem:v5+s26+$0x0] =	vst.idx.add.f32.msk $0xffff, v1  }
0x3cf: {  	v3 =	vld [tilespmem:s8+$0xFFFFE000]  }
0x3d0: {  	v4 =	vld [tilespmem:s8+$0xFFFFDFF0]  }
0x3d1: {  	s2 =	sand.u32 $0x3E0, s31;
	v5 =	vld [tilespmem:s8+$0xFFFFE400]  }
0x3d2: {  	v6 =	vld [tilespmem:s2+$0x10400]  }
0x3d3: {  	v7 =	vld [tilespmem:s8+$0xFFFFE800]  }
0x3d4: {  	v8 =	vld [tilespmem:s2+$0x10800];
	v3 =	vadd.f32 $0.0e+00, v3  }
0x3d5: {  	v9 =	vld [tilespmem:s8+$0xFFFFEC00]  }
0x3d6: {  	v10 =	vld [tilespmem:s2+$0x10C00];
	v4 =	vadd.f32 $0.0e+00, v4;
	v3 =	vadd.f32 v5, v3  }
0x3d7: {  	v5 =	vld [tilespmem:s8+$0xFFFFF000]  }
0x3d8: {  	v4 =	vadd.f32 v6, v4;
	v6 =	vld [tilespmem:s2+$0x11000];
	v3 =	vadd.f32 v7, v3  }
0x3d9: {  	v7 =	vld [tilespmem:s8+$0xFFFFF400]  }
0x3da: {  	v4 =	vadd.f32 v8, v4;
	v8 =	vld [tilespmem:s2+$0x11400];
	v3 =	vadd.f32 v9, v3  }
0x3db: {  	v9 =	vld [tilespmem:s8+$0xFFFFF800]  }
0x3dc: {  	v4 =	vadd.f32 v10, v4;
	v10 =	vld [tilespmem:s2+$0x11800];
	v3 =	vadd.f32 v5, v3  }
0x3dd: {  	v5 =	vld [tilespmem:s8+$0xFFFFFC00]  }
0x3de: {  	v4 =	vadd.f32 v6, v4;
	v6 =	vld [tilespmem:s2+$0x11C00];
	v3 =	vadd.f32 v7, v3  }
0x3df: {  	v7 =	vld [tilespmem:s8+$0x0]  }
0x3e0: {  	v4 =	vadd.f32 v8, v4;
	v8 =	vld [tilespmem:s2+$0x12000];
	v3 =	vadd.f32 v9, v3  }
0x3e1: {  	v9 =	vld [tilespmem:s8+$0x400]  }
0x3e2: {  	v4 =	vadd.f32 v10, v4;
	v10 =	vld [tilespmem:s2+$0x12400];
	v3 =	vadd.f32 v5, v3  }
0x3e3: {  	v5 =	vld [tilespmem:s8+$0x800]  }
0x3e4: {  	v4 =	vadd.f32 v6, v4;
	v6 =	vld [tilespmem:s2+$0x12800];
	v3 =	vadd.f32 v7, v3  }
0x3e5: {  	v7 =	vld [tilespmem:s8+$0xC00]  }
0x3e6: {  	v4 =	vadd.f32 v8, v4;
	v8 =	vld [tilespmem:s2+$0x12C00];
	v3 =	vadd.f32 v9, v3  }
0x3e7: {  	v9 =	vld [tilespmem:s8+$0x1000]  }
0x3e8: {  	v11 =	vld [tilespmem:s8+$0x1400];
	v4 =	vadd.f32 v10, v4;
	v3 =	vadd.f32 v5, v3  }
0x3e9: {  	p1 =	por $0x1, $0x1;
	v10 =	vld [tilespmem:s2+$0x13000]  }
.Ltmp9:
0x3ea: {  	v4 =	vadd.f32 v6, v4;
	v5 =	vld [tilespmem:s2+$0x13400];
	v6 =	vadd.f32 v7, v3;
	(pc) =	sbr.rel @!p1 .LBB2_20-.Ltmp9, $4  }
0x3eb: {  	v3 =	vld [tilespmem:s8+$0x1800]  }
0x3ec: {  	v7 =	vadd.f32 v8, v4;
	v4 =	vld [tilespmem:s2+$0x13800];
	v8 =	vadd.f32 v9, v6  }
0x3ed: {  	v6 =	vld [tilespmem:s8+$0x1C00]  }
0x3ee: {  	s1 =	simm.s32 $0x14010;
	s5 =	simm.s32 $0x12030;
	p0 =	por $0x0, $0x0;
	v9 =	vadd.f32 v10, v7;
	v7 =	vld [tilespmem:s2+$0x13C00];
	v8 =	vadd.f32 v11, v8  }
0x3ef: {  	v10 =	vld [tilespmem:s5+$0xFFFFE000]  }
0x3f0: {  	v11 =	vld [tilespmem:s5+$0xFFFFDFF0];
	s2 =	simm.s32 $0x20  }
0x3f1: {  	v12 =	vld [tilespmem:s5+$0xFFFFE400];
	s6 =	sand.u32 $0x3E0, s2  }
0x3f2: {  	v13 =	vld [tilespmem:s6+$0x10400]  }
0x3f3: {  	v14 =	vld [tilespmem:s5+$0xFFFFE800]  }
0x3f4: {  	v15 =	vld [tilespmem:s6+$0x10800];
	v10 =	vadd.f32 $0.0e+00, v10  }
0x3f5: {  	v16 =	vld [tilespmem:s5+$0xFFFFEC00];
	v11 =	vadd.f32 $0.0e+00, v11  }
0x3f6: {  	v17 =	vld [tilespmem:s6+$0x10C00];
	v10 =	vadd.f32 v12, v10  }
0x3f7: {  	v47 =	vld [tilespmem:s5+$0xFFFFF000];
	v11 =	vadd.f32 v13, v11  }
0x3f8: {  	v48 =	vld [tilespmem:s6+$0x11000];
	v10 =	vadd.f32 v14, v10  }
0x3f9: {  	v49 =	vld [tilespmem:s5+$0xFFFFF400];
	v11 =	vadd.f32 v15, v11  }
0x3fa: {  	v50 =	vld [tilespmem:s6+$0x11400];
	v10 =	vadd.f32 v16, v10  }
0x3fb: {  	v51 =	vld [tilespmem:s5+$0xFFFFF800];
	v11 =	vadd.f32 v17, v11  }
0x3fc: {  	v52 =	vld [tilespmem:s6+$0x11800];
	v10 =	vadd.f32 v47, v10  }
0x3fd: {  	v53 =	vld [tilespmem:s5+$0xFFFFFC00];
	v11 =	vadd.f32 v48, v11  }
0x3fe: {  	v54 =	vld [tilespmem:s6+$0x11C00];
	v10 =	vadd.f32 v49, v10  }
0x3ff: {  	v55 =	vld [tilespmem:s5+$0x0];
	v11 =	vadd.f32 v50, v11  }
0x400: {  	v56 =	vld [tilespmem:s6+$0x12000];
	v10 =	vadd.f32 v51, v10  }
0x401: {  	v57 =	vld [tilespmem:s5+$0x400];
	v11 =	vadd.f32 v52, v11  }
0x402: {  	v58 =	vld [tilespmem:s6+$0x12400];
	v10 =	vadd.f32 v53, v10  }
0x403: {  	v59 =	vld [tilespmem:s5+$0x800];
	v11 =	vadd.f32 v54, v11  }
0x404: {  	v60 =	vld [tilespmem:s6+$0x12800];
	v10 =	vadd.f32 v55, v10  }
0x405: {  	v61 =	vld [tilespmem:s5+$0xC00];
	v11 =	vadd.f32 v56, v11  }
0x406: {  	v62 =	vld [tilespmem:s6+$0x12C00];
	v10 =	vadd.f32 v57, v10  }
0x407: {  	v5 =	vadd.f32 v5, v9;
	v9 =	vld [tilespmem:s5+$0x1000];
	v11 =	vadd.f32 v58, v11  }
0x408: {  	v63 =	vld [tilespmem:s6+$0x13000];
	v10 =	vadd.f32 v59, v10  }
0x409: {  	p1 =	por $0x1, $0x1;
	v3 =	vadd.f32 v3, v8;
	v8 =	vld [tilespmem:s5+$0x1400];
	v11 =	vadd.f32 v60, v11  }
.Ltmp10:
0x40a: {  	v4 =	vadd.f32 v4, v5;
	v5 =	vld [tilespmem:s6+$0x13400];
	v10 =	vadd.f32 v61, v10;
	(pc) =	sbr.rel @!p1 .LBB2_22-.Ltmp10, $4  }
0x40b: {  	v6 =	vadd.f32 v6, v3;
	v3 =	vld [tilespmem:s5+$0x1800];
	v11 =	vadd.f32 v62, v11  }
0x40c: {  	v7 =	vadd.f32 v7, v4;
	v4 =	vld [tilespmem:s6+$0x13800];
	v10 =	vadd.f32 v9, v10  }
0x40d: {  	s4 =	simm.s32 $0x2;
	[tilespmem:s1+$0x0] =	vst v6;
	v6 =	vld [tilespmem:s5+$0x1C00];
	v9 =	vadd.f32 v63, v11  }
0x40e: {  	p0 =	por $0x1, $0x1;
	s5 =	simm.s32 $0x14010;
	[tilespmem:s1+$0xFFFFFFF0] =	vst v7;
	v7 =	vld [tilespmem:s6+$0x13C00];
	s6 =	simm.s32 $0x12050;
	v8 =	vadd.f32 v8, v10  }
.LBB2_23:
0x40f: {  	v10 =	vld [tilespmem:s6+$0xFFFFE000];
	s4 =	sadd.s32 $0x2, s4;
	v5 =	vadd.f32 v5, v9  }
0x410: {  	s2 =	sadd.s32 $0x20, s2;
	v9 =	vld [tilespmem:s6+$0xFFFFDFF0];
	p1 =	slt.u32 s4, $0x3E;
	v3 =	vadd.f32 v3, v8  }
0x411: {  	s31 =	sand.u32 $0x3E0, s2;
	v8 =	vld [tilespmem:s6+$0xFFFFE400];
	v4 =	vadd.f32 v4, v5  }
0x412: {  	v5 =	vld [tilespmem:s31+$0x10400];
	v3 =	vadd.f32 v6, v3  }
0x413: {  	s5 =	sadd.s32 $0x20, s5;
	v6 =	vld [tilespmem:s6+$0xFFFFE800];
	v4 =	vadd.f32 v7, v4  }
0x414: {  	v7 =	vld [tilespmem:s31+$0x10800];
	v10 =	vadd.f32 $0.0e+00, v10;
	[tilespmem:s5+$0x0] =	vst v3  }
0x415: {  	v3 =	vadd.f32 $0.0e+00, v9;
	v9 =	vld [tilespmem:s6+$0xFFFFEC00];
	[tilespmem:s5+$0xFFFFFFF0] =	vst v4  }
0x416: {  	v4 =	vld [tilespmem:s31+$0x10C00];
	v8 =	vadd.f32 v8, v10  }
0x417: {  	v3 =	vadd.f32 v5, v3;
	v5 =	vld [tilespmem:s6+$0xFFFFF000]  }
0x418: {  	v10 =	vld [tilespmem:s31+$0x11000];
	v6 =	vadd.f32 v6, v8  }
0x419: {  	v3 =	vadd.f32 v7, v3;
	v7 =	vld [tilespmem:s6+$0xFFFFF400]  }
0x41a: {  	v8 =	vld [tilespmem:s31+$0x11400];
	v6 =	vadd.f32 v9, v6  }
0x41b: {  	v3 =	vadd.f32 v4, v3;
	v4 =	vld [tilespmem:s6+$0xFFFFF800]  }
0x41c: {  	v9 =	vld [tilespmem:s31+$0x11800];
	v5 =	vadd.f32 v5, v6  }
0x41d: {  	v3 =	vadd.f32 v10, v3;
	v6 =	vld [tilespmem:s6+$0xFFFFFC00]  }
0x41e: {  	v10 =	vld [tilespmem:s31+$0x11C00];
	v5 =	vadd.f32 v7, v5  }
0x41f: {  	v3 =	vadd.f32 v8, v3;
	v7 =	vld [tilespmem:s6+$0x0]  }
0x420: {  	v8 =	vld [tilespmem:s31+$0x12000];
	v4 =	vadd.f32 v4, v5  }
0x421: {  	v3 =	vadd.f32 v9, v3;
	v5 =	vld [tilespmem:s6+$0x400]  }
0x422: {  	v9 =	vld [tilespmem:s31+$0x12400];
	v4 =	vadd.f32 v6, v4  }
0x423: {  	v3 =	vadd.f32 v10, v3;
	v6 =	vld [tilespmem:s6+$0x800]  }
0x424: {  	v10 =	vld [tilespmem:s31+$0x12800];
	v4 =	vadd.f32 v7, v4  }
0x425: {  	v3 =	vadd.f32 v8, v3;
	v7 =	vld [tilespmem:s6+$0xC00]  }
0x426: {  	v8 =	vld [tilespmem:s31+$0x12C00];
	v4 =	vadd.f32 v5, v4  }
0x427: {  	v3 =	vadd.f32 v9, v3;
	v9 =	vld [tilespmem:s6+$0x1000]  }
0x428: {  	v11 =	vld [tilespmem:s31+$0x13000];
	v4 =	vadd.f32 v6, v4  }
0x429: {  	v3 =	vadd.f32 v10, v3;
	v10 =	vld [tilespmem:s6+$0x1400]  }
.Ltmp11:
0x42a: {  	v5 =	vld [tilespmem:s31+$0x13400];
	v6 =	vadd.f32 v7, v4;
	(pc) =	sbr.rel @p1 .LBB2_23-.Ltmp11, $4  }
0x42b: {  	v7 =	vadd.f32 v8, v3;
	v3 =	vld [tilespmem:s6+$0x1800]  }
0x42c: {  	v4 =	vld [tilespmem:s31+$0x13800];
	v8 =	vadd.f32 v9, v6  }
0x42d: {  	v9 =	vadd.f32 v11, v7;
	v6 =	vld [tilespmem:s6+$0x1C00]  }
0x42e: {  	s6 =	sadd.s32 $0x20, s6;
	v7 =	vld [tilespmem:s31+$0x13C00];
	v8 =	vadd.f32 v10, v8  }
.LBB2_24:
0x42f: {  	v5 =	vadd.f32 v5, v9  }
0x430: {  	v3 =	vadd.f32 v3, v8  }
0x431: {  	v4 =	vadd.f32 v4, v5  }
0x432: {  	s2 =	sadd.s32 @p0 $0x20, s5;
	v3 =	vadd.f32 v6, v3  }
0x433: {  	s1 =	smov.u32 @p0 s2;
	v4 =	vadd.f32 v7, v4  }
0x434: {  	s8 =	simm.s32 $0x80;
	s30 =	sadd.s32 $0x1, s30;
	[tilespmem:s1+$0x0] =	vst v3  }
0x435: {  	s31 =	simm.s32 $0x400;
	s4 =	simm.s32 $0x14000;
	p0 =	sne.s32 s30, s21;
	[tilespmem:s1+$0xFFFFFFF0] =	vst v4  }
0x436: {  	[hbm4b:s20+s8] =	stream.strided.scatter [tilespmem:s4], [sflag:$0x5], $0x400, s31, s8, $0x38;
	[tilespmem:$0x14400] =	vst v63  }
.Ltmp12:
0x437: {  	_ = 	snop;
	(pc) =	sbr.rel @p0 .LBB2_1-.Ltmp12, $4  }
.Ltmp13:
0x438: {  	_ = 	snop;
	(pc) =	sbr.rel @!p0 .LBB2_25-.Ltmp13, $4  }
0x439: {  	_ =	swait.ge [sflag:s0], $0x400  }
0x43a: {  	[sflag:s0] =	ssyncset.done $0x0  }
0x43b: {  	[sflag:s0] =	ssyncadd.s32 $0xFFFFFC00  }
0x43c: {  	_ = 	snop  }
.LBB2_20:
.Ltmp14:
0x43d: {  	(pc) =	sbr.rel .LBB2_24-.Ltmp14, $2  }
0x43e: {  	_ =	sdelay $0x2  }
0x43f: {  	s5 =	simm.s32 $0x14010  }
.LBB2_22:
.Ltmp15:
0x440: {  	(pc) =	sbr.rel .LBB2_24-.Ltmp15, $2  }
0x441: {  	_ =	sdelay $0x2  }
0x442: {  	s5 =	simm.s32 $0x14010  }
.LBB2_25:
0x443: {  	_ =	sfence.sel $0x180000  }
0x444: {  	[bflag:$0x0] =	sbarrier.arrive $0xFFFF  }
0x445: {  	_ =	strace $0x90000047  }
0x446: {  	s0 =	stileid.u32;
	[bflag:$0x2] =	sbarrier.arrive $0xFFFF  }
0x447: {  	p0 =	sne.s32 s0, $0x0;
	s0 =	rddreg [dreg:$0x3]  }
0x448: {  	s0 =	sadd.s32 @!p0 $0x100000, s0  }
0x449: {  	[sflag:s0] =	ssyncadd.tile.s32 @!p0 $0x1;
	_ =	shalt  }
.Lfunc_end2:
_tile_overlayer_lowered:
.L_overlay_start_2:
0x44a: {  	(tag) =	ssettag $0x2  }
0x44b: {  	s0 =	rddreg [dreg:$0x0];
	s2 =	stileid.u32  }
0x44c: {  	s1 =	rddreg [dreg:$0x1];
	p0 =	sne.s32 s2, $0x0  }
0x44d: {  	s3 =	rddreg [dreg:$0x2];
	[bflag:$0x3] =	sbarrier.arrive $0xFFFF;
	s2 =	simm.s32 @!p0 $0x1C05  }
0x44e: {  	[timem:s3], [sflag:s2] =	dma.local @!p0 [hbm:s0], s1  }
0x44f: {  	s0 =	simm.s32 @!p0 $0x5  }
0x450: {  	_ =	swait.ge @!p0 [sflag:s0], s1  }
0x451: {  	s1 =	ssub.s32 @!p0 $0x0, s1;
	[sflag:s0] =	ssyncset.done @!p0 $0x0  }
0x452: {  	[sflag:s0] =	ssyncadd.s32 @!p0 s1  }
0x453: {  	[bflag:$0x3] =	sbarrier.arrive $0xFFFF  }
0x454: {  	_ =	shalt  }

</sc_bundles>
